<compile_context>
chip_gen: v7x
topology: tpu7x:2x2x1
jax: 0.10.2.dev20260603
libtpu: 0.0.44.dev20260713+nightly
codegen_flags: <defaults>
</compile_context>

<pallas_src>
import functools

import jax
import jax.numpy as jnp
from jax import lax
from jax.experimental import pallas as pl
from jax.experimental.pallas import tpu as pltpu
from jax.experimental.pallas import tpu_sc as plsc

N = 10000
E = 320000
D_NODE = 128
D_EDGE = 16
H = 32
P = 5000

NC = 2
NS = 16
NW = NC * NS
SE = 80
NCHE = E // SE
CPT = NCHE // NW
EPT = E // NW
PS = 128
P_PAD = 5120
NCHUNK_P = P_PAD // PS

STRIPE = 624
LAST_STRIPE = 640

_EDGE_BLK = 32000
_mesh = plsc.VectorSubcoreMesh(core_axis_name="c", subcore_axis_name="s")



def _tc_nodes_body(nf_ref, wnt_ref, bn_ref, wc1t_ref, ne_ref, a_ref):
    ne = jnp.maximum(
        jnp.dot(nf_ref[...], wnt_ref[...], preferred_element_type=jnp.float32)
        + bn_ref[...], 0.0)
    ne_ref[...] = ne
    a_ref[...] = jnp.dot(ne, wc1t_ref[...], preferred_element_type=jnp.float32)


_tc_nodes = pl.pallas_call(
    _tc_nodes_body,
    out_shape=(jax.ShapeDtypeStruct((N, H), jnp.float32),
               jax.ShapeDtypeStruct((N, H), jnp.float32)),
)


_QB = _EDGE_BLK // 4
_CPB = _EDGE_BLK // SE
_MPG = _QB // SE


def _tc_edges_body(eat_ref, wet_ref, be_ref, wc2t_ref, bc_ref, b_ref):
    for j in range(4):
        xj = eat_ref[:, pl.ds(j * _QB, _QB)]
        ee = jnp.maximum(
            jax.lax.dot_general(xj, wet_ref[...], (((0,), (0,)), ((), ())),
                                preferred_element_type=jnp.float32)
            + be_ref[...], 0.0)
        b_ref[:, pl.ds(j * H, H)] = (
            jnp.dot(ee, wc2t_ref[...], preferred_element_type=jnp.float32)
            + bc_ref[...])


EH = E // 2
_HBLK = EH // _EDGE_BLK


def _make_tc_edges(phase):
    return pl.pallas_call(
        _tc_edges_body,
        grid=(_HBLK,),
        in_specs=[
            pl.BlockSpec((D_EDGE, _EDGE_BLK),
                         lambda i: (0, i + phase * _HBLK)),
            pl.BlockSpec((D_EDGE, H), lambda i: (0, 0)),
            pl.BlockSpec((1, H), lambda i: (0, 0)),
            pl.BlockSpec((H, H), lambda i: (0, 0)),
            pl.BlockSpec((1, H), lambda i: (0, 0)),
        ],
        out_specs=pl.BlockSpec((_QB, 128), lambda i: (i, 0)),
        out_shape=jax.ShapeDtypeStruct((EH // 4, 128), jnp.float32),
    )


_tc_edges0 = _make_tc_edges(0)
_tc_edges1 = _make_tc_edges(1)


def _tc_combine_body(ne_ref, p_ref, y_ref):
    y = ne_ref[...] + p_ref[0] + p_ref[1]
    y_ref[...] = jnp.concatenate(
        [y, jnp.zeros((N, 128 - H), jnp.float32)], axis=1)


_tc_combine = pl.pallas_call(
    _tc_combine_body,
    out_shape=jax.ShapeDtypeStruct((N, 128), jnp.float32),
)


def _tc_head_body(post_ref, wot_ref, bo_ref, out_ref):
    logits = (jnp.dot(post_ref[...], wot_ref[...],
                      preferred_element_type=jnp.float32) + bo_ref[...])
    out_ref[...] = jax.nn.sigmoid(logits)


_tc_head = pl.pallas_call(
    _tc_head_body,
    out_shape=jax.ShapeDtypeStruct((P, 1), jnp.float32),
)



NCH_H = EH // SE
CPT_H = NCH_H // NW
LEFT_H = NCH_H - CPT_H * NW
EPT_H = CPT_H * SE
IDXB = EPT_H + SE


def _make_sc_messages(phase):
    eoff = phase * EH

    def body(a_hbm, b_hbm, src_hbm, dst_hbm, *rest):
        if phase == 0:
            out_hbm = rest[0]
            scratch = rest[1:]
        else:
            pin_hbm, out_hbm = rest[0], rest[1]
            scratch = rest[2:]
        (src_all, dst_all, b0, b1, zbuf_v, msg_sh, a_sh,
         sb0, sb1, sg0, sg1, ss0, ss1) = scratch
        cid = lax.axis_index("c")
        sid = lax.axis_index("s")
        wid = sid * NC + cid

        @pl.when(sid < NS - 1)
        def _a_main():
            off = pl.multiple_of(sid * STRIPE, 8)
            pltpu.sync_copy(a_hbm.at[pl.ds(off, STRIPE), :],
                            a_sh.at[pl.ds(off, STRIPE), :])

        @pl.when(sid == NS - 1)
        def _a_last():
            off = (NS - 1) * STRIPE
            pltpu.sync_copy(a_hbm.at[pl.ds(off, LAST_STRIPE), :],
                            a_sh.at[pl.ds(off, LAST_STRIPE), :])

        if phase == 0:
            def _zb(i, carry):
                zbuf_v[i, pl.ds(0, 16)] = jnp.zeros((16,), jnp.float32)
                zbuf_v[i, pl.ds(16, 16)] = jnp.zeros((16,), jnp.float32)
                return carry

            lax.fori_loop(0, LAST_STRIPE, _zb, 0)

            @pl.when(sid < NS - 1)
            def _z_main():
                off = pl.multiple_of(sid * STRIPE, 8)
                pltpu.sync_copy(zbuf_v.at[pl.ds(0, STRIPE), :],
                                msg_sh.at[pl.ds(off, STRIPE), :])

            @pl.when(sid == NS - 1)
            def _z_last():
                pltpu.sync_copy(zbuf_v,
                                msg_sh.at[pl.ds((NS - 1) * STRIPE,
                                                LAST_STRIPE), :])
        else:
            @pl.when(sid < NS - 1)
            def _i_main():
                off = pl.multiple_of(sid * STRIPE, 8)
                pltpu.sync_copy(pin_hbm.at[cid, pl.ds(off, STRIPE), :],
                                msg_sh.at[pl.ds(off, STRIPE), :])

            @pl.when(sid == NS - 1)
            def _i_last():
                off = (NS - 1) * STRIPE
                pltpu.sync_copy(pin_hbm.at[cid, pl.ds(off, LAST_STRIPE), :],
                                msg_sh.at[pl.ds(off, LAST_STRIPE), :])

        plsc.subcore_barrier()

        base_t = wid * CPT_H
        ebase = pl.multiple_of(eoff + wid * EPT_H, 8)
        pltpu.sync_copy(src_hbm.at[pl.ds(ebase, EPT_H)],
                        src_all.at[pl.ds(0, EPT_H)])
        pltpu.sync_copy(dst_hbm.at[pl.ds(ebase, EPT_H)],
                        dst_all.at[pl.ds(0, EPT_H)])

        @pl.when(wid < LEFT_H)
        def _lidx():
            tb = pl.multiple_of(eoff + NW * EPT_H + wid * SE, 8)
            pltpu.sync_copy(src_hbm.at[pl.ds(tb, SE)],
                            src_all.at[pl.ds(EPT_H, SE)])
            pltpu.sync_copy(dst_hbm.at[pl.ds(tb, SE)],
                            dst_all.at[pl.ds(EPT_H, SE)])

        def _fire_load(t, buf, sem):
            i = t // _CPB
            rm = t % _CPB
            j = rm // _MPG
            m = rm % _MPG
            r0 = i * _QB + m * SE
            pltpu.async_copy(b_hbm.at[pl.ds(r0, SE), pl.ds(j * H, H)],
                             buf, sem)

        def _wait_load(buf, sem):
            pltpu.make_async_copy(b_hbm.at[pl.ds(0, SE), pl.ds(0, H)], buf,
                                  sem).wait()

        def _src_slice(l):
            return src_all.at[pl.ds(pl.multiple_of(l * SE, 8), SE)]

        def _dst_slice(l):
            return dst_all.at[pl.ds(pl.multiple_of(l * SE, 8), SE)]

        _fire_load(base_t, b0, sb0)
        _fire_load(base_t + 1, b1, sb1)

        def _body(k, carry):
            t0 = base_t + 2 * k
            _wait_load(b0, sb0)
            pltpu.async_copy(a_sh.at[_src_slice(2 * k)], b0, sg0,
                             add=True).wait()
            sc0 = pltpu.async_copy(b0, msg_sh.at[_dst_slice(2 * k)], ss0,
                                   add=True)
            _wait_load(b1, sb1)
            pltpu.async_copy(a_sh.at[_src_slice(2 * k + 1)], b1, sg1,
                             add=True).wait()
            sc1 = pltpu.async_copy(b1, msg_sh.at[_dst_slice(2 * k + 1)], ss1,
                                   add=True)
            sc0.wait()
            _fire_load(jnp.minimum(t0 + 2, NCH_H - 1), b0, sb0)
            sc1.wait()
            _fire_load(jnp.minimum(t0 + 3, NCH_H - 1), b1, sb1)
            return carry

        lax.fori_loop(0, CPT_H // 2, _body, 0)
        _wait_load(b0, sb0)
        _wait_load(b1, sb1)

        @pl.when(wid < LEFT_H)
        def _tail():
            t = NW * CPT_H + wid
            i = t // _CPB
            rm = t % _CPB
            j = rm // _MPG
            m = rm % _MPG
            r0 = i * _QB + m * SE
            pltpu.sync_copy(b_hbm.at[pl.ds(r0, SE), pl.ds(j * H, H)], b0)
            pltpu.async_copy(a_sh.at[_src_slice(CPT_H)], b0, sg0,
                             add=True).wait()
            pltpu.async_copy(b0, msg_sh.at[_dst_slice(CPT_H)], ss0,
                             add=True).wait()

        plsc.subcore_barrier()

        @pl.when(sid < NS - 1)
        def _d_main():
            off = pl.multiple_of(sid * STRIPE, 8)
            pltpu.sync_copy(msg_sh.at[pl.ds(off, STRIPE), :],
                            out_hbm.at[cid, pl.ds(off, STRIPE), :])

        @pl.when(sid == NS - 1)
        def _d_last():
            pltpu.sync_copy(
                msg_sh.at[pl.ds((NS - 1) * STRIPE, LAST_STRIPE), :],
                out_hbm.at[cid, pl.ds((NS - 1) * STRIPE, LAST_STRIPE), :])

    return pl.kernel(
        body,
        out_type=jax.ShapeDtypeStruct((NC, N, H), jnp.float32),
        mesh=_mesh,
        compiler_params=pltpu.CompilerParams(use_tc_tiling_on_sc=False),
        scratch_types=[
            pltpu.VMEM((IDXB,), jnp.int32),
            pltpu.VMEM((IDXB,), jnp.int32),
            pltpu.VMEM((SE, H), jnp.float32),
            pltpu.VMEM((SE, H), jnp.float32),
            pltpu.VMEM((LAST_STRIPE, H), jnp.float32),
            pltpu.VMEM_SHARED((N, H), jnp.float32),
            pltpu.VMEM_SHARED((N, H), jnp.float32),
            pltpu.SemaphoreType.DMA,
            pltpu.SemaphoreType.DMA,
            pltpu.SemaphoreType.DMA,
            pltpu.SemaphoreType.DMA,
            pltpu.SemaphoreType.DMA,
            pltpu.SemaphoreType.DMA,
        ],
    )


_sc_messages0 = _make_sc_messages(0)
_sc_messages1 = _make_sc_messages(1)


@functools.partial(
    pl.kernel,
    out_type=jax.ShapeDtypeStruct((P_PAD, 128), jnp.float32),
    mesh=_mesh,
    compiler_params=pltpu.CompilerParams(use_tc_tiling_on_sc=False),
    scratch_types=[
        pltpu.VMEM((PS,), jnp.int32),
        pltpu.VMEM((PS, 128), jnp.float32),
        pltpu.SemaphoreType.DMA,
    ],
)
def _sc_post_gather(y_hbm, pm_hbm, out_hbm, pm_v, rows_v, sem):
    cid = lax.axis_index("c")
    sid = lax.axis_index("s")
    wid = sid * NC + cid

    def _do(chunk):
        off = pl.multiple_of(chunk * PS, 8)
        pltpu.sync_copy(pm_hbm.at[pl.ds(off, PS)], pm_v)
        pltpu.async_copy(y_hbm.at[pm_v], rows_v, sem).wait()
        pltpu.sync_copy(rows_v, out_hbm.at[pl.ds(off, PS), :])

    _do(wid)

    @pl.when(wid < NCHUNK_P - NW)
    def _tail():
        _do(wid + NW)



def kernel(node_features, edge_index, edge_attr, post_mask,
           W_node, b_node, W_edge, b_edge, W_conv, b_conv, W_out, b_out):
    wnt = W_node.T
    wet = W_edge.T
    wc1t = W_conv[:, :H].T
    wc2t = W_conv[:, H:].T
    wot = W_out.T
    bn = b_node.reshape(1, H)
    be = b_edge.reshape(1, H)
    bc = b_conv.reshape(1, H)
    bo = b_out.reshape(1, 1)

    node_emb, a_rows = _tc_nodes(node_features, wnt, bn, wc1t)
    ea_t = edge_attr.T
    src1 = edge_index[0]
    dst1 = edge_index[1]
    b_half0 = _tc_edges0(ea_t, wet, be, wc2t, bc)
    p0 = _sc_messages0(a_rows, b_half0, src1, dst1)
    b_half1 = _tc_edges1(ea_t, wet, be, wc2t, bc)
    partials = _sc_messages1(a_rows, b_half1, src1, dst1, p0)

    y = _tc_combine(node_emb, partials)
    pm_pad = jnp.concatenate(
        [post_mask, jnp.zeros((P_PAD - P,), dtype=post_mask.dtype)])
    post_full = _sc_post_gather(y, pm_pad)
    out = _tc_head(post_full[:P, :H], wot, bo)
    return out.reshape(P)

# --- scband reference (transcript-rebuilt; emitter-appended) ---
"""Pipeline reference for scband-simplified-tgn-17540646437558 (READ-ONLY COPY).

The authoritative reference and input builder live on the scoring server;
editing this copy changes nothing except your own understanding.
"""

import jax, jax.numpy as jnp
import numpy as np

N = 10000
E = 320000
D_NODE = 128
D_EDGE = 16
H = 32
OUT = 1
P = 5000


def setup_inputs(seed: int = 0) -> dict:
    key = jax.random.key(seed)
    ks = jax.random.split(key, 12)
    node_features = jax.random.normal(ks[0], (N, D_NODE), dtype=jnp.float32)
    edge_index = jax.random.randint(ks[1], (2, E), 0, N, dtype=jnp.int32)
    edge_attr = jax.random.normal(ks[2], (E, D_EDGE), dtype=jnp.float32)
    post_mask = jax.random.randint(ks[3], (P,), 0, N, dtype=jnp.int32)
    s = 0.05
    W_node = jax.random.normal(ks[4], (H, D_NODE), dtype=jnp.float32) * s
    b_node = jnp.zeros((H,), dtype=jnp.float32)
    W_edge = jax.random.normal(ks[5], (H, D_EDGE), dtype=jnp.float32) * s
    b_edge = jnp.zeros((H,), dtype=jnp.float32)
    W_conv = jax.random.normal(ks[6], (H, 2 * H), dtype=jnp.float32) * s
    b_conv = jnp.zeros((H,), dtype=jnp.float32)
    W_out = jax.random.normal(ks[7], (OUT, H), dtype=jnp.float32) * s
    b_out = jnp.zeros((OUT,), dtype=jnp.float32)
    return {
        "node_features": node_features,
        "edge_index": edge_index,
        "edge_attr": edge_attr,
        "post_mask": post_mask,
        "W_node": W_node, "b_node": b_node,
        "W_edge": W_edge, "b_edge": b_edge,
        "W_conv": W_conv, "b_conv": b_conv,
        "W_out": W_out, "b_out": b_out,
    }


def reference(node_features, edge_index, edge_attr, post_mask,
              W_node, b_node, W_edge, b_edge, W_conv, b_conv, W_out, b_out):
    # node/edge encoders + relu
    node_emb = jax.nn.relu(node_features @ W_node.T + b_node)
    edge_emb = jax.nn.relu(edge_attr @ W_edge.T + b_edge)
    src = edge_index[0]
    dst = edge_index[1]
    # vectorized form of the per-edge loop: for each edge, conv(cat([h[src], e])),
    # scatter-added into messages[dst] (bias b_conv added once per incoming edge,
    # matching the original loop semantics)
    msg_in = jnp.concatenate([jnp.take(node_emb, src, axis=0), edge_emb], axis=1)
    msg = msg_in @ W_conv.T + b_conv
    messages = jnp.zeros_like(node_emb).at[dst].add(msg)
    node_emb = node_emb + messages
    post = jnp.take(node_emb, post_mask, axis=0)
    logits = (post @ W_out.T + b_out).squeeze(-1)
    return jax.nn.sigmoid(logits)

if __name__ == "__main__":
    import jax
    _d = setup_inputs()
    print(jax.jit(kernel)(*tuple(_d.values())))

</pallas_src>

<mosaic_0001>
#map = affine_map<(d0, d1) -> (0, 0)>
#map1 = affine_map<(d0, d1) -> (0)>
#map2 = affine_map<(d0, d1) -> (0, 0, 0)>
module attributes {stable_mosaic.version = 14 : i64} {
  func.func @body(%arg0: i32, %arg1: i32, %arg2: memref<10000x32xf32, #tpu.memory_space<hbm>>, %arg3: memref<40000x128xf32, #tpu.memory_space<hbm>>, %arg4: memref<320000xi32, #tpu.memory_space<hbm>>, %arg5: memref<320000xi32, #tpu.memory_space<hbm>>, %arg6: memref<2x10000x32xf32, #tpu.memory_space<hbm>>, %arg7: memref<5040xi32, #tpu.memory_space<vmem>>, %arg8: memref<5040xi32, #tpu.memory_space<vmem>>, %arg9: memref<80x32xf32, #tpu.memory_space<vmem>>, %arg10: memref<80x32xf32, #tpu.memory_space<vmem>>, %arg11: memref<640x32xf32, #tpu.memory_space<vmem>>, %arg12: memref<10000x32xf32, #tpu.memory_space<vmem_shared>>, %arg13: memref<10000x32xf32, #tpu.memory_space<vmem_shared>>, %arg14: memref<!tpu.dma_semaphore, #tpu.memory_space<semaphore_mem>>, %arg15: memref<!tpu.dma_semaphore, #tpu.memory_space<semaphore_mem>>, %arg16: memref<!tpu.dma_semaphore, #tpu.memory_space<semaphore_mem>>, %arg17: memref<!tpu.dma_semaphore, #tpu.memory_space<semaphore_mem>>, %arg18: memref<!tpu.dma_semaphore, #tpu.memory_space<semaphore_mem>>, %arg19: memref<!tpu.dma_semaphore, #tpu.memory_space<semaphore_mem>>) attributes {dimension_semantics = [#tpu.dimension_semantics<core_parallel>, #tpu.dimension_semantics<subcore_parallel>], iteration_bounds = array<i64: 2, 16>, scalar_prefetch = 0 : i64, scratch_operands = 13 : i64, tpu.core_type = #tpu.core_type<sc_vector_subcore>, window_params = [{transform_indices = #map}, {transform_indices = #map}, {transform_indices = #map1}, {transform_indices = #map1}, {transform_indices = #map2}]} {
    %mul3A = arith.constant 2 : i32
    %mul3A_0 = arith.muli %arg1, %mul3A : i32
    %add3A = arith.addi %mul3A_0, %arg0 : i32
    %lt3A = arith.constant 15 : i32
    %lt3A_1 = arith.cmpi slt, %arg1, %lt3A : i32
    %convert_element_type3A = arith.extui %lt3A_1 : i1 to i32
    %cond3A = arith.constant 0 : i32
    %cond3A_2 = arith.cmpi ne, %convert_element_type3A, %cond3A : i32
    scf.if %cond3A_2 {
      %mul3A_237 = arith.constant 624 : i32
      %mul3A_238 = arith.muli %arg1, %mul3A_237 : i32
      %multiple_of3A_239 = tpu.assume_multiple %mul3A_238, 8 : i32
      "tpu.region"() ({
        %run_scoped3A = tpu.sem_alloc : memref<!tpu.dma_semaphore, #tpu.memory_space<semaphore_mem>>
        %dma_start3A_240 = arith.constant 0 : i32
        %dma_start3A_241 = tpu.memref_slice %arg13[%multiple_of3A_239, %dma_start3A_240] : memref<10000x32xf32, #tpu.memory_space<vmem_shared>> -> memref<624x32xf32, #tpu.memory_space<vmem_shared>>
        %dma_start3A_242 = arith.constant 0 : i32
        %dma_start3A_243 = tpu.memref_slice %arg2[%multiple_of3A_239, %dma_start3A_242] : memref<10000x32xf32, #tpu.memory_space<hbm>> -> memref<624x32xf32, #tpu.memory_space<hbm>>
        tpu.enqueue_dma source(%dma_start3A_243 : memref<624x32xf32, #tpu.memory_space<hbm>>) target(%dma_start3A_241 : memref<624x32xf32, #tpu.memory_space<vmem_shared>>) target_semaphore(%run_scoped3A : memref<!tpu.dma_semaphore, #tpu.memory_space<semaphore_mem>>)
        %dma_wait3A_244 = arith.constant 0 : i32
        %dma_wait3A_245 = tpu.memref_slice %arg13[%multiple_of3A_239, %dma_wait3A_244] : memref<10000x32xf32, #tpu.memory_space<vmem_shared>> -> memref<624x32xf32, #tpu.memory_space<vmem_shared>>
        %dma_wait3A_246 = arith.constant 0 : i32
        %dma_wait3A_247 = tpu.memref_slice %arg2[%multiple_of3A_239, %dma_wait3A_246] : memref<10000x32xf32, #tpu.memory_space<hbm>> -> memref<624x32xf32, #tpu.memory_space<hbm>>
        tpu.wait_dma2 semaphore(%run_scoped3A : memref<!tpu.dma_semaphore, #tpu.memory_space<semaphore_mem>>) src(%dma_wait3A_247 : memref<624x32xf32, #tpu.memory_space<hbm>>) dst(%dma_wait3A_245 : memref<624x32xf32, #tpu.memory_space<vmem_shared>>)
        tpu.yield
      }) : () -> ()
    } else {
    }
    %eq3A = arith.constant 15 : i32
    %eq3A_3 = arith.cmpi eq, %arg1, %eq3A : i32
    %convert_element_type3A_4 = arith.extui %eq3A_3 : i1 to i32
    %cond3A_5 = arith.constant 0 : i32
    %cond3A_6 = arith.cmpi ne, %convert_element_type3A_4, %cond3A_5 : i32
    scf.if %cond3A_6 {
      "tpu.region"() ({
        %run_scoped3A = tpu.sem_alloc : memref<!tpu.dma_semaphore, #tpu.memory_space<semaphore_mem>>
        %dma_start3A_237 = arith.constant 9360 : i32
        %dma_start3A_238 = arith.constant 0 : i32
        %dma_start3A_239 = tpu.memref_slice %arg13[%dma_start3A_237, %dma_start3A_238] : memref<10000x32xf32, #tpu.memory_space<vmem_shared>> -> memref<640x32xf32, #tpu.memory_space<vmem_shared>>
        %dma_start3A_240 = arith.constant 9360 : i32
        %dma_start3A_241 = arith.constant 0 : i32
        %dma_start3A_242 = tpu.memref_slice %arg2[%dma_start3A_240, %dma_start3A_241] : memref<10000x32xf32, #tpu.memory_space<hbm>> -> memref<640x32xf32, #tpu.memory_space<hbm>>
        tpu.enqueue_dma source(%dma_start3A_242 : memref<640x32xf32, #tpu.memory_space<hbm>>) target(%dma_start3A_239 : memref<640x32xf32, #tpu.memory_space<vmem_shared>>) target_semaphore(%run_scoped3A : memref<!tpu.dma_semaphore, #tpu.memory_space<semaphore_mem>>)
        %dma_wait3A_243 = arith.constant 9360 : i32
        %dma_wait3A_244 = arith.constant 0 : i32
        %dma_wait3A_245 = tpu.memref_slice %arg13[%dma_wait3A_243, %dma_wait3A_244] : memref<10000x32xf32, #tpu.memory_space<vmem_shared>> -> memref<640x32xf32, #tpu.memory_space<vmem_shared>>
        %dma_wait3A_246 = arith.constant 9360 : i32
        %dma_wait3A_247 = arith.constant 0 : i32
        %dma_wait3A_248 = tpu.memref_slice %arg2[%dma_wait3A_246, %dma_wait3A_247] : memref<10000x32xf32, #tpu.memory_space<hbm>> -> memref<640x32xf32, #tpu.memory_space<hbm>>
        tpu.wait_dma2 semaphore(%run_scoped3A : memref<!tpu.dma_semaphore, #tpu.memory_space<semaphore_mem>>) src(%dma_wait3A_248 : memref<640x32xf32, #tpu.memory_space<hbm>>) dst(%dma_wait3A_245 : memref<640x32xf32, #tpu.memory_space<vmem_shared>>)
        tpu.yield
      }) : () -> ()
    } else {
    }
    %scan3A = arith.constant 0 : i32
    %scan3A_7 = arith.constant 0 : i32
    %scan3A_8 = arith.constant 640 : i32
    %scan3A_9 = arith.addi %scan3A_7, %scan3A_8 : i32
    %scan3A_10 = arith.constant 1 : i32
    scf.for %scan3A_237 = %scan3A_7 to %scan3A_9 step %scan3A_10  : i32 {
      %broadcast_in_dim3A = arith.constant 0.000000e+00 : f32
      %broadcast_in_dim3A_238 = vector.broadcast %broadcast_in_dim3A : f32 to vector<16xf32>
      %swap3A = arith.index_cast %scan3A_237 : i32 to index
      %swap3A_239 = arith.constant 0 : index
      %swap3A_240 = tpu.vector_load %arg11[%swap3A, %swap3A_239] {strides = array<i32>} : memref<640x32xf32, #tpu.memory_space<vmem>>, vector<1x16xf32>,
      %swap3A_241 = vector.shape_cast %swap3A_240 : vector<1x16xf32> to vector<16xf32>
      %swap3A_242 = vector.shape_cast %broadcast_in_dim3A_238 : vector<16xf32> to vector<1x16xf32>
      tpu.vector_store %arg11[%swap3A, %swap3A_239], %swap3A_242 {strides = array<i32>} : memref<640x32xf32, #tpu.memory_space<vmem>>, vector<1x16xf32>,
      %broadcast_in_dim3A_243 = arith.constant 0.000000e+00 : f32
      %broadcast_in_dim3A_244 = vector.broadcast %broadcast_in_dim3A_243 : f32 to vector<16xf32>
      %swap3A_245 = arith.index_cast %scan3A_237 : i32 to index
      %swap3A_246 = arith.constant 16 : index
      %swap3A_247 = tpu.vector_load %arg11[%swap3A_245, %swap3A_246] {strides = array<i32>} : memref<640x32xf32, #tpu.memory_space<vmem>>, vector<1x16xf32>,
      %swap3A_248 = vector.shape_cast %swap3A_247 : vector<1x16xf32> to vector<16xf32>
      %swap3A_249 = vector.shape_cast %broadcast_in_dim3A_244 : vector<16xf32> to vector<1x16xf32>
      tpu.vector_store %arg11[%swap3A_245, %swap3A_246], %swap3A_249 {strides = array<i32>} : memref<640x32xf32, #tpu.memory_space<vmem>>, vector<1x16xf32>,
    }
    %scan3A_11 = arith.constant 640 : i32
    %lt3A_12 = arith.constant 15 : i32
    %lt3A_13 = arith.cmpi slt, %arg1, %lt3A_12 : i32
    %convert_element_type3A_14 = arith.extui %lt3A_13 : i1 to i32
    %cond3A_15 = arith.constant 0 : i32
    %cond3A_16 = arith.cmpi ne, %convert_element_type3A_14, %cond3A_15 : i32
    scf.if %cond3A_16 {
      %mul3A_237 = arith.constant 624 : i32
      %mul3A_238 = arith.muli %arg1, %mul3A_237 : i32
      %multiple_of3A_239 = tpu.assume_multiple %mul3A_238, 8 : i32
      "tpu.region"() ({
        %run_scoped3A = tpu.sem_alloc : memref<!tpu.dma_semaphore, #tpu.memory_space<semaphore_mem>>
        %dma_start3A_240 = arith.constant 0 : i32
        %dma_start3A_241 = arith.constant 0 : i32
        %dma_start3A_242 = tpu.memref_slice %arg11[%dma_start3A_240, %dma_start3A_241] : memref<640x32xf32, #tpu.memory_space<vmem>> -> memref<624x32xf32, #tpu.memory_space<vmem>>
        %dma_start3A_243 = arith.constant 0 : i32
        %dma_start3A_244 = tpu.memref_slice %arg12[%multiple_of3A_239, %dma_start3A_243] : memref<10000x32xf32, #tpu.memory_space<vmem_shared>> -> memref<624x32xf32, #tpu.memory_space<vmem_shared>>
        %dma_start3A_245 = arith.constant 0 : i32
        %dma_start3A_246 = tpu.memref_slice %arg12[%multiple_of3A_239, %dma_start3A_245] : memref<10000x32xf32, #tpu.memory_space<vmem_shared>> -> memref<624x32xf32, #tpu.memory_space<vmem_shared>>
        %dma_start3A_247 = arith.constant 0 : i32
        %dma_start3A_248 = arith.constant 0 : i32
        %dma_start3A_249 = tpu.memref_slice %arg11[%dma_start3A_247, %dma_start3A_248] : memref<640x32xf32, #tpu.memory_space<vmem>> -> memref<624x32xf32, #tpu.memory_space<vmem>>
        tpu.enqueue_dma source(%dma_start3A_249 : memref<624x32xf32, #tpu.memory_space<vmem>>) target(%dma_start3A_246 : memref<624x32xf32, #tpu.memory_space<vmem_shared>>) target_semaphore(%run_scoped3A : memref<!tpu.dma_semaphore, #tpu.memory_space<semaphore_mem>>)
        %dma_wait3A_250 = arith.constant 0 : i32
        %dma_wait3A_251 = arith.constant 0 : i32
        %dma_wait3A_252 = tpu.memref_slice %arg11[%dma_wait3A_250, %dma_wait3A_251] : memref<640x32xf32, #tpu.memory_space<vmem>> -> memref<624x32xf32, #tpu.memory_space<vmem>>
        %dma_wait3A_253 = arith.constant 0 : i32
        %dma_wait3A_254 = tpu.memref_slice %arg12[%multiple_of3A_239, %dma_wait3A_253] : memref<10000x32xf32, #tpu.memory_space<vmem_shared>> -> memref<624x32xf32, #tpu.memory_space<vmem_shared>>
        %dma_wait3A_255 = arith.constant 0 : i32
        %dma_wait3A_256 = tpu.memref_slice %arg12[%multiple_of3A_239, %dma_wait3A_255] : memref<10000x32xf32, #tpu.memory_space<vmem_shared>> -> memref<624x32xf32, #tpu.memory_space<vmem_shared>>
        %dma_wait3A_257 = arith.constant 0 : i32
        %dma_wait3A_258 = arith.constant 0 : i32
        %dma_wait3A_259 = tpu.memref_slice %arg11[%dma_wait3A_257, %dma_wait3A_258] : memref<640x32xf32, #tpu.memory_space<vmem>> -> memref<624x32xf32, #tpu.memory_space<vmem>>
        tpu.wait_dma2 semaphore(%run_scoped3A : memref<!tpu.dma_semaphore, #tpu.memory_space<semaphore_mem>>) src(%dma_wait3A_259 : memref<624x32xf32, #tpu.memory_space<vmem>>) dst(%dma_wait3A_256 : memref<624x32xf32, #tpu.memory_space<vmem_shared>>)
        tpu.yield
      }) : () -> ()
    } else {
    }
    %eq3A_17 = arith.constant 15 : i32
    %eq3A_18 = arith.cmpi eq, %arg1, %eq3A_17 : i32
    %convert_element_type3A_19 = arith.extui %eq3A_18 : i1 to i32
    %cond3A_20 = arith.constant 0 : i32
    %cond3A_21 = arith.cmpi ne, %convert_element_type3A_19, %cond3A_20 : i32
    scf.if %cond3A_21 {
      "tpu.region"() ({
        %run_scoped3A = tpu.sem_alloc : memref<!tpu.dma_semaphore, #tpu.memory_space<semaphore_mem>>
        %dma_start3A_237 = arith.constant 9360 : i32
        %dma_start3A_238 = arith.constant 0 : i32
        %dma_start3A_239 = tpu.memref_slice %arg12[%dma_start3A_237, %dma_start3A_238] : memref<10000x32xf32, #tpu.memory_space<vmem_shared>> -> memref<640x32xf32, #tpu.memory_space<vmem_shared>>
        %dma_start3A_240 = arith.constant 9360 : i32
        %dma_start3A_241 = arith.constant 0 : i32
        %dma_start3A_242 = tpu.memref_slice %arg12[%dma_start3A_240, %dma_start3A_241] : memref<10000x32xf32, #tpu.memory_space<vmem_shared>> -> memref<640x32xf32, #tpu.memory_space<vmem_shared>>
        tpu.enqueue_dma source(%arg11 : memref<640x32xf32, #tpu.memory_space<vmem>>) target(%dma_start3A_242 : memref<640x32xf32, #tpu.memory_space<vmem_shared>>) target_semaphore(%run_scoped3A : memref<!tpu.dma_semaphore, #tpu.memory_space<semaphore_mem>>)
        %dma_wait3A_243 = arith.constant 9360 : i32
        %dma_wait3A_244 = arith.constant 0 : i32
        %dma_wait3A_245 = tpu.memref_slice %arg12[%dma_wait3A_243, %dma_wait3A_244] : memref<10000x32xf32, #tpu.memory_space<vmem_shared>> -> memref<640x32xf32, #tpu.memory_space<vmem_shared>>
        %dma_wait3A_246 = arith.constant 9360 : i32
        %dma_wait3A_247 = arith.constant 0 : i32
        %dma_wait3A_248 = tpu.memref_slice %arg12[%dma_wait3A_246, %dma_wait3A_247] : memref<10000x32xf32, #tpu.memory_space<vmem_shared>> -> memref<640x32xf32, #tpu.memory_space<vmem_shared>>
        tpu.wait_dma2 semaphore(%run_scoped3A : memref<!tpu.dma_semaphore, #tpu.memory_space<semaphore_mem>>) src(%arg11 : memref<640x32xf32, #tpu.memory_space<vmem>>) dst(%dma_wait3A_248 : memref<640x32xf32, #tpu.memory_space<vmem_shared>>)
        tpu.yield
      }) : () -> ()
    } else {
    }
    %barrier3A = arith.constant 0 : index
    tpu.barrier barrier_id(%barrier3A)
    %mul3A_22 = arith.constant 62 : i32
    %mul3A_23 = arith.muli %add3A, %mul3A_22 : i32
    %mul3A_24 = arith.constant 4960 : i32
    %mul3A_25 = arith.muli %add3A, %mul3A_24 : i32
    %add3A_26 = arith.constant 0 : i32
    %add3A_27 = arith.addi %add3A_26, %mul3A_25 : i32
    %multiple_of3A = tpu.assume_multiple %add3A_27, 8 : i32
    "tpu.region"() ({
      %run_scoped3A = tpu.sem_alloc : memref<!tpu.dma_semaphore, #tpu.memory_space<semaphore_mem>>
      %dma_start3A_237 = arith.constant 0 : i32
      %dma_start3A_238 = tpu.memref_slice %arg7[%dma_start3A_237] : memref<5040xi32, #tpu.memory_space<vmem>> -> memref<4960xi32, #tpu.memory_space<vmem>>
      %dma_start3A_239 = tpu.memref_slice %arg4[%multiple_of3A] : memref<320000xi32, #tpu.memory_space<hbm>> -> memref<4960xi32, #tpu.memory_space<hbm>>
      %dma_start3A_240 = arith.constant 0 : i32
      %dma_start3A_241 = tpu.memref_slice %arg7[%dma_start3A_240] : memref<5040xi32, #tpu.memory_space<vmem>> -> memref<4960xi32, #tpu.memory_space<vmem>>
      %dma_start3A_242 = tpu.memref_slice %arg4[%multiple_of3A] : memref<320000xi32, #tpu.memory_space<hbm>> -> memref<4960xi32, #tpu.memory_space<hbm>>
      tpu.enqueue_dma source(%dma_start3A_242 : memref<4960xi32, #tpu.memory_space<hbm>>) target(%dma_start3A_241 : memref<4960xi32, #tpu.memory_space<vmem>>) target_semaphore(%run_scoped3A : memref<!tpu.dma_semaphore, #tpu.memory_space<semaphore_mem>>)
      %dma_wait3A_243 = arith.constant 0 : i32
      %dma_wait3A_244 = tpu.memref_slice %arg7[%dma_wait3A_243] : memref<5040xi32, #tpu.memory_space<vmem>> -> memref<4960xi32, #tpu.memory_space<vmem>>
      %dma_wait3A_245 = tpu.memref_slice %arg4[%multiple_of3A] : memref<320000xi32, #tpu.memory_space<hbm>> -> memref<4960xi32, #tpu.memory_space<hbm>>
      %dma_wait3A_246 = arith.constant 0 : i32
      %dma_wait3A_247 = tpu.memref_slice %arg7[%dma_wait3A_246] : memref<5040xi32, #tpu.memory_space<vmem>> -> memref<4960xi32, #tpu.memory_space<vmem>>
      %dma_wait3A_248 = tpu.memref_slice %arg4[%multiple_of3A] : memref<320000xi32, #tpu.memory_space<hbm>> -> memref<4960xi32, #tpu.memory_space<hbm>>
      tpu.wait_dma2 semaphore(%run_scoped3A : memref<!tpu.dma_semaphore, #tpu.memory_space<semaphore_mem>>) src(%dma_wait3A_248 : memref<4960xi32, #tpu.memory_space<hbm>>) dst(%dma_wait3A_247 : memref<4960xi32, #tpu.memory_space<vmem>>)
      tpu.yield
    }) : () -> ()
    "tpu.region"() ({
      %run_scoped3A = tpu.sem_alloc : memref<!tpu.dma_semaphore, #tpu.memory_space<semaphore_mem>>
      %dma_start3A_237 = arith.constant 0 : i32
      %dma_start3A_238 = tpu.memref_slice %arg8[%dma_start3A_237] : memref<5040xi32, #tpu.memory_space<vmem>> -> memref<4960xi32, #tpu.memory_space<vmem>>
      %dma_start3A_239 = tpu.memref_slice %arg5[%multiple_of3A] : memref<320000xi32, #tpu.memory_space<hbm>> -> memref<4960xi32, #tpu.memory_space<hbm>>
      %dma_start3A_240 = arith.constant 0 : i32
      %dma_start3A_241 = tpu.memref_slice %arg8[%dma_start3A_240] : memref<5040xi32, #tpu.memory_space<vmem>> -> memref<4960xi32, #tpu.memory_space<vmem>>
      %dma_start3A_242 = tpu.memref_slice %arg5[%multiple_of3A] : memref<320000xi32, #tpu.memory_space<hbm>> -> memref<4960xi32, #tpu.memory_space<hbm>>
      tpu.enqueue_dma source(%dma_start3A_242 : memref<4960xi32, #tpu.memory_space<hbm>>) target(%dma_start3A_241 : memref<4960xi32, #tpu.memory_space<vmem>>) target_semaphore(%run_scoped3A : memref<!tpu.dma_semaphore, #tpu.memory_space<semaphore_mem>>)
      %dma_wait3A_243 = arith.constant 0 : i32
      %dma_wait3A_244 = tpu.memref_slice %arg8[%dma_wait3A_243] : memref<5040xi32, #tpu.memory_space<vmem>> -> memref<4960xi32, #tpu.memory_space<vmem>>
      %dma_wait3A_245 = tpu.memref_slice %arg5[%multiple_of3A] : memref<320000xi32, #tpu.memory_space<hbm>> -> memref<4960xi32, #tpu.memory_space<hbm>>
      %dma_wait3A_246 = arith.constant 0 : i32
      %dma_wait3A_247 = tpu.memref_slice %arg8[%dma_wait3A_246] : memref<5040xi32, #tpu.memory_space<vmem>> -> memref<4960xi32, #tpu.memory_space<vmem>>
      %dma_wait3A_248 = tpu.memref_slice %arg5[%multiple_of3A] : memref<320000xi32, #tpu.memory_space<hbm>> -> memref<4960xi32, #tpu.memory_space<hbm>>
      tpu.wait_dma2 semaphore(%run_scoped3A : memref<!tpu.dma_semaphore, #tpu.memory_space<semaphore_mem>>) src(%dma_wait3A_248 : memref<4960xi32, #tpu.memory_space<hbm>>) dst(%dma_wait3A_247 : memref<4960xi32, #tpu.memory_space<vmem>>)
      tpu.yield
    }) : () -> ()
    %lt3A_28 = arith.constant 16 : i32
    %lt3A_29 = arith.cmpi slt, %add3A, %lt3A_28 : i32
    %convert_element_type3A_30 = arith.extui %lt3A_29 : i1 to i32
    %cond3A_31 = arith.constant 0 : i32
    %cond3A_32 = arith.cmpi ne, %convert_element_type3A_30, %cond3A_31 : i32
    scf.if %cond3A_32 {
      %mul3A_237 = arith.constant 80 : i32
      %mul3A_238 = arith.muli %add3A, %mul3A_237 : i32
      %add3A_239 = arith.constant 158720 : i32
      %add3A_240 = arith.addi %add3A_239, %mul3A_238 : i32
      %multiple_of3A_241 = tpu.assume_multiple %add3A_240, 8 : i32
      "tpu.region"() ({
        %run_scoped3A = tpu.sem_alloc : memref<!tpu.dma_semaphore, #tpu.memory_space<semaphore_mem>>
        %dma_start3A_242 = arith.constant 4960 : i32
        %dma_start3A_243 = tpu.memref_slice %arg7[%dma_start3A_242] : memref<5040xi32, #tpu.memory_space<vmem>> -> memref<80xi32, #tpu.memory_space<vmem>>
        %dma_start3A_244 = tpu.memref_slice %arg4[%multiple_of3A_241] : memref<320000xi32, #tpu.memory_space<hbm>> -> memref<80xi32, #tpu.memory_space<hbm>>
        %dma_start3A_245 = arith.constant 4960 : i32
        %dma_start3A_246 = tpu.memref_slice %arg7[%dma_start3A_245] : memref<5040xi32, #tpu.memory_space<vmem>> -> memref<80xi32, #tpu.memory_space<vmem>>
        %dma_start3A_247 = tpu.memref_slice %arg4[%multiple_of3A_241] : memref<320000xi32, #tpu.memory_space<hbm>> -> memref<80xi32, #tpu.memory_space<hbm>>
        tpu.enqueue_dma source(%dma_start3A_247 : memref<80xi32, #tpu.memory_space<hbm>>) target(%dma_start3A_246 : memref<80xi32, #tpu.memory_space<vmem>>) target_semaphore(%run_scoped3A : memref<!tpu.dma_semaphore, #tpu.memory_space<semaphore_mem>>)
        %dma_wait3A_248 = arith.constant 4960 : i32
        %dma_wait3A_249 = tpu.memref_slice %arg7[%dma_wait3A_248] : memref<5040xi32, #tpu.memory_space<vmem>> -> memref<80xi32, #tpu.memory_space<vmem>>
        %dma_wait3A_250 = tpu.memref_slice %arg4[%multiple_of3A_241] : memref<320000xi32, #tpu.memory_space<hbm>> -> memref<80xi32, #tpu.memory_space<hbm>>
        %dma_wait3A_251 = arith.constant 4960 : i32
        %dma_wait3A_252 = tpu.memref_slice %arg7[%dma_wait3A_251] : memref<5040xi32, #tpu.memory_space<vmem>> -> memref<80xi32, #tpu.memory_space<vmem>>
        %dma_wait3A_253 = tpu.memref_slice %arg4[%multiple_of3A_241] : memref<320000xi32, #tpu.memory_space<hbm>> -> memref<80xi32, #tpu.memory_space<hbm>>
        tpu.wait_dma2 semaphore(%run_scoped3A : memref<!tpu.dma_semaphore, #tpu.memory_space<semaphore_mem>>) src(%dma_wait3A_253 : memref<80xi32, #tpu.memory_space<hbm>>) dst(%dma_wait3A_252 : memref<80xi32, #tpu.memory_space<vmem>>)
        tpu.yield
      }) : () -> ()
      "tpu.region"() ({
        %run_scoped3A = tpu.sem_alloc : memref<!tpu.dma_semaphore, #tpu.memory_space<semaphore_mem>>
        %dma_start3A_242 = arith.constant 4960 : i32
        %dma_start3A_243 = tpu.memref_slice %arg8[%dma_start3A_242] : memref<5040xi32, #tpu.memory_space<vmem>> -> memref<80xi32, #tpu.memory_space<vmem>>
        %dma_start3A_244 = tpu.memref_slice %arg5[%multiple_of3A_241] : memref<320000xi32, #tpu.memory_space<hbm>> -> memref<80xi32, #tpu.memory_space<hbm>>
        %dma_start3A_245 = arith.constant 4960 : i32
        %dma_start3A_246 = tpu.memref_slice %arg8[%dma_start3A_245] : memref<5040xi32, #tpu.memory_space<vmem>> -> memref<80xi32, #tpu.memory_space<vmem>>
        %dma_start3A_247 = tpu.memref_slice %arg5[%multiple_of3A_241] : memref<320000xi32, #tpu.memory_space<hbm>> -> memref<80xi32, #tpu.memory_space<hbm>>
        tpu.enqueue_dma source(%dma_start3A_247 : memref<80xi32, #tpu.memory_space<hbm>>) target(%dma_start3A_246 : memref<80xi32, #tpu.memory_space<vmem>>) target_semaphore(%run_scoped3A : memref<!tpu.dma_semaphore, #tpu.memory_space<semaphore_mem>>)
        %dma_wait3A_248 = arith.constant 4960 : i32
        %dma_wait3A_249 = tpu.memref_slice %arg8[%dma_wait3A_248] : memref<5040xi32, #tpu.memory_space<vmem>> -> memref<80xi32, #tpu.memory_space<vmem>>
        %dma_wait3A_250 = tpu.memref_slice %arg5[%multiple_of3A_241] : memref<320000xi32, #tpu.memory_space<hbm>> -> memref<80xi32, #tpu.memory_space<hbm>>
        %dma_wait3A_251 = arith.constant 4960 : i32
        %dma_wait3A_252 = tpu.memref_slice %arg8[%dma_wait3A_251] : memref<5040xi32, #tpu.memory_space<vmem>> -> memref<80xi32, #tpu.memory_space<vmem>>
        %dma_wait3A_253 = tpu.memref_slice %arg5[%multiple_of3A_241] : memref<320000xi32, #tpu.memory_space<hbm>> -> memref<80xi32, #tpu.memory_space<hbm>>
        tpu.wait_dma2 semaphore(%run_scoped3A : memref<!tpu.dma_semaphore, #tpu.memory_space<semaphore_mem>>) src(%dma_wait3A_253 : memref<80xi32, #tpu.memory_space<hbm>>) dst(%dma_wait3A_252 : memref<80xi32, #tpu.memory_space<vmem>>)
        tpu.yield
      }) : () -> ()
    } else {
    }
    %jit3A = arith.constant 400 : i32
    %div3A = arith.divsi %mul3A_23, %jit3A : i32
    %sign3A = arith.constant 0 : i32
    %sign3A_33 = arith.cmpi sgt, %mul3A_23, %sign3A : i32
    %sign3A_34 = arith.extui %sign3A_33 : i1 to i32
    %sign3A_35 = arith.constant 0 : i32
    %sign3A_36 = arith.cmpi slt, %mul3A_23, %sign3A_35 : i32
    %sign3A_37 = arith.extui %sign3A_36 : i1 to i32
    %sign3A_38 = arith.subi %sign3A_34, %sign3A_37 : i32
    %sign3A_39 = arith.constant 0 : i32
    %sign3A_40 = arith.cmpi sgt, %jit3A, %sign3A_39 : i32
    %sign3A_41 = arith.extui %sign3A_40 : i1 to i32
    %sign3A_42 = arith.constant 0 : i32
    %sign3A_43 = arith.cmpi slt, %jit3A, %sign3A_42 : i32
    %sign3A_44 = arith.extui %sign3A_43 : i1 to i32
    %sign3A_45 = arith.subi %sign3A_41, %sign3A_44 : i32
    %ne3A = arith.cmpi ne, %sign3A_38, %sign3A_45 : i32
    %rem3A = arith.remsi %mul3A_23, %jit3A : i32
    %ne3A_46 = arith.constant 0 : i32
    %ne3A_47 = arith.cmpi ne, %rem3A, %ne3A_46 : i32
    %and3A = arith.andi %ne3A, %ne3A_47 : i1
    %sub3A = arith.constant 1 : i32
    %sub3A_48 = arith.subi %div3A, %sub3A : i32
    %select_n3A = arith.select %and3A, %sub3A_48, %div3A : i32
    %jit3A_49 = arith.constant 400 : i32
    %eq3A_50 = arith.constant 0 : i32
    %eq3A_51 = arith.cmpi eq, %jit3A_49, %eq3A_50 : i32
    %jit3A_52 = arith.constant 1 : i32
    %select_n3A_53 = arith.select %eq3A_51, %jit3A_52, %jit3A_49 : i32
    %rem3A_54 = arith.remsi %mul3A_23, %select_n3A_53 : i32
    %ne3A_55 = arith.constant 0 : i32
    %ne3A_56 = arith.cmpi ne, %rem3A_54, %ne3A_55 : i32
    %lt3A_57 = arith.constant 0 : i32
    %lt3A_58 = arith.cmpi slt, %rem3A_54, %lt3A_57 : i32
    %lt3A_59 = arith.constant 0 : i32
    %lt3A_60 = arith.cmpi slt, %select_n3A_53, %lt3A_59 : i32
    %ne3A_61 = arith.xori %lt3A_58, %lt3A_60 : i1
    %and3A_62 = arith.andi %ne3A_61, %ne3A_56 : i1
    %add3A_63 = arith.addi %rem3A_54, %select_n3A_53 : i32
    %select_n3A_64 = arith.select %and3A_62, %add3A_63, %rem3A_54 : i32
    %jit3A_65 = arith.constant 100 : i32
    %div3A_66 = arith.divsi %select_n3A_64, %jit3A_65 : i32
    %sign3A_67 = arith.constant 0 : i32
    %sign3A_68 = arith.cmpi sgt, %select_n3A_64, %sign3A_67 : i32
    %sign3A_69 = arith.extui %sign3A_68 : i1 to i32
    %sign3A_70 = arith.constant 0 : i32
    %sign3A_71 = arith.cmpi slt, %select_n3A_64, %sign3A_70 : i32
    %sign3A_72 = arith.extui %sign3A_71 : i1 to i32
    %sign3A_73 = arith.subi %sign3A_69, %sign3A_72 : i32
    %sign3A_74 = arith.constant 0 : i32
    %sign3A_75 = arith.cmpi sgt, %jit3A_65, %sign3A_74 : i32
    %sign3A_76 = arith.extui %sign3A_75 : i1 to i32
    %sign3A_77 = arith.constant 0 : i32
    %sign3A_78 = arith.cmpi slt, %jit3A_65, %sign3A_77 : i32
    %sign3A_79 = arith.extui %sign3A_78 : i1 to i32
    %sign3A_80 = arith.subi %sign3A_76, %sign3A_79 : i32
    %ne3A_81 = arith.cmpi ne, %sign3A_73, %sign3A_80 : i32
    %rem3A_82 = arith.remsi %select_n3A_64, %jit3A_65 : i32
    %ne3A_83 = arith.constant 0 : i32
    %ne3A_84 = arith.cmpi ne, %rem3A_82, %ne3A_83 : i32
    %and3A_85 = arith.andi %ne3A_81, %ne3A_84 : i1
    %sub3A_86 = arith.constant 1 : i32
    %sub3A_87 = arith.subi %div3A_66, %sub3A_86 : i32
    %select_n3A_88 = arith.select %and3A_85, %sub3A_87, %div3A_66 : i32
    %jit3A_89 = arith.constant 100 : i32
    %eq3A_90 = arith.constant 0 : i32
    %eq3A_91 = arith.cmpi eq, %jit3A_89, %eq3A_90 : i32
    %jit3A_92 = arith.constant 1 : i32
    %select_n3A_93 = arith.select %eq3A_91, %jit3A_92, %jit3A_89 : i32
    %rem3A_94 = arith.remsi %select_n3A_64, %select_n3A_93 : i32
    %ne3A_95 = arith.constant 0 : i32
    %ne3A_96 = arith.cmpi ne, %rem3A_94, %ne3A_95 : i32
    %lt3A_97 = arith.constant 0 : i32
    %lt3A_98 = arith.cmpi slt, %rem3A_94, %lt3A_97 : i32
    %lt3A_99 = arith.constant 0 : i32
    %lt3A_100 = arith.cmpi slt, %select_n3A_93, %lt3A_99 : i32
    %ne3A_101 = arith.xori %lt3A_98, %lt3A_100 : i1
    %and3A_102 = arith.andi %ne3A_101, %ne3A_96 : i1
    %add3A_103 = arith.addi %rem3A_94, %select_n3A_93 : i32
    %select_n3A_104 = arith.select %and3A_102, %add3A_103, %rem3A_94 : i32
    %mul3A_105 = arith.constant 8000 : i32
    %mul3A_106 = arith.muli %select_n3A, %mul3A_105 : i32
    %mul3A_107 = arith.constant 80 : i32
    %mul3A_108 = arith.muli %select_n3A_104, %mul3A_107 : i32
    %add3A_109 = arith.addi %mul3A_106, %mul3A_108 : i32
    %mul3A_110 = arith.constant 32 : i32
    %mul3A_111 = arith.muli %select_n3A_88, %mul3A_110 : i32
    %dma_start3A = tpu.memref_slice %arg3[%add3A_109, %mul3A_111] : memref<40000x128xf32, #tpu.memory_space<hbm>> -> memref<80x32xf32, #tpu.memory_space<hbm>>
    %dma_start3A_112 = tpu.memref_slice %arg3[%add3A_109, %mul3A_111] : memref<40000x128xf32, #tpu.memory_space<hbm>> -> memref<80x32xf32, #tpu.memory_space<hbm>>
    tpu.enqueue_dma source(%dma_start3A_112 : memref<80x32xf32, #tpu.memory_space<hbm>>) target(%arg9 : memref<80x32xf32, #tpu.memory_space<vmem>>) target_semaphore(%arg14 : memref<!tpu.dma_semaphore, #tpu.memory_space<semaphore_mem>>)
    %add3A_113 = arith.constant 1 : i32
    %add3A_114 = arith.addi %mul3A_23, %add3A_113 : i32
    %jit3A_115 = arith.constant 400 : i32
    %div3A_116 = arith.divsi %add3A_114, %jit3A_115 : i32
    %sign3A_117 = arith.constant 0 : i32
    %sign3A_118 = arith.cmpi sgt, %add3A_114, %sign3A_117 : i32
    %sign3A_119 = arith.extui %sign3A_118 : i1 to i32
    %sign3A_120 = arith.constant 0 : i32
    %sign3A_121 = arith.cmpi slt, %add3A_114, %sign3A_120 : i32
    %sign3A_122 = arith.extui %sign3A_121 : i1 to i32
    %sign3A_123 = arith.subi %sign3A_119, %sign3A_122 : i32
    %sign3A_124 = arith.constant 0 : i32
    %sign3A_125 = arith.cmpi sgt, %jit3A_115, %sign3A_124 : i32
    %sign3A_126 = arith.extui %sign3A_125 : i1 to i32
    %sign3A_127 = arith.constant 0 : i32
    %sign3A_128 = arith.cmpi slt, %jit3A_115, %sign3A_127 : i32
    %sign3A_129 = arith.extui %sign3A_128 : i1 to i32
    %sign3A_130 = arith.subi %sign3A_126, %sign3A_129 : i32
    %ne3A_131 = arith.cmpi ne, %sign3A_123, %sign3A_130 : i32
    %rem3A_132 = arith.remsi %add3A_114, %jit3A_115 : i32
    %ne3A_133 = arith.constant 0 : i32
    %ne3A_134 = arith.cmpi ne, %rem3A_132, %ne3A_133 : i32
    %and3A_135 = arith.andi %ne3A_131, %ne3A_134 : i1
    %sub3A_136 = arith.constant 1 : i32
    %sub3A_137 = arith.subi %div3A_116, %sub3A_136 : i32
    %select_n3A_138 = arith.select %and3A_135, %sub3A_137, %div3A_116 : i32
    %jit3A_139 = arith.constant 400 : i32
    %eq3A_140 = arith.constant 0 : i32
    %eq3A_141 = arith.cmpi eq, %jit3A_139, %eq3A_140 : i32
    %jit3A_142 = arith.constant 1 : i32
    %select_n3A_143 = arith.select %eq3A_141, %jit3A_142, %jit3A_139 : i32
    %rem3A_144 = arith.remsi %add3A_114, %select_n3A_143 : i32
    %ne3A_145 = arith.constant 0 : i32
    %ne3A_146 = arith.cmpi ne, %rem3A_144, %ne3A_145 : i32
    %lt3A_147 = arith.constant 0 : i32
    %lt3A_148 = arith.cmpi slt, %rem3A_144, %lt3A_147 : i32
    %lt3A_149 = arith.constant 0 : i32
    %lt3A_150 = arith.cmpi slt, %select_n3A_143, %lt3A_149 : i32
    %ne3A_151 = arith.xori %lt3A_148, %lt3A_150 : i1
    %and3A_152 = arith.andi %ne3A_151, %ne3A_146 : i1
    %add3A_153 = arith.addi %rem3A_144, %select_n3A_143 : i32
    %select_n3A_154 = arith.select %and3A_152, %add3A_153, %rem3A_144 : i32
    %jit3A_155 = arith.constant 100 : i32
    %div3A_156 = arith.divsi %select_n3A_154, %jit3A_155 : i32
    %sign3A_157 = arith.constant 0 : i32
    %sign3A_158 = arith.cmpi sgt, %select_n3A_154, %sign3A_157 : i32
    %sign3A_159 = arith.extui %sign3A_158 : i1 to i32
    %sign3A_160 = arith.constant 0 : i32
    %sign3A_161 = arith.cmpi slt, %select_n3A_154, %sign3A_160 : i32
    %sign3A_162 = arith.extui %sign3A_161 : i1 to i32
    %sign3A_163 = arith.subi %sign3A_159, %sign3A_162 : i32
    %sign3A_164 = arith.constant 0 : i32
    %sign3A_165 = arith.cmpi sgt, %jit3A_155, %sign3A_164 : i32
    %sign3A_166 = arith.extui %sign3A_165 : i1 to i32
    %sign3A_167 = arith.constant 0 : i32
    %sign3A_168 = arith.cmpi slt, %jit3A_155, %sign3A_167 : i32
    %sign3A_169 = arith.extui %sign3A_168 : i1 to i32
    %sign3A_170 = arith.subi %sign3A_166, %sign3A_169 : i32
    %ne3A_171 = arith.cmpi ne, %sign3A_163, %sign3A_170 : i32
    %rem3A_172 = arith.remsi %select_n3A_154, %jit3A_155 : i32
    %ne3A_173 = arith.constant 0 : i32
    %ne3A_174 = arith.cmpi ne, %rem3A_172, %ne3A_173 : i32
    %and3A_175 = arith.andi %ne3A_171, %ne3A_174 : i1
    %sub3A_176 = arith.constant 1 : i32
    %sub3A_177 = arith.subi %div3A_156, %sub3A_176 : i32
    %select_n3A_178 = arith.select %and3A_175, %sub3A_177, %div3A_156 : i32
    %jit3A_179 = arith.constant 100 : i32
    %eq3A_180 = arith.constant 0 : i32
    %eq3A_181 = arith.cmpi eq, %jit3A_179, %eq3A_180 : i32
    %jit3A_182 = arith.constant 1 : i32
    %select_n3A_183 = arith.select %eq3A_181, %jit3A_182, %jit3A_179 : i32
    %rem3A_184 = arith.remsi %select_n3A_154, %select_n3A_183 : i32
    %ne3A_185 = arith.constant 0 : i32
    %ne3A_186 = arith.cmpi ne, %rem3A_184, %ne3A_185 : i32
    %lt3A_187 = arith.constant 0 : i32
    %lt3A_188 = arith.cmpi slt, %rem3A_184, %lt3A_187 : i32
    %lt3A_189 = arith.constant 0 : i32
    %lt3A_190 = arith.cmpi slt, %select_n3A_183, %lt3A_189 : i32
    %ne3A_191 = arith.xori %lt3A_188, %lt3A_190 : i1
    %and3A_192 = arith.andi %ne3A_191, %ne3A_186 : i1
    %add3A_193 = arith.addi %rem3A_184, %select_n3A_183 : i32
    %select_n3A_194 = arith.select %and3A_192, %add3A_193, %rem3A_184 : i32
    %mul3A_195 = arith.constant 8000 : i32
    %mul3A_196 = arith.muli %select_n3A_138, %mul3A_195 : i32
    %mul3A_197 = arith.constant 80 : i32
    %mul3A_198 = arith.muli %select_n3A_194, %mul3A_197 : i32
    %add3A_199 = arith.addi %mul3A_196, %mul3A_198 : i32
    %mul3A_200 = arith.constant 32 : i32
    %mul3A_201 = arith.muli %select_n3A_178, %mul3A_200 : i32
    %dma_start3A_202 = tpu.memref_slice %arg3[%add3A_199, %mul3A_201] : memref<40000x128xf32, #tpu.memory_space<hbm>> -> memref<80x32xf32, #tpu.memory_space<hbm>>
    %dma_start3A_203 = tpu.memref_slice %arg3[%add3A_199, %mul3A_201] : memref<40000x128xf32, #tpu.memory_space<hbm>> -> memref<80x32xf32, #tpu.memory_space<hbm>>
    tpu.enqueue_dma source(%dma_start3A_203 : memref<80x32xf32, #tpu.memory_space<hbm>>) target(%arg10 : memref<80x32xf32, #tpu.memory_space<vmem>>) target_semaphore(%arg15 : memref<!tpu.dma_semaphore, #tpu.memory_space<semaphore_mem>>)
    %scan3A_204 = arith.constant 0 : i32
    %scan3A_205 = arith.constant 0 : i32
    %scan3A_206 = arith.constant 31 : i32
    %scan3A_207 = arith.addi %scan3A_205, %scan3A_206 : i32
    %scan3A_208 = arith.constant 1 : i32
    scf.for %scan3A_237 = %scan3A_205 to %scan3A_207 step %scan3A_208  : i32 {
      %mul3A_238 = arith.constant 2 : i32
      %mul3A_239 = arith.muli %mul3A_238, %scan3A_237 : i32
      %add3A_240 = arith.addi %mul3A_23, %mul3A_239 : i32
      %dma_wait3A_241 = arith.constant 0 : i32
      %dma_wait3A_242 = arith.constant 0 : i32
      %dma_wait3A_243 = tpu.memref_slice %arg3[%dma_wait3A_241, %dma_wait3A_242] : memref<40000x128xf32, #tpu.memory_space<hbm>> -> memref<80x32xf32, #tpu.memory_space<hbm>>
      %dma_wait3A_244 = arith.constant 0 : i32
      %dma_wait3A_245 = arith.constant 0 : i32
      %dma_wait3A_246 = tpu.memref_slice %arg3[%dma_wait3A_244, %dma_wait3A_245] : memref<40000x128xf32, #tpu.memory_space<hbm>> -> memref<80x32xf32, #tpu.memory_space<hbm>>
      tpu.wait_dma2 semaphore(%arg14 : memref<!tpu.dma_semaphore, #tpu.memory_space<semaphore_mem>>) src(%dma_wait3A_246 : memref<80x32xf32, #tpu.memory_space<hbm>>) dst(%arg9 : memref<80x32xf32, #tpu.memory_space<vmem>>)
      %mul3A_247 = arith.constant 2 : i32
      %mul3A_248 = arith.muli %mul3A_247, %scan3A_237 : i32
      %mul3A_249 = arith.constant 80 : i32
      %mul3A_250 = arith.muli %mul3A_248, %mul3A_249 : i32
      %multiple_of3A_251 = tpu.assume_multiple %mul3A_250, 8 : i32
      %dma_start3A_252 = tpu.memref_slice %arg7[%multiple_of3A_251] : memref<5040xi32, #tpu.memory_space<vmem>> -> memref<80xi32, #tpu.memory_space<vmem>>
      %dma_start3A_253 = arith.constant 0 : i32
      %dma_start3A_254 = arith.constant 0 : i32
      %dma_start3A_255 = tpu.memref_slice %arg13[%dma_start3A_253, %dma_start3A_254] : memref<10000x32xf32, #tpu.memory_space<vmem_shared>> -> memref<10000x32xf32, #tpu.memory_space<vmem_shared>>
      tpu.enqueue_indirect_dma source(%dma_start3A_255 : memref<10000x32xf32, #tpu.memory_space<vmem_shared>>) target(%arg9 : memref<80x32xf32, #tpu.memory_space<vmem>>) offsets(%dma_start3A_252 : memref<80xi32, #tpu.memory_space<vmem>>) semaphore(%arg16 : memref<!tpu.dma_semaphore, #tpu.memory_space<semaphore_mem>>) {add = true}
      %dma_wait3A_256 = tpu.memref_slice %arg7[%multiple_of3A_251] : memref<5040xi32, #tpu.memory_space<vmem>> -> memref<80xi32, #tpu.memory_space<vmem>>
      %dma_wait3A_257 = arith.constant 0 : i32
      %dma_wait3A_258 = arith.constant 0 : i32
      %dma_wait3A_259 = tpu.memref_slice %arg13[%dma_wait3A_257, %dma_wait3A_258] : memref<10000x32xf32, #tpu.memory_space<vmem_shared>> -> memref<10000x32xf32, #tpu.memory_space<vmem_shared>>
      tpu.wait_indirect_dma semaphore(%arg16 : memref<!tpu.dma_semaphore, #tpu.memory_space<semaphore_mem>>) src(%dma_wait3A_259 : memref<10000x32xf32, #tpu.memory_space<vmem_shared>>) dst(%arg9 : memref<80x32xf32, #tpu.memory_space<vmem>>)
      %mul3A_260 = arith.constant 2 : i32
      %mul3A_261 = arith.muli %mul3A_260, %scan3A_237 : i32
      %mul3A_262 = arith.constant 80 : i32
      %mul3A_263 = arith.muli %mul3A_261, %mul3A_262 : i32
      %multiple_of3A_264 = tpu.assume_multiple %mul3A_263, 8 : i32
      %dma_start3A_265 = tpu.memref_slice %arg8[%multiple_of3A_264] : memref<5040xi32, #tpu.memory_space<vmem>> -> memref<80xi32, #tpu.memory_space<vmem>>
      %dma_start3A_266 = arith.constant 0 : i32
      %dma_start3A_267 = arith.constant 0 : i32
      %dma_start3A_268 = tpu.memref_slice %arg12[%dma_start3A_266, %dma_start3A_267] : memref<10000x32xf32, #tpu.memory_space<vmem_shared>> -> memref<10000x32xf32, #tpu.memory_space<vmem_shared>>
      tpu.enqueue_indirect_dma source(%arg9 : memref<80x32xf32, #tpu.memory_space<vmem>>) target(%dma_start3A_268 : memref<10000x32xf32, #tpu.memory_space<vmem_shared>>) offsets(%dma_start3A_265 : memref<80xi32, #tpu.memory_space<vmem>>) semaphore(%arg18 : memref<!tpu.dma_semaphore, #tpu.memory_space<semaphore_mem>>) {add = true}
      %dma_wait3A_269 = arith.constant 0 : i32
      %dma_wait3A_270 = arith.constant 0 : i32
      %dma_wait3A_271 = tpu.memref_slice %arg3[%dma_wait3A_269, %dma_wait3A_270] : memref<40000x128xf32, #tpu.memory_space<hbm>> -> memref<80x32xf32, #tpu.memory_space<hbm>>
      %dma_wait3A_272 = arith.constant 0 : i32
      %dma_wait3A_273 = arith.constant 0 : i32
      %dma_wait3A_274 = tpu.memref_slice %arg3[%dma_wait3A_272, %dma_wait3A_273] : memref<40000x128xf32, #tpu.memory_space<hbm>> -> memref<80x32xf32, #tpu.memory_space<hbm>>
      tpu.wait_dma2 semaphore(%arg15 : memref<!tpu.dma_semaphore, #tpu.memory_space<semaphore_mem>>) src(%dma_wait3A_274 : memref<80x32xf32, #tpu.memory_space<hbm>>) dst(%arg10 : memref<80x32xf32, #tpu.memory_space<vmem>>)
      %mul3A_275 = arith.constant 2 : i32
      %mul3A_276 = arith.muli %mul3A_275, %scan3A_237 : i32
      %add3A_277 = arith.constant 1 : i32
      %add3A_278 = arith.addi %mul3A_276, %add3A_277 : i32
      %mul3A_279 = arith.constant 80 : i32
      %mul3A_280 = arith.muli %add3A_278, %mul3A_279 : i32
      %multiple_of3A_281 = tpu.assume_multiple %mul3A_280, 8 : i32
      %dma_start3A_282 = tpu.memref_slice %arg7[%multiple_of3A_281] : memref<5040xi32, #tpu.memory_space<vmem>> -> memref<80xi32, #tpu.memory_space<vmem>>
      %dma_start3A_283 = arith.constant 0 : i32
      %dma_start3A_284 = arith.constant 0 : i32
      %dma_start3A_285 = tpu.memref_slice %arg13[%dma_start3A_283, %dma_start3A_284] : memref<10000x32xf32, #tpu.memory_space<vmem_shared>> -> memref<10000x32xf32, #tpu.memory_space<vmem_shared>>
      tpu.enqueue_indirect_dma source(%dma_start3A_285 : memref<10000x32xf32, #tpu.memory_space<vmem_shared>>) target(%arg10 : memref<80x32xf32, #tpu.memory_space<vmem>>) offsets(%dma_start3A_282 : memref<80xi32, #tpu.memory_space<vmem>>) semaphore(%arg17 : memref<!tpu.dma_semaphore, #tpu.memory_space<semaphore_mem>>) {add = true}
      %dma_wait3A_286 = tpu.memref_slice %arg7[%multiple_of3A_281] : memref<5040xi32, #tpu.memory_space<vmem>> -> memref<80xi32, #tpu.memory_space<vmem>>
      %dma_wait3A_287 = arith.constant 0 : i32
      %dma_wait3A_288 = arith.constant 0 : i32
      %dma_wait3A_289 = tpu.memref_slice %arg13[%dma_wait3A_287, %dma_wait3A_288] : memref<10000x32xf32, #tpu.memory_space<vmem_shared>> -> memref<10000x32xf32, #tpu.memory_space<vmem_shared>>
      tpu.wait_indirect_dma semaphore(%arg17 : memref<!tpu.dma_semaphore, #tpu.memory_space<semaphore_mem>>) src(%dma_wait3A_289 : memref<10000x32xf32, #tpu.memory_space<vmem_shared>>) dst(%arg10 : memref<80x32xf32, #tpu.memory_space<vmem>>)
      %mul3A_290 = arith.constant 2 : i32
      %mul3A_291 = arith.muli %mul3A_290, %scan3A_237 : i32
      %add3A_292 = arith.constant 1 : i32
      %add3A_293 = arith.addi %mul3A_291, %add3A_292 : i32
      %mul3A_294 = arith.constant 80 : i32
      %mul3A_295 = arith.muli %add3A_293, %mul3A_294 : i32
      %multiple_of3A_296 = tpu.assume_multiple %mul3A_295, 8 : i32
      %dma_start3A_297 = tpu.memref_slice %arg8[%multiple_of3A_296] : memref<5040xi32, #tpu.memory_space<vmem>> -> memref<80xi32, #tpu.memory_space<vmem>>
      %dma_start3A_298 = arith.constant 0 : i32
      %dma_start3A_299 = arith.constant 0 : i32
      %dma_start3A_300 = tpu.memref_slice %arg12[%dma_start3A_298, %dma_start3A_299] : memref<10000x32xf32, #tpu.memory_space<vmem_shared>> -> memref<10000x32xf32, #tpu.memory_space<vmem_shared>>
      tpu.enqueue_indirect_dma source(%arg10 : memref<80x32xf32, #tpu.memory_space<vmem>>) target(%dma_start3A_300 : memref<10000x32xf32, #tpu.memory_space<vmem_shared>>) offsets(%dma_start3A_297 : memref<80xi32, #tpu.memory_space<vmem>>) semaphore(%arg19 : memref<!tpu.dma_semaphore, #tpu.memory_space<semaphore_mem>>) {add = true}
      %dma_wait3A_301 = tpu.memref_slice %arg8[%multiple_of3A_264] : memref<5040xi32, #tpu.memory_space<vmem>> -> memref<80xi32, #tpu.memory_space<vmem>>
      %dma_wait3A_302 = arith.constant 0 : i32
      %dma_wait3A_303 = arith.constant 0 : i32
      %dma_wait3A_304 = tpu.memref_slice %arg12[%dma_wait3A_302, %dma_wait3A_303] : memref<10000x32xf32, #tpu.memory_space<vmem_shared>> -> memref<10000x32xf32, #tpu.memory_space<vmem_shared>>
      tpu.wait_indirect_dma semaphore(%arg18 : memref<!tpu.dma_semaphore, #tpu.memory_space<semaphore_mem>>) src(%arg9 : memref<80x32xf32, #tpu.memory_space<vmem>>) dst(%dma_wait3A_304 : memref<10000x32xf32, #tpu.memory_space<vmem_shared>>)
      %add3A_305 = arith.constant 2 : i32
      %add3A_306 = arith.addi %add3A_240, %add3A_305 : i32
      %min3A = arith.constant 1999 : i32
      %min3A_307 = arith.minsi %add3A_306, %min3A : i32
      %jit3A_308 = arith.constant 400 : i32
      %div3A_309 = arith.divsi %min3A_307, %jit3A_308 : i32
      %sign3A_310 = arith.constant 0 : i32
      %sign3A_311 = arith.cmpi sgt, %min3A_307, %sign3A_310 : i32
      %sign3A_312 = arith.extui %sign3A_311 : i1 to i32
      %sign3A_313 = arith.constant 0 : i32
      %sign3A_314 = arith.cmpi slt, %min3A_307, %sign3A_313 : i32
      %sign3A_315 = arith.extui %sign3A_314 : i1 to i32
      %sign3A_316 = arith.subi %sign3A_312, %sign3A_315 : i32
      %sign3A_317 = arith.constant 0 : i32
      %sign3A_318 = arith.cmpi sgt, %jit3A_308, %sign3A_317 : i32
      %sign3A_319 = arith.extui %sign3A_318 : i1 to i32
      %sign3A_320 = arith.constant 0 : i32
      %sign3A_321 = arith.cmpi slt, %jit3A_308, %sign3A_320 : i32
      %sign3A_322 = arith.extui %sign3A_321 : i1 to i32
      %sign3A_323 = arith.subi %sign3A_319, %sign3A_322 : i32
      %ne3A_324 = arith.cmpi ne, %sign3A_316, %sign3A_323 : i32
      %rem3A_325 = arith.remsi %min3A_307, %jit3A_308 : i32
      %ne3A_326 = arith.constant 0 : i32
      %ne3A_327 = arith.cmpi ne, %rem3A_325, %ne3A_326 : i32
      %and3A_328 = arith.andi %ne3A_324, %ne3A_327 : i1
      %sub3A_329 = arith.constant 1 : i32
      %sub3A_330 = arith.subi %div3A_309, %sub3A_329 : i32
      %select_n3A_331 = arith.select %and3A_328, %sub3A_330, %div3A_309 : i32
      %jit3A_332 = arith.constant 400 : i32
      %eq3A_333 = arith.constant 0 : i32
      %eq3A_334 = arith.cmpi eq, %jit3A_332, %eq3A_333 : i32
      %jit3A_335 = arith.constant 1 : i32
      %select_n3A_336 = arith.select %eq3A_334, %jit3A_335, %jit3A_332 : i32
      %rem3A_337 = arith.remsi %min3A_307, %select_n3A_336 : i32
      %ne3A_338 = arith.constant 0 : i32
      %ne3A_339 = arith.cmpi ne, %rem3A_337, %ne3A_338 : i32
      %lt3A_340 = arith.constant 0 : i32
      %lt3A_341 = arith.cmpi slt, %rem3A_337, %lt3A_340 : i32
      %lt3A_342 = arith.constant 0 : i32
      %lt3A_343 = arith.cmpi slt, %select_n3A_336, %lt3A_342 : i32
      %ne3A_344 = arith.xori %lt3A_341, %lt3A_343 : i1
      %and3A_345 = arith.andi %ne3A_344, %ne3A_339 : i1
      %add3A_346 = arith.addi %rem3A_337, %select_n3A_336 : i32
      %select_n3A_347 = arith.select %and3A_345, %add3A_346, %rem3A_337 : i32
      %jit3A_348 = arith.constant 100 : i32
      %div3A_349 = arith.divsi %select_n3A_347, %jit3A_348 : i32
      %sign3A_350 = arith.constant 0 : i32
      %sign3A_351 = arith.cmpi sgt, %select_n3A_347, %sign3A_350 : i32
      %sign3A_352 = arith.extui %sign3A_351 : i1 to i32
      %sign3A_353 = arith.constant 0 : i32
      %sign3A_354 = arith.cmpi slt, %select_n3A_347, %sign3A_353 : i32
      %sign3A_355 = arith.extui %sign3A_354 : i1 to i32
      %sign3A_356 = arith.subi %sign3A_352, %sign3A_355 : i32
      %sign3A_357 = arith.constant 0 : i32
      %sign3A_358 = arith.cmpi sgt, %jit3A_348, %sign3A_357 : i32
      %sign3A_359 = arith.extui %sign3A_358 : i1 to i32
      %sign3A_360 = arith.constant 0 : i32
      %sign3A_361 = arith.cmpi slt, %jit3A_348, %sign3A_360 : i32
      %sign3A_362 = arith.extui %sign3A_361 : i1 to i32
      %sign3A_363 = arith.subi %sign3A_359, %sign3A_362 : i32
      %ne3A_364 = arith.cmpi ne, %sign3A_356, %sign3A_363 : i32
      %rem3A_365 = arith.remsi %select_n3A_347, %jit3A_348 : i32
      %ne3A_366 = arith.constant 0 : i32
      %ne3A_367 = arith.cmpi ne, %rem3A_365, %ne3A_366 : i32
      %and3A_368 = arith.andi %ne3A_364, %ne3A_367 : i1
      %sub3A_369 = arith.constant 1 : i32
      %sub3A_370 = arith.subi %div3A_349, %sub3A_369 : i32
      %select_n3A_371 = arith.select %and3A_368, %sub3A_370, %div3A_349 : i32
      %jit3A_372 = arith.constant 100 : i32
      %eq3A_373 = arith.constant 0 : i32
      %eq3A_374 = arith.cmpi eq, %jit3A_372, %eq3A_373 : i32
      %jit3A_375 = arith.constant 1 : i32
      %select_n3A_376 = arith.select %eq3A_374, %jit3A_375, %jit3A_372 : i32
      %rem3A_377 = arith.remsi %select_n3A_347, %select_n3A_376 : i32
      %ne3A_378 = arith.constant 0 : i32
      %ne3A_379 = arith.cmpi ne, %rem3A_377, %ne3A_378 : i32
      %lt3A_380 = arith.constant 0 : i32
      %lt3A_381 = arith.cmpi slt, %rem3A_377, %lt3A_380 : i32
      %lt3A_382 = arith.constant 0 : i32
      %lt3A_383 = arith.cmpi slt, %select_n3A_376, %lt3A_382 : i32
      %ne3A_384 = arith.xori %lt3A_381, %lt3A_383 : i1
      %and3A_385 = arith.andi %ne3A_384, %ne3A_379 : i1
      %add3A_386 = arith.addi %rem3A_377, %select_n3A_376 : i32
      %select_n3A_387 = arith.select %and3A_385, %add3A_386, %rem3A_377 : i32
      %mul3A_388 = arith.constant 8000 : i32
      %mul3A_389 = arith.muli %select_n3A_331, %mul3A_388 : i32
      %mul3A_390 = arith.constant 80 : i32
      %mul3A_391 = arith.muli %select_n3A_387, %mul3A_390 : i32
      %add3A_392 = arith.addi %mul3A_389, %mul3A_391 : i32
      %mul3A_393 = arith.constant 32 : i32
      %mul3A_394 = arith.muli %select_n3A_371, %mul3A_393 : i32
      %dma_start3A_395 = tpu.memref_slice %arg3[%add3A_392, %mul3A_394] : memref<40000x128xf32, #tpu.memory_space<hbm>> -> memref<80x32xf32, #tpu.memory_space<hbm>>
      %dma_start3A_396 = tpu.memref_slice %arg3[%add3A_392, %mul3A_394] : memref<40000x128xf32, #tpu.memory_space<hbm>> -> memref<80x32xf32, #tpu.memory_space<hbm>>
      tpu.enqueue_dma source(%dma_start3A_396 : memref<80x32xf32, #tpu.memory_space<hbm>>) target(%arg9 : memref<80x32xf32, #tpu.memory_space<vmem>>) target_semaphore(%arg14 : memref<!tpu.dma_semaphore, #tpu.memory_space<semaphore_mem>>)
      %dma_wait3A_397 = tpu.memref_slice %arg8[%multiple_of3A_296] : memref<5040xi32, #tpu.memory_space<vmem>> -> memref<80xi32, #tpu.memory_space<vmem>>
      %dma_wait3A_398 = arith.constant 0 : i32
      %dma_wait3A_399 = arith.constant 0 : i32
      %dma_wait3A_400 = tpu.memref_slice %arg12[%dma_wait3A_398, %dma_wait3A_399] : memref<10000x32xf32, #tpu.memory_space<vmem_shared>> -> memref<10000x32xf32, #tpu.memory_space<vmem_shared>>
      tpu.wait_indirect_dma semaphore(%arg19 : memref<!tpu.dma_semaphore, #tpu.memory_space<semaphore_mem>>) src(%arg10 : memref<80x32xf32, #tpu.memory_space<vmem>>) dst(%dma_wait3A_400 : memref<10000x32xf32, #tpu.memory_space<vmem_shared>>)
      %add3A_401 = arith.constant 3 : i32
      %add3A_402 = arith.addi %add3A_240, %add3A_401 : i32
      %min3A_403 = arith.constant 1999 : i32
      %min3A_404 = arith.minsi %add3A_402, %min3A_403 : i32
      %jit3A_405 = arith.constant 400 : i32
      %div3A_406 = arith.divsi %min3A_404, %jit3A_405 : i32
      %sign3A_407 = arith.constant 0 : i32
      %sign3A_408 = arith.cmpi sgt, %min3A_404, %sign3A_407 : i32
      %sign3A_409 = arith.extui %sign3A_408 : i1 to i32
      %sign3A_410 = arith.constant 0 : i32
      %sign3A_411 = arith.cmpi slt, %min3A_404, %sign3A_410 : i32
      %sign3A_412 = arith.extui %sign3A_411 : i1 to i32
      %sign3A_413 = arith.subi %sign3A_409, %sign3A_412 : i32
      %sign3A_414 = arith.constant 0 : i32
      %sign3A_415 = arith.cmpi sgt, %jit3A_405, %sign3A_414 : i32
      %sign3A_416 = arith.extui %sign3A_415 : i1 to i32
      %sign3A_417 = arith.constant 0 : i32
      %sign3A_418 = arith.cmpi slt, %jit3A_405, %sign3A_417 : i32
      %sign3A_419 = arith.extui %sign3A_418 : i1 to i32
      %sign3A_420 = arith.subi %sign3A_416, %sign3A_419 : i32
      %ne3A_421 = arith.cmpi ne, %sign3A_413, %sign3A_420 : i32
      %rem3A_422 = arith.remsi %min3A_404, %jit3A_405 : i32
      %ne3A_423 = arith.constant 0 : i32
      %ne3A_424 = arith.cmpi ne, %rem3A_422, %ne3A_423 : i32
      %and3A_425 = arith.andi %ne3A_421, %ne3A_424 : i1
      %sub3A_426 = arith.constant 1 : i32
      %sub3A_427 = arith.subi %div3A_406, %sub3A_426 : i32
      %select_n3A_428 = arith.select %and3A_425, %sub3A_427, %div3A_406 : i32
      %jit3A_429 = arith.constant 400 : i32
      %eq3A_430 = arith.constant 0 : i32
      %eq3A_431 = arith.cmpi eq, %jit3A_429, %eq3A_430 : i32
      %jit3A_432 = arith.constant 1 : i32
      %select_n3A_433 = arith.select %eq3A_431, %jit3A_432, %jit3A_429 : i32
      %rem3A_434 = arith.remsi %min3A_404, %select_n3A_433 : i32
      %ne3A_435 = arith.constant 0 : i32
      %ne3A_436 = arith.cmpi ne, %rem3A_434, %ne3A_435 : i32
      %lt3A_437 = arith.constant 0 : i32
      %lt3A_438 = arith.cmpi slt, %rem3A_434, %lt3A_437 : i32
      %lt3A_439 = arith.constant 0 : i32
      %lt3A_440 = arith.cmpi slt, %select_n3A_433, %lt3A_439 : i32
      %ne3A_441 = arith.xori %lt3A_438, %lt3A_440 : i1
      %and3A_442 = arith.andi %ne3A_441, %ne3A_436 : i1
      %add3A_443 = arith.addi %rem3A_434, %select_n3A_433 : i32
      %select_n3A_444 = arith.select %and3A_442, %add3A_443, %rem3A_434 : i32
      %jit3A_445 = arith.constant 100 : i32
      %div3A_446 = arith.divsi %select_n3A_444, %jit3A_445 : i32
      %sign3A_447 = arith.constant 0 : i32
      %sign3A_448 = arith.cmpi sgt, %select_n3A_444, %sign3A_447 : i32
      %sign3A_449 = arith.extui %sign3A_448 : i1 to i32
      %sign3A_450 = arith.constant 0 : i32
      %sign3A_451 = arith.cmpi slt, %select_n3A_444, %sign3A_450 : i32
      %sign3A_452 = arith.extui %sign3A_451 : i1 to i32
      %sign3A_453 = arith.subi %sign3A_449, %sign3A_452 : i32
      %sign3A_454 = arith.constant 0 : i32
      %sign3A_455 = arith.cmpi sgt, %jit3A_445, %sign3A_454 : i32
      %sign3A_456 = arith.extui %sign3A_455 : i1 to i32
      %sign3A_457 = arith.constant 0 : i32
      %sign3A_458 = arith.cmpi slt, %jit3A_445, %sign3A_457 : i32
      %sign3A_459 = arith.extui %sign3A_458 : i1 to i32
      %sign3A_460 = arith.subi %sign3A_456, %sign3A_459 : i32
      %ne3A_461 = arith.cmpi ne, %sign3A_453, %sign3A_460 : i32
      %rem3A_462 = arith.remsi %select_n3A_444, %jit3A_445 : i32
      %ne3A_463 = arith.constant 0 : i32
      %ne3A_464 = arith.cmpi ne, %rem3A_462, %ne3A_463 : i32
      %and3A_465 = arith.andi %ne3A_461, %ne3A_464 : i1
      %sub3A_466 = arith.constant 1 : i32
      %sub3A_467 = arith.subi %div3A_446, %sub3A_466 : i32
      %select_n3A_468 = arith.select %and3A_465, %sub3A_467, %div3A_446 : i32
      %jit3A_469 = arith.constant 100 : i32
      %eq3A_470 = arith.constant 0 : i32
      %eq3A_471 = arith.cmpi eq, %jit3A_469, %eq3A_470 : i32
      %jit3A_472 = arith.constant 1 : i32
      %select_n3A_473 = arith.select %eq3A_471, %jit3A_472, %jit3A_469 : i32
      %rem3A_474 = arith.remsi %select_n3A_444, %select_n3A_473 : i32
      %ne3A_475 = arith.constant 0 : i32
      %ne3A_476 = arith.cmpi ne, %rem3A_474, %ne3A_475 : i32
      %lt3A_477 = arith.constant 0 : i32
      %lt3A_478 = arith.cmpi slt, %rem3A_474, %lt3A_477 : i32
      %lt3A_479 = arith.constant 0 : i32
      %lt3A_480 = arith.cmpi slt, %select_n3A_473, %lt3A_479 : i32
      %ne3A_481 = arith.xori %lt3A_478, %lt3A_480 : i1
      %and3A_482 = arith.andi %ne3A_481, %ne3A_476 : i1
      %add3A_483 = arith.addi %rem3A_474, %select_n3A_473 : i32
      %select_n3A_484 = arith.select %and3A_482, %add3A_483, %rem3A_474 : i32
      %mul3A_485 = arith.constant 8000 : i32
      %mul3A_486 = arith.muli %select_n3A_428, %mul3A_485 : i32
      %mul3A_487 = arith.constant 80 : i32
      %mul3A_488 = arith.muli %select_n3A_484, %mul3A_487 : i32
      %add3A_489 = arith.addi %mul3A_486, %mul3A_488 : i32
      %mul3A_490 = arith.constant 32 : i32
      %mul3A_491 = arith.muli %select_n3A_468, %mul3A_490 : i32
      %dma_start3A_492 = tpu.memref_slice %arg3[%add3A_489, %mul3A_491] : memref<40000x128xf32, #tpu.memory_space<hbm>> -> memref<80x32xf32, #tpu.memory_space<hbm>>
      %dma_start3A_493 = tpu.memref_slice %arg3[%add3A_489, %mul3A_491] : memref<40000x128xf32, #tpu.memory_space<hbm>> -> memref<80x32xf32, #tpu.memory_space<hbm>>
      tpu.enqueue_dma source(%dma_start3A_493 : memref<80x32xf32, #tpu.memory_space<hbm>>) target(%arg10 : memref<80x32xf32, #tpu.memory_space<vmem>>) target_semaphore(%arg15 : memref<!tpu.dma_semaphore, #tpu.memory_space<semaphore_mem>>)
    }
    %scan3A_209 = arith.constant 31 : i32
    %dma_wait3A = arith.constant 0 : i32
    %dma_wait3A_210 = arith.constant 0 : i32
    %dma_wait3A_211 = tpu.memref_slice %arg3[%dma_wait3A, %dma_wait3A_210] : memref<40000x128xf32, #tpu.memory_space<hbm>> -> memref<80x32xf32, #tpu.memory_space<hbm>>
    %dma_wait3A_212 = arith.constant 0 : i32
    %dma_wait3A_213 = arith.constant 0 : i32
    %dma_wait3A_214 = tpu.memref_slice %arg3[%dma_wait3A_212, %dma_wait3A_213] : memref<40000x128xf32, #tpu.memory_space<hbm>> -> memref<80x32xf32, #tpu.memory_space<hbm>>
    tpu.wait_dma2 semaphore(%arg14 : memref<!tpu.dma_semaphore, #tpu.memory_space<semaphore_mem>>) src(%dma_wait3A_214 : memref<80x32xf32, #tpu.memory_space<hbm>>) dst(%arg9 : memref<80x32xf32, #tpu.memory_space<vmem>>)
    %dma_wait3A_215 = arith.constant 0 : i32
    %dma_wait3A_216 = arith.constant 0 : i32
    %dma_wait3A_217 = tpu.memref_slice %arg3[%dma_wait3A_215, %dma_wait3A_216] : memref<40000x128xf32, #tpu.memory_space<hbm>> -> memref<80x32xf32, #tpu.memory_space<hbm>>
    %dma_wait3A_218 = arith.constant 0 : i32
    %dma_wait3A_219 = arith.constant 0 : i32
    %dma_wait3A_220 = tpu.memref_slice %arg3[%dma_wait3A_218, %dma_wait3A_219] : memref<40000x128xf32, #tpu.memory_space<hbm>> -> memref<80x32xf32, #tpu.memory_space<hbm>>
    tpu.wait_dma2 semaphore(%arg15 : memref<!tpu.dma_semaphore, #tpu.memory_space<semaphore_mem>>) src(%dma_wait3A_220 : memref<80x32xf32, #tpu.memory_space<hbm>>) dst(%arg10 : memref<80x32xf32, #tpu.memory_space<vmem>>)
    %lt3A_221 = arith.constant 16 : i32
    %lt3A_222 = arith.cmpi slt, %add3A, %lt3A_221 : i32
    %convert_element_type3A_223 = arith.extui %lt3A_222 : i1 to i32
    %cond3A_224 = arith.constant 0 : i32
    %cond3A_225 = arith.cmpi ne, %convert_element_type3A_223, %cond3A_224 : i32
    scf.if %cond3A_225 {
      %add3A_237 = arith.constant 1984 : i32
      %add3A_238 = arith.addi %add3A_237, %add3A : i32
      %jit3A_239 = arith.constant 400 : i32
      %div3A_240 = arith.divsi %add3A_238, %jit3A_239 : i32
      %sign3A_241 = arith.constant 0 : i32
      %sign3A_242 = arith.cmpi sgt, %add3A_238, %sign3A_241 : i32
      %sign3A_243 = arith.extui %sign3A_242 : i1 to i32
      %sign3A_244 = arith.constant 0 : i32
      %sign3A_245 = arith.cmpi slt, %add3A_238, %sign3A_244 : i32
      %sign3A_246 = arith.extui %sign3A_245 : i1 to i32
      %sign3A_247 = arith.subi %sign3A_243, %sign3A_246 : i32
      %sign3A_248 = arith.constant 0 : i32
      %sign3A_249 = arith.cmpi sgt, %jit3A_239, %sign3A_248 : i32
      %sign3A_250 = arith.extui %sign3A_249 : i1 to i32
      %sign3A_251 = arith.constant 0 : i32
      %sign3A_252 = arith.cmpi slt, %jit3A_239, %sign3A_251 : i32
      %sign3A_253 = arith.extui %sign3A_252 : i1 to i32
      %sign3A_254 = arith.subi %sign3A_250, %sign3A_253 : i32
      %ne3A_255 = arith.cmpi ne, %sign3A_247, %sign3A_254 : i32
      %rem3A_256 = arith.remsi %add3A_238, %jit3A_239 : i32
      %ne3A_257 = arith.constant 0 : i32
      %ne3A_258 = arith.cmpi ne, %rem3A_256, %ne3A_257 : i32
      %and3A_259 = arith.andi %ne3A_255, %ne3A_258 : i1
      %sub3A_260 = arith.constant 1 : i32
      %sub3A_261 = arith.subi %div3A_240, %sub3A_260 : i32
      %select_n3A_262 = arith.select %and3A_259, %sub3A_261, %div3A_240 : i32
      %jit3A_263 = arith.constant 400 : i32
      %eq3A_264 = arith.constant 0 : i32
      %eq3A_265 = arith.cmpi eq, %jit3A_263, %eq3A_264 : i32
      %jit3A_266 = arith.constant 1 : i32
      %select_n3A_267 = arith.select %eq3A_265, %jit3A_266, %jit3A_263 : i32
      %rem3A_268 = arith.remsi %add3A_238, %select_n3A_267 : i32
      %ne3A_269 = arith.constant 0 : i32
      %ne3A_270 = arith.cmpi ne, %rem3A_268, %ne3A_269 : i32
      %lt3A_271 = arith.constant 0 : i32
      %lt3A_272 = arith.cmpi slt, %rem3A_268, %lt3A_271 : i32
      %lt3A_273 = arith.constant 0 : i32
      %lt3A_274 = arith.cmpi slt, %select_n3A_267, %lt3A_273 : i32
      %ne3A_275 = arith.xori %lt3A_272, %lt3A_274 : i1
      %and3A_276 = arith.andi %ne3A_275, %ne3A_270 : i1
      %add3A_277 = arith.addi %rem3A_268, %select_n3A_267 : i32
      %select_n3A_278 = arith.select %and3A_276, %add3A_277, %rem3A_268 : i32
      %jit3A_279 = arith.constant 100 : i32
      %div3A_280 = arith.divsi %select_n3A_278, %jit3A_279 : i32
      %sign3A_281 = arith.constant 0 : i32
      %sign3A_282 = arith.cmpi sgt, %select_n3A_278, %sign3A_281 : i32
      %sign3A_283 = arith.extui %sign3A_282 : i1 to i32
      %sign3A_284 = arith.constant 0 : i32
      %sign3A_285 = arith.cmpi slt, %select_n3A_278, %sign3A_284 : i32
      %sign3A_286 = arith.extui %sign3A_285 : i1 to i32
      %sign3A_287 = arith.subi %sign3A_283, %sign3A_286 : i32
      %sign3A_288 = arith.constant 0 : i32
      %sign3A_289 = arith.cmpi sgt, %jit3A_279, %sign3A_288 : i32
      %sign3A_290 = arith.extui %sign3A_289 : i1 to i32
      %sign3A_291 = arith.constant 0 : i32
      %sign3A_292 = arith.cmpi slt, %jit3A_279, %sign3A_291 : i32
      %sign3A_293 = arith.extui %sign3A_292 : i1 to i32
      %sign3A_294 = arith.subi %sign3A_290, %sign3A_293 : i32
      %ne3A_295 = arith.cmpi ne, %sign3A_287, %sign3A_294 : i32
      %rem3A_296 = arith.remsi %select_n3A_278, %jit3A_279 : i32
      %ne3A_297 = arith.constant 0 : i32
      %ne3A_298 = arith.cmpi ne, %rem3A_296, %ne3A_297 : i32
      %and3A_299 = arith.andi %ne3A_295, %ne3A_298 : i1
      %sub3A_300 = arith.constant 1 : i32
      %sub3A_301 = arith.subi %div3A_280, %sub3A_300 : i32
      %select_n3A_302 = arith.select %and3A_299, %sub3A_301, %div3A_280 : i32
      %jit3A_303 = arith.constant 100 : i32
      %eq3A_304 = arith.constant 0 : i32
      %eq3A_305 = arith.cmpi eq, %jit3A_303, %eq3A_304 : i32
      %jit3A_306 = arith.constant 1 : i32
      %select_n3A_307 = arith.select %eq3A_305, %jit3A_306, %jit3A_303 : i32
      %rem3A_308 = arith.remsi %select_n3A_278, %select_n3A_307 : i32
      %ne3A_309 = arith.constant 0 : i32
      %ne3A_310 = arith.cmpi ne, %rem3A_308, %ne3A_309 : i32
      %lt3A_311 = arith.constant 0 : i32
      %lt3A_312 = arith.cmpi slt, %rem3A_308, %lt3A_311 : i32
      %lt3A_313 = arith.constant 0 : i32
      %lt3A_314 = arith.cmpi slt, %select_n3A_307, %lt3A_313 : i32
      %ne3A_315 = arith.xori %lt3A_312, %lt3A_314 : i1
      %and3A_316 = arith.andi %ne3A_315, %ne3A_310 : i1
      %add3A_317 = arith.addi %rem3A_308, %select_n3A_307 : i32
      %select_n3A_318 = arith.select %and3A_316, %add3A_317, %rem3A_308 : i32
      %mul3A_319 = arith.constant 8000 : i32
      %mul3A_320 = arith.muli %select_n3A_262, %mul3A_319 : i32
      %mul3A_321 = arith.constant 80 : i32
      %mul3A_322 = arith.muli %select_n3A_318, %mul3A_321 : i32
      %add3A_323 = arith.addi %mul3A_320, %mul3A_322 : i32
      %mul3A_324 = arith.constant 32 : i32
      %mul3A_325 = arith.muli %select_n3A_302, %mul3A_324 : i32
      "tpu.region"() ({
        %run_scoped3A = tpu.sem_alloc : memref<!tpu.dma_semaphore, #tpu.memory_space<semaphore_mem>>
        %dma_start3A_346 = tpu.memref_slice %arg3[%add3A_323, %mul3A_325] : memref<40000x128xf32, #tpu.memory_space<hbm>> -> memref<80x32xf32, #tpu.memory_space<hbm>>
        %dma_start3A_347 = tpu.memref_slice %arg3[%add3A_323, %mul3A_325] : memref<40000x128xf32, #tpu.memory_space<hbm>> -> memref<80x32xf32, #tpu.memory_space<hbm>>
        tpu.enqueue_dma source(%dma_start3A_347 : memref<80x32xf32, #tpu.memory_space<hbm>>) target(%arg9 : memref<80x32xf32, #tpu.memory_space<vmem>>) target_semaphore(%run_scoped3A : memref<!tpu.dma_semaphore, #tpu.memory_space<semaphore_mem>>)
        %dma_wait3A_348 = tpu.memref_slice %arg3[%add3A_323, %mul3A_325] : memref<40000x128xf32, #tpu.memory_space<hbm>> -> memref<80x32xf32, #tpu.memory_space<hbm>>
        %dma_wait3A_349 = tpu.memref_slice %arg3[%add3A_323, %mul3A_325] : memref<40000x128xf32, #tpu.memory_space<hbm>> -> memref<80x32xf32, #tpu.memory_space<hbm>>
        tpu.wait_dma2 semaphore(%run_scoped3A : memref<!tpu.dma_semaphore, #tpu.memory_space<semaphore_mem>>) src(%dma_wait3A_349 : memref<80x32xf32, #tpu.memory_space<hbm>>) dst(%arg9 : memref<80x32xf32, #tpu.memory_space<vmem>>)
        tpu.yield
      }) : () -> ()
      %multiple_of3A_326 = arith.constant 4960 : i32
      %multiple_of3A_327 = tpu.assume_multiple %multiple_of3A_326, 8 : i32
      %dma_start3A_328 = tpu.memref_slice %arg7[%multiple_of3A_327] : memref<5040xi32, #tpu.memory_space<vmem>> -> memref<80xi32, #tpu.memory_space<vmem>>
      %dma_start3A_329 = arith.constant 0 : i32
      %dma_start3A_330 = arith.constant 0 : i32
      %dma_start3A_331 = tpu.memref_slice %arg13[%dma_start3A_329, %dma_start3A_330] : memref<10000x32xf32, #tpu.memory_space<vmem_shared>> -> memref<10000x32xf32, #tpu.memory_space<vmem_shared>>
      tpu.enqueue_indirect_dma source(%dma_start3A_331 : memref<10000x32xf32, #tpu.memory_space<vmem_shared>>) target(%arg9 : memref<80x32xf32, #tpu.memory_space<vmem>>) offsets(%dma_start3A_328 : memref<80xi32, #tpu.memory_space<vmem>>) semaphore(%arg16 : memref<!tpu.dma_semaphore, #tpu.memory_space<semaphore_mem>>) {add = true}
      %dma_wait3A_332 = tpu.memref_slice %arg7[%multiple_of3A_327] : memref<5040xi32, #tpu.memory_space<vmem>> -> memref<80xi32, #tpu.memory_space<vmem>>
      %dma_wait3A_333 = arith.constant 0 : i32
      %dma_wait3A_334 = arith.constant 0 : i32
      %dma_wait3A_335 = tpu.memref_slice %arg13[%dma_wait3A_333, %dma_wait3A_334] : memref<10000x32xf32, #tpu.memory_space<vmem_shared>> -> memref<10000x32xf32, #tpu.memory_space<vmem_shared>>
      tpu.wait_indirect_dma semaphore(%arg16 : memref<!tpu.dma_semaphore, #tpu.memory_space<semaphore_mem>>) src(%dma_wait3A_335 : memref<10000x32xf32, #tpu.memory_space<vmem_shared>>) dst(%arg9 : memref<80x32xf32, #tpu.memory_space<vmem>>)
      %multiple_of3A_336 = arith.constant 4960 : i32
      %multiple_of3A_337 = tpu.assume_multiple %multiple_of3A_336, 8 : i32
      %dma_start3A_338 = tpu.memref_slice %arg8[%multiple_of3A_337] : memref<5040xi32, #tpu.memory_space<vmem>> -> memref<80xi32, #tpu.memory_space<vmem>>
      %dma_start3A_339 = arith.constant 0 : i32
      %dma_start3A_340 = arith.constant 0 : i32
      %dma_start3A_341 = tpu.memref_slice %arg12[%dma_start3A_339, %dma_start3A_340] : memref<10000x32xf32, #tpu.memory_space<vmem_shared>> -> memref<10000x32xf32, #tpu.memory_space<vmem_shared>>
      tpu.enqueue_indirect_dma source(%arg9 : memref<80x32xf32, #tpu.memory_space<vmem>>) target(%dma_start3A_341 : memref<10000x32xf32, #tpu.memory_space<vmem_shared>>) offsets(%dma_start3A_338 : memref<80xi32, #tpu.memory_space<vmem>>) semaphore(%arg18 : memref<!tpu.dma_semaphore, #tpu.memory_space<semaphore_mem>>) {add = true}
      %dma_wait3A_342 = tpu.memref_slice %arg8[%multiple_of3A_337] : memref<5040xi32, #tpu.memory_space<vmem>> -> memref<80xi32, #tpu.memory_space<vmem>>
      %dma_wait3A_343 = arith.constant 0 : i32
      %dma_wait3A_344 = arith.constant 0 : i32
      %dma_wait3A_345 = tpu.memref_slice %arg12[%dma_wait3A_343, %dma_wait3A_344] : memref<10000x32xf32, #tpu.memory_space<vmem_shared>> -> memref<10000x32xf32, #tpu.memory_space<vmem_shared>>
      tpu.wait_indirect_dma semaphore(%arg18 : memref<!tpu.dma_semaphore, #tpu.memory_space<semaphore_mem>>) src(%arg9 : memref<80x32xf32, #tpu.memory_space<vmem>>) dst(%dma_wait3A_345 : memref<10000x32xf32, #tpu.memory_space<vmem_shared>>)
    } else {
    }
    %barrier3A_226 = arith.constant 0 : index
    tpu.barrier barrier_id(%barrier3A_226)
    %lt3A_227 = arith.constant 15 : i32
    %lt3A_228 = arith.cmpi slt, %arg1, %lt3A_227 : i32
    %convert_element_type3A_229 = arith.extui %lt3A_228 : i1 to i32
    %cond3A_230 = arith.constant 0 : i32
    %cond3A_231 = arith.cmpi ne, %convert_element_type3A_229, %cond3A_230 : i32
    scf.if %cond3A_231 {
      %mul3A_237 = arith.constant 624 : i32
      %mul3A_238 = arith.muli %arg1, %mul3A_237 : i32
      %multiple_of3A_239 = tpu.assume_multiple %mul3A_238, 8 : i32
      "tpu.region"() ({
        %run_scoped3A = tpu.sem_alloc : memref<!tpu.dma_semaphore, #tpu.memory_space<semaphore_mem>>
        %dma_start3A_240 = arith.constant 0 : i32
        %dma_start3A_241 = tpu.memref_slice %arg6[%arg0, %multiple_of3A_239, %dma_start3A_240] : memref<2x10000x32xf32, #tpu.memory_space<hbm>> -> memref<1x624x32xf32, #tpu.memory_space<hbm>>
        %dma_start3A_242 = tpu.memref_squeeze %dma_start3A_241 : memref<1x624x32xf32, #tpu.memory_space<hbm>> -> memref<624x32xf32, #tpu.memory_space<hbm>>
        %dma_start3A_243 = arith.constant 0 : i32
        %dma_start3A_244 = tpu.memref_slice %arg12[%multiple_of3A_239, %dma_start3A_243] : memref<10000x32xf32, #tpu.memory_space<vmem_shared>> -> memref<624x32xf32, #tpu.memory_space<vmem_shared>>
        tpu.enqueue_dma source(%dma_start3A_244 : memref<624x32xf32, #tpu.memory_space<vmem_shared>>) target(%dma_start3A_242 : memref<624x32xf32, #tpu.memory_space<hbm>>) target_semaphore(%run_scoped3A : memref<!tpu.dma_semaphore, #tpu.memory_space<semaphore_mem>>)
        %dma_wait3A_245 = arith.constant 0 : i32
        %dma_wait3A_246 = tpu.memref_slice %arg6[%arg0, %multiple_of3A_239, %dma_wait3A_245] : memref<2x10000x32xf32, #tpu.memory_space<hbm>> -> memref<1x624x32xf32, #tpu.memory_space<hbm>>
        %dma_wait3A_247 = tpu.memref_squeeze %dma_wait3A_246 : memref<1x624x32xf32, #tpu.memory_space<hbm>> -> memref<624x32xf32, #tpu.memory_space<hbm>>
        %dma_wait3A_248 = arith.constant 0 : i32
        %dma_wait3A_249 = tpu.memref_slice %arg12[%multiple_of3A_239, %dma_wait3A_248] : memref<10000x32xf32, #tpu.memory_space<vmem_shared>> -> memref<624x32xf32, #tpu.memory_space<vmem_shared>>
        tpu.wait_dma2 semaphore(%run_scoped3A : memref<!tpu.dma_semaphore, #tpu.memory_space<semaphore_mem>>) src(%dma_wait3A_249 : memref<624x32xf32, #tpu.memory_space<vmem_shared>>) dst(%dma_wait3A_247 : memref<624x32xf32, #tpu.memory_space<hbm>>)
        tpu.yield
      }) : () -> ()
    } else {
    }
    %eq3A_232 = arith.constant 15 : i32
    %eq3A_233 = arith.cmpi eq, %arg1, %eq3A_232 : i32
    %convert_element_type3A_234 = arith.extui %eq3A_233 : i1 to i32
    %cond3A_235 = arith.constant 0 : i32
    %cond3A_236 = arith.cmpi ne, %convert_element_type3A_234, %cond3A_235 : i32
    scf.if %cond3A_236 {
      "tpu.region"() ({
        %run_scoped3A = tpu.sem_alloc : memref<!tpu.dma_semaphore, #tpu.memory_space<semaphore_mem>>
        %dma_start3A_237 = arith.constant 9360 : i32
        %dma_start3A_238 = arith.constant 0 : i32
        %dma_start3A_239 = tpu.memref_slice %arg6[%arg0, %dma_start3A_237, %dma_start3A_238] : memref<2x10000x32xf32, #tpu.memory_space<hbm>> -> memref<1x640x32xf32, #tpu.memory_space<hbm>>
        %dma_start3A_240 = tpu.memref_squeeze %dma_start3A_239 : memref<1x640x32xf32, #tpu.memory_space<hbm>> -> memref<640x32xf32, #tpu.memory_space<hbm>>
        %dma_start3A_241 = arith.constant 9360 : i32
        %dma_start3A_242 = arith.constant 0 : i32
        %dma_start3A_243 = tpu.memref_slice %arg12[%dma_start3A_241, %dma_start3A_242] : memref<10000x32xf32, #tpu.memory_space<vmem_shared>> -> memref<640x32xf32, #tpu.memory_space<vmem_shared>>
        tpu.enqueue_dma source(%dma_start3A_243 : memref<640x32xf32, #tpu.memory_space<vmem_shared>>) target(%dma_start3A_240 : memref<640x32xf32, #tpu.memory_space<hbm>>) target_semaphore(%run_scoped3A : memref<!tpu.dma_semaphore, #tpu.memory_space<semaphore_mem>>)
        %dma_wait3A_244 = arith.constant 9360 : i32
        %dma_wait3A_245 = arith.constant 0 : i32
        %dma_wait3A_246 = tpu.memref_slice %arg6[%arg0, %dma_wait3A_244, %dma_wait3A_245] : memref<2x10000x32xf32, #tpu.memory_space<hbm>> -> memref<1x640x32xf32, #tpu.memory_space<hbm>>
        %dma_wait3A_247 = tpu.memref_squeeze %dma_wait3A_246 : memref<1x640x32xf32, #tpu.memory_space<hbm>> -> memref<640x32xf32, #tpu.memory_space<hbm>>
        %dma_wait3A_248 = arith.constant 9360 : i32
        %dma_wait3A_249 = arith.constant 0 : i32
        %dma_wait3A_250 = tpu.memref_slice %arg12[%dma_wait3A_248, %dma_wait3A_249] : memref<10000x32xf32, #tpu.memory_space<vmem_shared>> -> memref<640x32xf32, #tpu.memory_space<vmem_shared>>
        tpu.wait_dma2 semaphore(%run_scoped3A : memref<!tpu.dma_semaphore, #tpu.memory_space<semaphore_mem>>) src(%dma_wait3A_250 : memref<640x32xf32, #tpu.memory_space<vmem_shared>>) dst(%dma_wait3A_247 : memref<640x32xf32, #tpu.memory_space<hbm>>)
        tpu.yield
      }) : () -> ()
    } else {
    }
    return
  }
}

#map = affine_map<(d0, d1) -> (0, 0)>
#map1 = affine_map<(d0, d1) -> (0)>
#map2 = affine_map<(d0, d1) -> (0, 0, 0)>
module attributes {stable_mosaic.version = 14 : i64} {
  func.func @body(%arg0: i32, %arg1: i32, %arg2: memref<10000x32xf32, #tpu.memory_space<hbm>>, %arg3: memref<40000x128xf32, #tpu.memory_space<hbm>>, %arg4: memref<320000xi32, #tpu.memory_space<hbm>>, %arg5: memref<320000xi32, #tpu.memory_space<hbm>>, %arg6: memref<2x10000x32xf32, #tpu.memory_space<hbm>>, %arg7: memref<2x10000x32xf32, #tpu.memory_space<hbm>>, %arg8: memref<5040xi32, #tpu.memory_space<vmem>>, %arg9: memref<5040xi32, #tpu.memory_space<vmem>>, %arg10: memref<80x32xf32, #tpu.memory_space<vmem>>, %arg11: memref<80x32xf32, #tpu.memory_space<vmem>>, %arg12: memref<640x32xf32, #tpu.memory_space<vmem>>, %arg13: memref<10000x32xf32, #tpu.memory_space<vmem_shared>>, %arg14: memref<10000x32xf32, #tpu.memory_space<vmem_shared>>, %arg15: memref<!tpu.dma_semaphore, #tpu.memory_space<semaphore_mem>>, %arg16: memref<!tpu.dma_semaphore, #tpu.memory_space<semaphore_mem>>, %arg17: memref<!tpu.dma_semaphore, #tpu.memory_space<semaphore_mem>>, %arg18: memref<!tpu.dma_semaphore, #tpu.memory_space<semaphore_mem>>, %arg19: memref<!tpu.dma_semaphore, #tpu.memory_space<semaphore_mem>>, %arg20: memref<!tpu.dma_semaphore, #tpu.memory_space<semaphore_mem>>) attributes {dimension_semantics = [#tpu.dimension_semantics<core_parallel>, #tpu.dimension_semantics<subcore_parallel>], iteration_bounds = array<i64: 2, 16>, scalar_prefetch = 0 : i64, scratch_operands = 13 : i64, tpu.core_type = #tpu.core_type<sc_vector_subcore>, window_params = [{transform_indices = #map}, {transform_indices = #map}, {transform_indices = #map1}, {transform_indices = #map1}, {transform_indices = #map2}, {transform_indices = #map2}]} {
    %mul3A = arith.constant 2 : i32
    %mul3A_0 = arith.muli %arg1, %mul3A : i32
    %add3A = arith.addi %mul3A_0, %arg0 : i32
    %lt3A = arith.constant 15 : i32
    %lt3A_1 = arith.cmpi slt, %arg1, %lt3A : i32
    %convert_element_type3A = arith.extui %lt3A_1 : i1 to i32
    %cond3A = arith.constant 0 : i32
    %cond3A_2 = arith.cmpi ne, %convert_element_type3A, %cond3A : i32
    scf.if %cond3A_2 {
      %mul3A_231 = arith.constant 624 : i32
      %mul3A_232 = arith.muli %arg1, %mul3A_231 : i32
      %multiple_of3A_233 = tpu.assume_multiple %mul3A_232, 8 : i32
      "tpu.region"() ({
        %run_scoped3A = tpu.sem_alloc : memref<!tpu.dma_semaphore, #tpu.memory_space<semaphore_mem>>
        %dma_start3A_234 = arith.constant 0 : i32
        %dma_start3A_235 = tpu.memref_slice %arg14[%multiple_of3A_233, %dma_start3A_234] : memref<10000x32xf32, #tpu.memory_space<vmem_shared>> -> memref<624x32xf32, #tpu.memory_space<vmem_shared>>
        %dma_start3A_236 = arith.constant 0 : i32
        %dma_start3A_237 = tpu.memref_slice %arg2[%multiple_of3A_233, %dma_start3A_236] : memref<10000x32xf32, #tpu.memory_space<hbm>> -> memref<624x32xf32, #tpu.memory_space<hbm>>
        tpu.enqueue_dma source(%dma_start3A_237 : memref<624x32xf32, #tpu.memory_space<hbm>>) target(%dma_start3A_235 : memref<624x32xf32, #tpu.memory_space<vmem_shared>>) target_semaphore(%run_scoped3A : memref<!tpu.dma_semaphore, #tpu.memory_space<semaphore_mem>>)
        %dma_wait3A_238 = arith.constant 0 : i32
        %dma_wait3A_239 = tpu.memref_slice %arg14[%multiple_of3A_233, %dma_wait3A_238] : memref<10000x32xf32, #tpu.memory_space<vmem_shared>> -> memref<624x32xf32, #tpu.memory_space<vmem_shared>>
        %dma_wait3A_240 = arith.constant 0 : i32
        %dma_wait3A_241 = tpu.memref_slice %arg2[%multiple_of3A_233, %dma_wait3A_240] : memref<10000x32xf32, #tpu.memory_space<hbm>> -> memref<624x32xf32, #tpu.memory_space<hbm>>
        tpu.wait_dma2 semaphore(%run_scoped3A : memref<!tpu.dma_semaphore, #tpu.memory_space<semaphore_mem>>) src(%dma_wait3A_241 : memref<624x32xf32, #tpu.memory_space<hbm>>) dst(%dma_wait3A_239 : memref<624x32xf32, #tpu.memory_space<vmem_shared>>)
        tpu.yield
      }) : () -> ()
    } else {
    }
    %eq3A = arith.constant 15 : i32
    %eq3A_3 = arith.cmpi eq, %arg1, %eq3A : i32
    %convert_element_type3A_4 = arith.extui %eq3A_3 : i1 to i32
    %cond3A_5 = arith.constant 0 : i32
    %cond3A_6 = arith.cmpi ne, %convert_element_type3A_4, %cond3A_5 : i32
    scf.if %cond3A_6 {
      "tpu.region"() ({
        %run_scoped3A = tpu.sem_alloc : memref<!tpu.dma_semaphore, #tpu.memory_space<semaphore_mem>>
        %dma_start3A_231 = arith.constant 9360 : i32
        %dma_start3A_232 = arith.constant 0 : i32
        %dma_start3A_233 = tpu.memref_slice %arg14[%dma_start3A_231, %dma_start3A_232] : memref<10000x32xf32, #tpu.memory_space<vmem_shared>> -> memref<640x32xf32, #tpu.memory_space<vmem_shared>>
        %dma_start3A_234 = arith.constant 9360 : i32
        %dma_start3A_235 = arith.constant 0 : i32
        %dma_start3A_236 = tpu.memref_slice %arg2[%dma_start3A_234, %dma_start3A_235] : memref<10000x32xf32, #tpu.memory_space<hbm>> -> memref<640x32xf32, #tpu.memory_space<hbm>>
        tpu.enqueue_dma source(%dma_start3A_236 : memref<640x32xf32, #tpu.memory_space<hbm>>) target(%dma_start3A_233 : memref<640x32xf32, #tpu.memory_space<vmem_shared>>) target_semaphore(%run_scoped3A : memref<!tpu.dma_semaphore, #tpu.memory_space<semaphore_mem>>)
        %dma_wait3A_237 = arith.constant 9360 : i32
        %dma_wait3A_238 = arith.constant 0 : i32
        %dma_wait3A_239 = tpu.memref_slice %arg14[%dma_wait3A_237, %dma_wait3A_238] : memref<10000x32xf32, #tpu.memory_space<vmem_shared>> -> memref<640x32xf32, #tpu.memory_space<vmem_shared>>
        %dma_wait3A_240 = arith.constant 9360 : i32
        %dma_wait3A_241 = arith.constant 0 : i32
        %dma_wait3A_242 = tpu.memref_slice %arg2[%dma_wait3A_240, %dma_wait3A_241] : memref<10000x32xf32, #tpu.memory_space<hbm>> -> memref<640x32xf32, #tpu.memory_space<hbm>>
        tpu.wait_dma2 semaphore(%run_scoped3A : memref<!tpu.dma_semaphore, #tpu.memory_space<semaphore_mem>>) src(%dma_wait3A_242 : memref<640x32xf32, #tpu.memory_space<hbm>>) dst(%dma_wait3A_239 : memref<640x32xf32, #tpu.memory_space<vmem_shared>>)
        tpu.yield
      }) : () -> ()
    } else {
    }
    %lt3A_7 = arith.constant 15 : i32
    %lt3A_8 = arith.cmpi slt, %arg1, %lt3A_7 : i32
    %convert_element_type3A_9 = arith.extui %lt3A_8 : i1 to i32
    %cond3A_10 = arith.constant 0 : i32
    %cond3A_11 = arith.cmpi ne, %convert_element_type3A_9, %cond3A_10 : i32
    scf.if %cond3A_11 {
      %mul3A_231 = arith.constant 624 : i32
      %mul3A_232 = arith.muli %arg1, %mul3A_231 : i32
      %multiple_of3A_233 = tpu.assume_multiple %mul3A_232, 8 : i32
      "tpu.region"() ({
        %run_scoped3A = tpu.sem_alloc : memref<!tpu.dma_semaphore, #tpu.memory_space<semaphore_mem>>
        %dma_start3A_234 = arith.constant 0 : i32
        %dma_start3A_235 = tpu.memref_slice %arg13[%multiple_of3A_233, %dma_start3A_234] : memref<10000x32xf32, #tpu.memory_space<vmem_shared>> -> memref<624x32xf32, #tpu.memory_space<vmem_shared>>
        %dma_start3A_236 = arith.constant 0 : i32
        %dma_start3A_237 = tpu.memref_slice %arg6[%arg0, %multiple_of3A_233, %dma_start3A_236] : memref<2x10000x32xf32, #tpu.memory_space<hbm>> -> memref<1x624x32xf32, #tpu.memory_space<hbm>>
        %dma_start3A_238 = tpu.memref_squeeze %dma_start3A_237 : memref<1x624x32xf32, #tpu.memory_space<hbm>> -> memref<624x32xf32, #tpu.memory_space<hbm>>
        tpu.enqueue_dma source(%dma_start3A_238 : memref<624x32xf32, #tpu.memory_space<hbm>>) target(%dma_start3A_235 : memref<624x32xf32, #tpu.memory_space<vmem_shared>>) target_semaphore(%run_scoped3A : memref<!tpu.dma_semaphore, #tpu.memory_space<semaphore_mem>>)
        %dma_wait3A_239 = arith.constant 0 : i32
        %dma_wait3A_240 = tpu.memref_slice %arg13[%multiple_of3A_233, %dma_wait3A_239] : memref<10000x32xf32, #tpu.memory_space<vmem_shared>> -> memref<624x32xf32, #tpu.memory_space<vmem_shared>>
        %dma_wait3A_241 = arith.constant 0 : i32
        %dma_wait3A_242 = tpu.memref_slice %arg6[%arg0, %multiple_of3A_233, %dma_wait3A_241] : memref<2x10000x32xf32, #tpu.memory_space<hbm>> -> memref<1x624x32xf32, #tpu.memory_space<hbm>>
        %dma_wait3A_243 = tpu.memref_squeeze %dma_wait3A_242 : memref<1x624x32xf32, #tpu.memory_space<hbm>> -> memref<624x32xf32, #tpu.memory_space<hbm>>
        tpu.wait_dma2 semaphore(%run_scoped3A : memref<!tpu.dma_semaphore, #tpu.memory_space<semaphore_mem>>) src(%dma_wait3A_243 : memref<624x32xf32, #tpu.memory_space<hbm>>) dst(%dma_wait3A_240 : memref<624x32xf32, #tpu.memory_space<vmem_shared>>)
        tpu.yield
      }) : () -> ()
    } else {
    }
    %eq3A_12 = arith.constant 15 : i32
    %eq3A_13 = arith.cmpi eq, %arg1, %eq3A_12 : i32
    %convert_element_type3A_14 = arith.extui %eq3A_13 : i1 to i32
    %cond3A_15 = arith.constant 0 : i32
    %cond3A_16 = arith.cmpi ne, %convert_element_type3A_14, %cond3A_15 : i32
    scf.if %cond3A_16 {
      "tpu.region"() ({
        %run_scoped3A = tpu.sem_alloc : memref<!tpu.dma_semaphore, #tpu.memory_space<semaphore_mem>>
        %dma_start3A_231 = arith.constant 9360 : i32
        %dma_start3A_232 = arith.constant 0 : i32
        %dma_start3A_233 = tpu.memref_slice %arg13[%dma_start3A_231, %dma_start3A_232] : memref<10000x32xf32, #tpu.memory_space<vmem_shared>> -> memref<640x32xf32, #tpu.memory_space<vmem_shared>>
        %dma_start3A_234 = arith.constant 9360 : i32
        %dma_start3A_235 = arith.constant 0 : i32
        %dma_start3A_236 = tpu.memref_slice %arg6[%arg0, %dma_start3A_234, %dma_start3A_235] : memref<2x10000x32xf32, #tpu.memory_space<hbm>> -> memref<1x640x32xf32, #tpu.memory_space<hbm>>
        %dma_start3A_237 = tpu.memref_squeeze %dma_start3A_236 : memref<1x640x32xf32, #tpu.memory_space<hbm>> -> memref<640x32xf32, #tpu.memory_space<hbm>>
        tpu.enqueue_dma source(%dma_start3A_237 : memref<640x32xf32, #tpu.memory_space<hbm>>) target(%dma_start3A_233 : memref<640x32xf32, #tpu.memory_space<vmem_shared>>) target_semaphore(%run_scoped3A : memref<!tpu.dma_semaphore, #tpu.memory_space<semaphore_mem>>)
        %dma_wait3A_238 = arith.constant 9360 : i32
        %dma_wait3A_239 = arith.constant 0 : i32
        %dma_wait3A_240 = tpu.memref_slice %arg13[%dma_wait3A_238, %dma_wait3A_239] : memref<10000x32xf32, #tpu.memory_space<vmem_shared>> -> memref<640x32xf32, #tpu.memory_space<vmem_shared>>
        %dma_wait3A_241 = arith.constant 9360 : i32
        %dma_wait3A_242 = arith.constant 0 : i32
        %dma_wait3A_243 = tpu.memref_slice %arg6[%arg0, %dma_wait3A_241, %dma_wait3A_242] : memref<2x10000x32xf32, #tpu.memory_space<hbm>> -> memref<1x640x32xf32, #tpu.memory_space<hbm>>
        %dma_wait3A_244 = tpu.memref_squeeze %dma_wait3A_243 : memref<1x640x32xf32, #tpu.memory_space<hbm>> -> memref<640x32xf32, #tpu.memory_space<hbm>>
        tpu.wait_dma2 semaphore(%run_scoped3A : memref<!tpu.dma_semaphore, #tpu.memory_space<semaphore_mem>>) src(%dma_wait3A_244 : memref<640x32xf32, #tpu.memory_space<hbm>>) dst(%dma_wait3A_240 : memref<640x32xf32, #tpu.memory_space<vmem_shared>>)
        tpu.yield
      }) : () -> ()
    } else {
    }
    %barrier3A = arith.constant 0 : index
    tpu.barrier barrier_id(%barrier3A)
    %mul3A_17 = arith.constant 62 : i32
    %mul3A_18 = arith.muli %add3A, %mul3A_17 : i32
    %mul3A_19 = arith.constant 4960 : i32
    %mul3A_20 = arith.muli %add3A, %mul3A_19 : i32
    %add3A_21 = arith.constant 160000 : i32
    %add3A_22 = arith.addi %add3A_21, %mul3A_20 : i32
    %multiple_of3A = tpu.assume_multiple %add3A_22, 8 : i32
    "tpu.region"() ({
      %run_scoped3A = tpu.sem_alloc : memref<!tpu.dma_semaphore, #tpu.memory_space<semaphore_mem>>
      %dma_start3A_231 = arith.constant 0 : i32
      %dma_start3A_232 = tpu.memref_slice %arg8[%dma_start3A_231] : memref<5040xi32, #tpu.memory_space<vmem>> -> memref<4960xi32, #tpu.memory_space<vmem>>
      %dma_start3A_233 = tpu.memref_slice %arg4[%multiple_of3A] : memref<320000xi32, #tpu.memory_space<hbm>> -> memref<4960xi32, #tpu.memory_space<hbm>>
      %dma_start3A_234 = arith.constant 0 : i32
      %dma_start3A_235 = tpu.memref_slice %arg8[%dma_start3A_234] : memref<5040xi32, #tpu.memory_space<vmem>> -> memref<4960xi32, #tpu.memory_space<vmem>>
      %dma_start3A_236 = tpu.memref_slice %arg4[%multiple_of3A] : memref<320000xi32, #tpu.memory_space<hbm>> -> memref<4960xi32, #tpu.memory_space<hbm>>
      tpu.enqueue_dma source(%dma_start3A_236 : memref<4960xi32, #tpu.memory_space<hbm>>) target(%dma_start3A_235 : memref<4960xi32, #tpu.memory_space<vmem>>) target_semaphore(%run_scoped3A : memref<!tpu.dma_semaphore, #tpu.memory_space<semaphore_mem>>)
      %dma_wait3A_237 = arith.constant 0 : i32
      %dma_wait3A_238 = tpu.memref_slice %arg8[%dma_wait3A_237] : memref<5040xi32, #tpu.memory_space<vmem>> -> memref<4960xi32, #tpu.memory_space<vmem>>
      %dma_wait3A_239 = tpu.memref_slice %arg4[%multiple_of3A] : memref<320000xi32, #tpu.memory_space<hbm>> -> memref<4960xi32, #tpu.memory_space<hbm>>
      %dma_wait3A_240 = arith.constant 0 : i32
      %dma_wait3A_241 = tpu.memref_slice %arg8[%dma_wait3A_240] : memref<5040xi32, #tpu.memory_space<vmem>> -> memref<4960xi32, #tpu.memory_space<vmem>>
      %dma_wait3A_242 = tpu.memref_slice %arg4[%multiple_of3A] : memref<320000xi32, #tpu.memory_space<hbm>> -> memref<4960xi32, #tpu.memory_space<hbm>>
      tpu.wait_dma2 semaphore(%run_scoped3A : memref<!tpu.dma_semaphore, #tpu.memory_space<semaphore_mem>>) src(%dma_wait3A_242 : memref<4960xi32, #tpu.memory_space<hbm>>) dst(%dma_wait3A_241 : memref<4960xi32, #tpu.memory_space<vmem>>)
      tpu.yield
    }) : () -> ()
    "tpu.region"() ({
      %run_scoped3A = tpu.sem_alloc : memref<!tpu.dma_semaphore, #tpu.memory_space<semaphore_mem>>
      %dma_start3A_231 = arith.constant 0 : i32
      %dma_start3A_232 = tpu.memref_slice %arg9[%dma_start3A_231] : memref<5040xi32, #tpu.memory_space<vmem>> -> memref<4960xi32, #tpu.memory_space<vmem>>
      %dma_start3A_233 = tpu.memref_slice %arg5[%multiple_of3A] : memref<320000xi32, #tpu.memory_space<hbm>> -> memref<4960xi32, #tpu.memory_space<hbm>>
      %dma_start3A_234 = arith.constant 0 : i32
      %dma_start3A_235 = tpu.memref_slice %arg9[%dma_start3A_234] : memref<5040xi32, #tpu.memory_space<vmem>> -> memref<4960xi32, #tpu.memory_space<vmem>>
      %dma_start3A_236 = tpu.memref_slice %arg5[%multiple_of3A] : memref<320000xi32, #tpu.memory_space<hbm>> -> memref<4960xi32, #tpu.memory_space<hbm>>
      tpu.enqueue_dma source(%dma_start3A_236 : memref<4960xi32, #tpu.memory_space<hbm>>) target(%dma_start3A_235 : memref<4960xi32, #tpu.memory_space<vmem>>) target_semaphore(%run_scoped3A : memref<!tpu.dma_semaphore, #tpu.memory_space<semaphore_mem>>)
      %dma_wait3A_237 = arith.constant 0 : i32
      %dma_wait3A_238 = tpu.memref_slice %arg9[%dma_wait3A_237] : memref<5040xi32, #tpu.memory_space<vmem>> -> memref<4960xi32, #tpu.memory_space<vmem>>
      %dma_wait3A_239 = tpu.memref_slice %arg5[%multiple_of3A] : memref<320000xi32, #tpu.memory_space<hbm>> -> memref<4960xi32, #tpu.memory_space<hbm>>
      %dma_wait3A_240 = arith.constant 0 : i32
      %dma_wait3A_241 = tpu.memref_slice %arg9[%dma_wait3A_240] : memref<5040xi32, #tpu.memory_space<vmem>> -> memref<4960xi32, #tpu.memory_space<vmem>>
      %dma_wait3A_242 = tpu.memref_slice %arg5[%multiple_of3A] : memref<320000xi32, #tpu.memory_space<hbm>> -> memref<4960xi32, #tpu.memory_space<hbm>>
      tpu.wait_dma2 semaphore(%run_scoped3A : memref<!tpu.dma_semaphore, #tpu.memory_space<semaphore_mem>>) src(%dma_wait3A_242 : memref<4960xi32, #tpu.memory_space<hbm>>) dst(%dma_wait3A_241 : memref<4960xi32, #tpu.memory_space<vmem>>)
      tpu.yield
    }) : () -> ()
    %lt3A_23 = arith.constant 16 : i32
    %lt3A_24 = arith.cmpi slt, %add3A, %lt3A_23 : i32
    %convert_element_type3A_25 = arith.extui %lt3A_24 : i1 to i32
    %cond3A_26 = arith.constant 0 : i32
    %cond3A_27 = arith.cmpi ne, %convert_element_type3A_25, %cond3A_26 : i32
    scf.if %cond3A_27 {
      %mul3A_231 = arith.constant 80 : i32
      %mul3A_232 = arith.muli %add3A, %mul3A_231 : i32
      %add3A_233 = arith.constant 318720 : i32
      %add3A_234 = arith.addi %add3A_233, %mul3A_232 : i32
      %multiple_of3A_235 = tpu.assume_multiple %add3A_234, 8 : i32
      "tpu.region"() ({
        %run_scoped3A = tpu.sem_alloc : memref<!tpu.dma_semaphore, #tpu.memory_space<semaphore_mem>>
        %dma_start3A_236 = arith.constant 4960 : i32
        %dma_start3A_237 = tpu.memref_slice %arg8[%dma_start3A_236] : memref<5040xi32, #tpu.memory_space<vmem>> -> memref<80xi32, #tpu.memory_space<vmem>>
        %dma_start3A_238 = tpu.memref_slice %arg4[%multiple_of3A_235] : memref<320000xi32, #tpu.memory_space<hbm>> -> memref<80xi32, #tpu.memory_space<hbm>>
        %dma_start3A_239 = arith.constant 4960 : i32
        %dma_start3A_240 = tpu.memref_slice %arg8[%dma_start3A_239] : memref<5040xi32, #tpu.memory_space<vmem>> -> memref<80xi32, #tpu.memory_space<vmem>>
        %dma_start3A_241 = tpu.memref_slice %arg4[%multiple_of3A_235] : memref<320000xi32, #tpu.memory_space<hbm>> -> memref<80xi32, #tpu.memory_space<hbm>>
        tpu.enqueue_dma source(%dma_start3A_241 : memref<80xi32, #tpu.memory_space<hbm>>) target(%dma_start3A_240 : memref<80xi32, #tpu.memory_space<vmem>>) target_semaphore(%run_scoped3A : memref<!tpu.dma_semaphore, #tpu.memory_space<semaphore_mem>>)
        %dma_wait3A_242 = arith.constant 4960 : i32
        %dma_wait3A_243 = tpu.memref_slice %arg8[%dma_wait3A_242] : memref<5040xi32, #tpu.memory_space<vmem>> -> memref<80xi32, #tpu.memory_space<vmem>>
        %dma_wait3A_244 = tpu.memref_slice %arg4[%multiple_of3A_235] : memref<320000xi32, #tpu.memory_space<hbm>> -> memref<80xi32, #tpu.memory_space<hbm>>
        %dma_wait3A_245 = arith.constant 4960 : i32
        %dma_wait3A_246 = tpu.memref_slice %arg8[%dma_wait3A_245] : memref<5040xi32, #tpu.memory_space<vmem>> -> memref<80xi32, #tpu.memory_space<vmem>>
        %dma_wait3A_247 = tpu.memref_slice %arg4[%multiple_of3A_235] : memref<320000xi32, #tpu.memory_space<hbm>> -> memref<80xi32, #tpu.memory_space<hbm>>
        tpu.wait_dma2 semaphore(%run_scoped3A : memref<!tpu.dma_semaphore, #tpu.memory_space<semaphore_mem>>) src(%dma_wait3A_247 : memref<80xi32, #tpu.memory_space<hbm>>) dst(%dma_wait3A_246 : memref<80xi32, #tpu.memory_space<vmem>>)
        tpu.yield
      }) : () -> ()
      "tpu.region"() ({
        %run_scoped3A = tpu.sem_alloc : memref<!tpu.dma_semaphore, #tpu.memory_space<semaphore_mem>>
        %dma_start3A_236 = arith.constant 4960 : i32
        %dma_start3A_237 = tpu.memref_slice %arg9[%dma_start3A_236] : memref<5040xi32, #tpu.memory_space<vmem>> -> memref<80xi32, #tpu.memory_space<vmem>>
        %dma_start3A_238 = tpu.memref_slice %arg5[%multiple_of3A_235] : memref<320000xi32, #tpu.memory_space<hbm>> -> memref<80xi32, #tpu.memory_space<hbm>>
        %dma_start3A_239 = arith.constant 4960 : i32
        %dma_start3A_240 = tpu.memref_slice %arg9[%dma_start3A_239] : memref<5040xi32, #tpu.memory_space<vmem>> -> memref<80xi32, #tpu.memory_space<vmem>>
        %dma_start3A_241 = tpu.memref_slice %arg5[%multiple_of3A_235] : memref<320000xi32, #tpu.memory_space<hbm>> -> memref<80xi32, #tpu.memory_space<hbm>>
        tpu.enqueue_dma source(%dma_start3A_241 : memref<80xi32, #tpu.memory_space<hbm>>) target(%dma_start3A_240 : memref<80xi32, #tpu.memory_space<vmem>>) target_semaphore(%run_scoped3A : memref<!tpu.dma_semaphore, #tpu.memory_space<semaphore_mem>>)
        %dma_wait3A_242 = arith.constant 4960 : i32
        %dma_wait3A_243 = tpu.memref_slice %arg9[%dma_wait3A_242] : memref<5040xi32, #tpu.memory_space<vmem>> -> memref<80xi32, #tpu.memory_space<vmem>>
        %dma_wait3A_244 = tpu.memref_slice %arg5[%multiple_of3A_235] : memref<320000xi32, #tpu.memory_space<hbm>> -> memref<80xi32, #tpu.memory_space<hbm>>
        %dma_wait3A_245 = arith.constant 4960 : i32
        %dma_wait3A_246 = tpu.memref_slice %arg9[%dma_wait3A_245] : memref<5040xi32, #tpu.memory_space<vmem>> -> memref<80xi32, #tpu.memory_space<vmem>>
        %dma_wait3A_247 = tpu.memref_slice %arg5[%multiple_of3A_235] : memref<320000xi32, #tpu.memory_space<hbm>> -> memref<80xi32, #tpu.memory_space<hbm>>
        tpu.wait_dma2 semaphore(%run_scoped3A : memref<!tpu.dma_semaphore, #tpu.memory_space<semaphore_mem>>) src(%dma_wait3A_247 : memref<80xi32, #tpu.memory_space<hbm>>) dst(%dma_wait3A_246 : memref<80xi32, #tpu.memory_space<vmem>>)
        tpu.yield
      }) : () -> ()
    } else {
    }
    %jit3A = arith.constant 400 : i32
    %div3A = arith.divsi %mul3A_18, %jit3A : i32
    %sign3A = arith.constant 0 : i32
    %sign3A_28 = arith.cmpi sgt, %mul3A_18, %sign3A : i32
    %sign3A_29 = arith.extui %sign3A_28 : i1 to i32
    %sign3A_30 = arith.constant 0 : i32
    %sign3A_31 = arith.cmpi slt, %mul3A_18, %sign3A_30 : i32
    %sign3A_32 = arith.extui %sign3A_31 : i1 to i32
    %sign3A_33 = arith.subi %sign3A_29, %sign3A_32 : i32
    %sign3A_34 = arith.constant 0 : i32
    %sign3A_35 = arith.cmpi sgt, %jit3A, %sign3A_34 : i32
    %sign3A_36 = arith.extui %sign3A_35 : i1 to i32
    %sign3A_37 = arith.constant 0 : i32
    %sign3A_38 = arith.cmpi slt, %jit3A, %sign3A_37 : i32
    %sign3A_39 = arith.extui %sign3A_38 : i1 to i32
    %sign3A_40 = arith.subi %sign3A_36, %sign3A_39 : i32
    %ne3A = arith.cmpi ne, %sign3A_33, %sign3A_40 : i32
    %rem3A = arith.remsi %mul3A_18, %jit3A : i32
    %ne3A_41 = arith.constant 0 : i32
    %ne3A_42 = arith.cmpi ne, %rem3A, %ne3A_41 : i32
    %and3A = arith.andi %ne3A, %ne3A_42 : i1
    %sub3A = arith.constant 1 : i32
    %sub3A_43 = arith.subi %div3A, %sub3A : i32
    %select_n3A = arith.select %and3A, %sub3A_43, %div3A : i32
    %jit3A_44 = arith.constant 400 : i32
    %eq3A_45 = arith.constant 0 : i32
    %eq3A_46 = arith.cmpi eq, %jit3A_44, %eq3A_45 : i32
    %jit3A_47 = arith.constant 1 : i32
    %select_n3A_48 = arith.select %eq3A_46, %jit3A_47, %jit3A_44 : i32
    %rem3A_49 = arith.remsi %mul3A_18, %select_n3A_48 : i32
    %ne3A_50 = arith.constant 0 : i32
    %ne3A_51 = arith.cmpi ne, %rem3A_49, %ne3A_50 : i32
    %lt3A_52 = arith.constant 0 : i32
    %lt3A_53 = arith.cmpi slt, %rem3A_49, %lt3A_52 : i32
    %lt3A_54 = arith.constant 0 : i32
    %lt3A_55 = arith.cmpi slt, %select_n3A_48, %lt3A_54 : i32
    %ne3A_56 = arith.xori %lt3A_53, %lt3A_55 : i1
    %and3A_57 = arith.andi %ne3A_56, %ne3A_51 : i1
    %add3A_58 = arith.addi %rem3A_49, %select_n3A_48 : i32
    %select_n3A_59 = arith.select %and3A_57, %add3A_58, %rem3A_49 : i32
    %jit3A_60 = arith.constant 100 : i32
    %div3A_61 = arith.divsi %select_n3A_59, %jit3A_60 : i32
    %sign3A_62 = arith.constant 0 : i32
    %sign3A_63 = arith.cmpi sgt, %select_n3A_59, %sign3A_62 : i32
    %sign3A_64 = arith.extui %sign3A_63 : i1 to i32
    %sign3A_65 = arith.constant 0 : i32
    %sign3A_66 = arith.cmpi slt, %select_n3A_59, %sign3A_65 : i32
    %sign3A_67 = arith.extui %sign3A_66 : i1 to i32
    %sign3A_68 = arith.subi %sign3A_64, %sign3A_67 : i32
    %sign3A_69 = arith.constant 0 : i32
    %sign3A_70 = arith.cmpi sgt, %jit3A_60, %sign3A_69 : i32
    %sign3A_71 = arith.extui %sign3A_70 : i1 to i32
    %sign3A_72 = arith.constant 0 : i32
    %sign3A_73 = arith.cmpi slt, %jit3A_60, %sign3A_72 : i32
    %sign3A_74 = arith.extui %sign3A_73 : i1 to i32
    %sign3A_75 = arith.subi %sign3A_71, %sign3A_74 : i32
    %ne3A_76 = arith.cmpi ne, %sign3A_68, %sign3A_75 : i32
    %rem3A_77 = arith.remsi %select_n3A_59, %jit3A_60 : i32
    %ne3A_78 = arith.constant 0 : i32
    %ne3A_79 = arith.cmpi ne, %rem3A_77, %ne3A_78 : i32
    %and3A_80 = arith.andi %ne3A_76, %ne3A_79 : i1
    %sub3A_81 = arith.constant 1 : i32
    %sub3A_82 = arith.subi %div3A_61, %sub3A_81 : i32
    %select_n3A_83 = arith.select %and3A_80, %sub3A_82, %div3A_61 : i32
    %jit3A_84 = arith.constant 100 : i32
    %eq3A_85 = arith.constant 0 : i32
    %eq3A_86 = arith.cmpi eq, %jit3A_84, %eq3A_85 : i32
    %jit3A_87 = arith.constant 1 : i32
    %select_n3A_88 = arith.select %eq3A_86, %jit3A_87, %jit3A_84 : i32
    %rem3A_89 = arith.remsi %select_n3A_59, %select_n3A_88 : i32
    %ne3A_90 = arith.constant 0 : i32
    %ne3A_91 = arith.cmpi ne, %rem3A_89, %ne3A_90 : i32
    %lt3A_92 = arith.constant 0 : i32
    %lt3A_93 = arith.cmpi slt, %rem3A_89, %lt3A_92 : i32
    %lt3A_94 = arith.constant 0 : i32
    %lt3A_95 = arith.cmpi slt, %select_n3A_88, %lt3A_94 : i32
    %ne3A_96 = arith.xori %lt3A_93, %lt3A_95 : i1
    %and3A_97 = arith.andi %ne3A_96, %ne3A_91 : i1
    %add3A_98 = arith.addi %rem3A_89, %select_n3A_88 : i32
    %select_n3A_99 = arith.select %and3A_97, %add3A_98, %rem3A_89 : i32
    %mul3A_100 = arith.constant 8000 : i32
    %mul3A_101 = arith.muli %select_n3A, %mul3A_100 : i32
    %mul3A_102 = arith.constant 80 : i32
    %mul3A_103 = arith.muli %select_n3A_99, %mul3A_102 : i32
    %add3A_104 = arith.addi %mul3A_101, %mul3A_103 : i32
    %mul3A_105 = arith.constant 32 : i32
    %mul3A_106 = arith.muli %select_n3A_83, %mul3A_105 : i32
    %dma_start3A = tpu.memref_slice %arg3[%add3A_104, %mul3A_106] : memref<40000x128xf32, #tpu.memory_space<hbm>> -> memref<80x32xf32, #tpu.memory_space<hbm>>
    %dma_start3A_107 = tpu.memref_slice %arg3[%add3A_104, %mul3A_106] : memref<40000x128xf32, #tpu.memory_space<hbm>> -> memref<80x32xf32, #tpu.memory_space<hbm>>
    tpu.enqueue_dma source(%dma_start3A_107 : memref<80x32xf32, #tpu.memory_space<hbm>>) target(%arg10 : memref<80x32xf32, #tpu.memory_space<vmem>>) target_semaphore(%arg15 : memref<!tpu.dma_semaphore, #tpu.memory_space<semaphore_mem>>)
    %add3A_108 = arith.constant 1 : i32
    %add3A_109 = arith.addi %mul3A_18, %add3A_108 : i32
    %jit3A_110 = arith.constant 400 : i32
    %div3A_111 = arith.divsi %add3A_109, %jit3A_110 : i32
    %sign3A_112 = arith.constant 0 : i32
    %sign3A_113 = arith.cmpi sgt, %add3A_109, %sign3A_112 : i32
    %sign3A_114 = arith.extui %sign3A_113 : i1 to i32
    %sign3A_115 = arith.constant 0 : i32
    %sign3A_116 = arith.cmpi slt, %add3A_109, %sign3A_115 : i32
    %sign3A_117 = arith.extui %sign3A_116 : i1 to i32
    %sign3A_118 = arith.subi %sign3A_114, %sign3A_117 : i32
    %sign3A_119 = arith.constant 0 : i32
    %sign3A_120 = arith.cmpi sgt, %jit3A_110, %sign3A_119 : i32
    %sign3A_121 = arith.extui %sign3A_120 : i1 to i32
    %sign3A_122 = arith.constant 0 : i32
    %sign3A_123 = arith.cmpi slt, %jit3A_110, %sign3A_122 : i32
    %sign3A_124 = arith.extui %sign3A_123 : i1 to i32
    %sign3A_125 = arith.subi %sign3A_121, %sign3A_124 : i32
    %ne3A_126 = arith.cmpi ne, %sign3A_118, %sign3A_125 : i32
    %rem3A_127 = arith.remsi %add3A_109, %jit3A_110 : i32
    %ne3A_128 = arith.constant 0 : i32
    %ne3A_129 = arith.cmpi ne, %rem3A_127, %ne3A_128 : i32
    %and3A_130 = arith.andi %ne3A_126, %ne3A_129 : i1
    %sub3A_131 = arith.constant 1 : i32
    %sub3A_132 = arith.subi %div3A_111, %sub3A_131 : i32
    %select_n3A_133 = arith.select %and3A_130, %sub3A_132, %div3A_111 : i32
    %jit3A_134 = arith.constant 400 : i32
    %eq3A_135 = arith.constant 0 : i32
    %eq3A_136 = arith.cmpi eq, %jit3A_134, %eq3A_135 : i32
    %jit3A_137 = arith.constant 1 : i32
    %select_n3A_138 = arith.select %eq3A_136, %jit3A_137, %jit3A_134 : i32
    %rem3A_139 = arith.remsi %add3A_109, %select_n3A_138 : i32
    %ne3A_140 = arith.constant 0 : i32
    %ne3A_141 = arith.cmpi ne, %rem3A_139, %ne3A_140 : i32
    %lt3A_142 = arith.constant 0 : i32
    %lt3A_143 = arith.cmpi slt, %rem3A_139, %lt3A_142 : i32
    %lt3A_144 = arith.constant 0 : i32
    %lt3A_145 = arith.cmpi slt, %select_n3A_138, %lt3A_144 : i32
    %ne3A_146 = arith.xori %lt3A_143, %lt3A_145 : i1
    %and3A_147 = arith.andi %ne3A_146, %ne3A_141 : i1
    %add3A_148 = arith.addi %rem3A_139, %select_n3A_138 : i32
    %select_n3A_149 = arith.select %and3A_147, %add3A_148, %rem3A_139 : i32
    %jit3A_150 = arith.constant 100 : i32
    %div3A_151 = arith.divsi %select_n3A_149, %jit3A_150 : i32
    %sign3A_152 = arith.constant 0 : i32
    %sign3A_153 = arith.cmpi sgt, %select_n3A_149, %sign3A_152 : i32
    %sign3A_154 = arith.extui %sign3A_153 : i1 to i32
    %sign3A_155 = arith.constant 0 : i32
    %sign3A_156 = arith.cmpi slt, %select_n3A_149, %sign3A_155 : i32
    %sign3A_157 = arith.extui %sign3A_156 : i1 to i32
    %sign3A_158 = arith.subi %sign3A_154, %sign3A_157 : i32
    %sign3A_159 = arith.constant 0 : i32
    %sign3A_160 = arith.cmpi sgt, %jit3A_150, %sign3A_159 : i32
    %sign3A_161 = arith.extui %sign3A_160 : i1 to i32
    %sign3A_162 = arith.constant 0 : i32
    %sign3A_163 = arith.cmpi slt, %jit3A_150, %sign3A_162 : i32
    %sign3A_164 = arith.extui %sign3A_163 : i1 to i32
    %sign3A_165 = arith.subi %sign3A_161, %sign3A_164 : i32
    %ne3A_166 = arith.cmpi ne, %sign3A_158, %sign3A_165 : i32
    %rem3A_167 = arith.remsi %select_n3A_149, %jit3A_150 : i32
    %ne3A_168 = arith.constant 0 : i32
    %ne3A_169 = arith.cmpi ne, %rem3A_167, %ne3A_168 : i32
    %and3A_170 = arith.andi %ne3A_166, %ne3A_169 : i1
    %sub3A_171 = arith.constant 1 : i32
    %sub3A_172 = arith.subi %div3A_151, %sub3A_171 : i32
    %select_n3A_173 = arith.select %and3A_170, %sub3A_172, %div3A_151 : i32
    %jit3A_174 = arith.constant 100 : i32
    %eq3A_175 = arith.constant 0 : i32
    %eq3A_176 = arith.cmpi eq, %jit3A_174, %eq3A_175 : i32
    %jit3A_177 = arith.constant 1 : i32
    %select_n3A_178 = arith.select %eq3A_176, %jit3A_177, %jit3A_174 : i32
    %rem3A_179 = arith.remsi %select_n3A_149, %select_n3A_178 : i32
    %ne3A_180 = arith.constant 0 : i32
    %ne3A_181 = arith.cmpi ne, %rem3A_179, %ne3A_180 : i32
    %lt3A_182 = arith.constant 0 : i32
    %lt3A_183 = arith.cmpi slt, %rem3A_179, %lt3A_182 : i32
    %lt3A_184 = arith.constant 0 : i32
    %lt3A_185 = arith.cmpi slt, %select_n3A_178, %lt3A_184 : i32
    %ne3A_186 = arith.xori %lt3A_183, %lt3A_185 : i1
    %and3A_187 = arith.andi %ne3A_186, %ne3A_181 : i1
    %add3A_188 = arith.addi %rem3A_179, %select_n3A_178 : i32
    %select_n3A_189 = arith.select %and3A_187, %add3A_188, %rem3A_179 : i32
    %mul3A_190 = arith.constant 8000 : i32
    %mul3A_191 = arith.muli %select_n3A_133, %mul3A_190 : i32
    %mul3A_192 = arith.constant 80 : i32
    %mul3A_193 = arith.muli %select_n3A_189, %mul3A_192 : i32
    %add3A_194 = arith.addi %mul3A_191, %mul3A_193 : i32
    %mul3A_195 = arith.constant 32 : i32
    %mul3A_196 = arith.muli %select_n3A_173, %mul3A_195 : i32
    %dma_start3A_197 = tpu.memref_slice %arg3[%add3A_194, %mul3A_196] : memref<40000x128xf32, #tpu.memory_space<hbm>> -> memref<80x32xf32, #tpu.memory_space<hbm>>
    %dma_start3A_198 = tpu.memref_slice %arg3[%add3A_194, %mul3A_196] : memref<40000x128xf32, #tpu.memory_space<hbm>> -> memref<80x32xf32, #tpu.memory_space<hbm>>
    tpu.enqueue_dma source(%dma_start3A_198 : memref<80x32xf32, #tpu.memory_space<hbm>>) target(%arg11 : memref<80x32xf32, #tpu.memory_space<vmem>>) target_semaphore(%arg16 : memref<!tpu.dma_semaphore, #tpu.memory_space<semaphore_mem>>)
    %scan3A = arith.constant 0 : i32
    %scan3A_199 = arith.constant 0 : i32
    %scan3A_200 = arith.constant 31 : i32
    %scan3A_201 = arith.addi %scan3A_199, %scan3A_200 : i32
    %scan3A_202 = arith.constant 1 : i32
    scf.for %scan3A_231 = %scan3A_199 to %scan3A_201 step %scan3A_202  : i32 {
      %mul3A_232 = arith.constant 2 : i32
      %mul3A_233 = arith.muli %mul3A_232, %scan3A_231 : i32
      %add3A_234 = arith.addi %mul3A_18, %mul3A_233 : i32
      %dma_wait3A_235 = arith.constant 0 : i32
      %dma_wait3A_236 = arith.constant 0 : i32
      %dma_wait3A_237 = tpu.memref_slice %arg3[%dma_wait3A_235, %dma_wait3A_236] : memref<40000x128xf32, #tpu.memory_space<hbm>> -> memref<80x32xf32, #tpu.memory_space<hbm>>
      %dma_wait3A_238 = arith.constant 0 : i32
      %dma_wait3A_239 = arith.constant 0 : i32
      %dma_wait3A_240 = tpu.memref_slice %arg3[%dma_wait3A_238, %dma_wait3A_239] : memref<40000x128xf32, #tpu.memory_space<hbm>> -> memref<80x32xf32, #tpu.memory_space<hbm>>
      tpu.wait_dma2 semaphore(%arg15 : memref<!tpu.dma_semaphore, #tpu.memory_space<semaphore_mem>>) src(%dma_wait3A_240 : memref<80x32xf32, #tpu.memory_space<hbm>>) dst(%arg10 : memref<80x32xf32, #tpu.memory_space<vmem>>)
      %mul3A_241 = arith.constant 2 : i32
      %mul3A_242 = arith.muli %mul3A_241, %scan3A_231 : i32
      %mul3A_243 = arith.constant 80 : i32
      %mul3A_244 = arith.muli %mul3A_242, %mul3A_243 : i32
      %multiple_of3A_245 = tpu.assume_multiple %mul3A_244, 8 : i32
      %dma_start3A_246 = tpu.memref_slice %arg8[%multiple_of3A_245] : memref<5040xi32, #tpu.memory_space<vmem>> -> memref<80xi32, #tpu.memory_space<vmem>>
      %dma_start3A_247 = arith.constant 0 : i32
      %dma_start3A_248 = arith.constant 0 : i32
      %dma_start3A_249 = tpu.memref_slice %arg14[%dma_start3A_247, %dma_start3A_248] : memref<10000x32xf32, #tpu.memory_space<vmem_shared>> -> memref<10000x32xf32, #tpu.memory_space<vmem_shared>>
      tpu.enqueue_indirect_dma source(%dma_start3A_249 : memref<10000x32xf32, #tpu.memory_space<vmem_shared>>) target(%arg10 : memref<80x32xf32, #tpu.memory_space<vmem>>) offsets(%dma_start3A_246 : memref<80xi32, #tpu.memory_space<vmem>>) semaphore(%arg17 : memref<!tpu.dma_semaphore, #tpu.memory_space<semaphore_mem>>) {add = true}
      %dma_wait3A_250 = tpu.memref_slice %arg8[%multiple_of3A_245] : memref<5040xi32, #tpu.memory_space<vmem>> -> memref<80xi32, #tpu.memory_space<vmem>>
      %dma_wait3A_251 = arith.constant 0 : i32
      %dma_wait3A_252 = arith.constant 0 : i32
      %dma_wait3A_253 = tpu.memref_slice %arg14[%dma_wait3A_251, %dma_wait3A_252] : memref<10000x32xf32, #tpu.memory_space<vmem_shared>> -> memref<10000x32xf32, #tpu.memory_space<vmem_shared>>
      tpu.wait_indirect_dma semaphore(%arg17 : memref<!tpu.dma_semaphore, #tpu.memory_space<semaphore_mem>>) src(%dma_wait3A_253 : memref<10000x32xf32, #tpu.memory_space<vmem_shared>>) dst(%arg10 : memref<80x32xf32, #tpu.memory_space<vmem>>)
      %mul3A_254 = arith.constant 2 : i32
      %mul3A_255 = arith.muli %mul3A_254, %scan3A_231 : i32
      %mul3A_256 = arith.constant 80 : i32
      %mul3A_257 = arith.muli %mul3A_255, %mul3A_256 : i32
      %multiple_of3A_258 = tpu.assume_multiple %mul3A_257, 8 : i32
      %dma_start3A_259 = tpu.memref_slice %arg9[%multiple_of3A_258] : memref<5040xi32, #tpu.memory_space<vmem>> -> memref<80xi32, #tpu.memory_space<vmem>>
      %dma_start3A_260 = arith.constant 0 : i32
      %dma_start3A_261 = arith.constant 0 : i32
      %dma_start3A_262 = tpu.memref_slice %arg13[%dma_start3A_260, %dma_start3A_261] : memref<10000x32xf32, #tpu.memory_space<vmem_shared>> -> memref<10000x32xf32, #tpu.memory_space<vmem_shared>>
      tpu.enqueue_indirect_dma source(%arg10 : memref<80x32xf32, #tpu.memory_space<vmem>>) target(%dma_start3A_262 : memref<10000x32xf32, #tpu.memory_space<vmem_shared>>) offsets(%dma_start3A_259 : memref<80xi32, #tpu.memory_space<vmem>>) semaphore(%arg19 : memref<!tpu.dma_semaphore, #tpu.memory_space<semaphore_mem>>) {add = true}
      %dma_wait3A_263 = arith.constant 0 : i32
      %dma_wait3A_264 = arith.constant 0 : i32
      %dma_wait3A_265 = tpu.memref_slice %arg3[%dma_wait3A_263, %dma_wait3A_264] : memref<40000x128xf32, #tpu.memory_space<hbm>> -> memref<80x32xf32, #tpu.memory_space<hbm>>
      %dma_wait3A_266 = arith.constant 0 : i32
      %dma_wait3A_267 = arith.constant 0 : i32
      %dma_wait3A_268 = tpu.memref_slice %arg3[%dma_wait3A_266, %dma_wait3A_267] : memref<40000x128xf32, #tpu.memory_space<hbm>> -> memref<80x32xf32, #tpu.memory_space<hbm>>
      tpu.wait_dma2 semaphore(%arg16 : memref<!tpu.dma_semaphore, #tpu.memory_space<semaphore_mem>>) src(%dma_wait3A_268 : memref<80x32xf32, #tpu.memory_space<hbm>>) dst(%arg11 : memref<80x32xf32, #tpu.memory_space<vmem>>)
      %mul3A_269 = arith.constant 2 : i32
      %mul3A_270 = arith.muli %mul3A_269, %scan3A_231 : i32
      %add3A_271 = arith.constant 1 : i32
      %add3A_272 = arith.addi %mul3A_270, %add3A_271 : i32
      %mul3A_273 = arith.constant 80 : i32
      %mul3A_274 = arith.muli %add3A_272, %mul3A_273 : i32
      %multiple_of3A_275 = tpu.assume_multiple %mul3A_274, 8 : i32
      %dma_start3A_276 = tpu.memref_slice %arg8[%multiple_of3A_275] : memref<5040xi32, #tpu.memory_space<vmem>> -> memref<80xi32, #tpu.memory_space<vmem>>
      %dma_start3A_277 = arith.constant 0 : i32
      %dma_start3A_278 = arith.constant 0 : i32
      %dma_start3A_279 = tpu.memref_slice %arg14[%dma_start3A_277, %dma_start3A_278] : memref<10000x32xf32, #tpu.memory_space<vmem_shared>> -> memref<10000x32xf32, #tpu.memory_space<vmem_shared>>
      tpu.enqueue_indirect_dma source(%dma_start3A_279 : memref<10000x32xf32, #tpu.memory_space<vmem_shared>>) target(%arg11 : memref<80x32xf32, #tpu.memory_space<vmem>>) offsets(%dma_start3A_276 : memref<80xi32, #tpu.memory_space<vmem>>) semaphore(%arg18 : memref<!tpu.dma_semaphore, #tpu.memory_space<semaphore_mem>>) {add = true}
      %dma_wait3A_280 = tpu.memref_slice %arg8[%multiple_of3A_275] : memref<5040xi32, #tpu.memory_space<vmem>> -> memref<80xi32, #tpu.memory_space<vmem>>
      %dma_wait3A_281 = arith.constant 0 : i32
      %dma_wait3A_282 = arith.constant 0 : i32
      %dma_wait3A_283 = tpu.memref_slice %arg14[%dma_wait3A_281, %dma_wait3A_282] : memref<10000x32xf32, #tpu.memory_space<vmem_shared>> -> memref<10000x32xf32, #tpu.memory_space<vmem_shared>>
      tpu.wait_indirect_dma semaphore(%arg18 : memref<!tpu.dma_semaphore, #tpu.memory_space<semaphore_mem>>) src(%dma_wait3A_283 : memref<10000x32xf32, #tpu.memory_space<vmem_shared>>) dst(%arg11 : memref<80x32xf32, #tpu.memory_space<vmem>>)
      %mul3A_284 = arith.constant 2 : i32
      %mul3A_285 = arith.muli %mul3A_284, %scan3A_231 : i32
      %add3A_286 = arith.constant 1 : i32
      %add3A_287 = arith.addi %mul3A_285, %add3A_286 : i32
      %mul3A_288 = arith.constant 80 : i32
      %mul3A_289 = arith.muli %add3A_287, %mul3A_288 : i32
      %multiple_of3A_290 = tpu.assume_multiple %mul3A_289, 8 : i32
      %dma_start3A_291 = tpu.memref_slice %arg9[%multiple_of3A_290] : memref<5040xi32, #tpu.memory_space<vmem>> -> memref<80xi32, #tpu.memory_space<vmem>>
      %dma_start3A_292 = arith.constant 0 : i32
      %dma_start3A_293 = arith.constant 0 : i32
      %dma_start3A_294 = tpu.memref_slice %arg13[%dma_start3A_292, %dma_start3A_293] : memref<10000x32xf32, #tpu.memory_space<vmem_shared>> -> memref<10000x32xf32, #tpu.memory_space<vmem_shared>>
      tpu.enqueue_indirect_dma source(%arg11 : memref<80x32xf32, #tpu.memory_space<vmem>>) target(%dma_start3A_294 : memref<10000x32xf32, #tpu.memory_space<vmem_shared>>) offsets(%dma_start3A_291 : memref<80xi32, #tpu.memory_space<vmem>>) semaphore(%arg20 : memref<!tpu.dma_semaphore, #tpu.memory_space<semaphore_mem>>) {add = true}
      %dma_wait3A_295 = tpu.memref_slice %arg9[%multiple_of3A_258] : memref<5040xi32, #tpu.memory_space<vmem>> -> memref<80xi32, #tpu.memory_space<vmem>>
      %dma_wait3A_296 = arith.constant 0 : i32
      %dma_wait3A_297 = arith.constant 0 : i32
      %dma_wait3A_298 = tpu.memref_slice %arg13[%dma_wait3A_296, %dma_wait3A_297] : memref<10000x32xf32, #tpu.memory_space<vmem_shared>> -> memref<10000x32xf32, #tpu.memory_space<vmem_shared>>
      tpu.wait_indirect_dma semaphore(%arg19 : memref<!tpu.dma_semaphore, #tpu.memory_space<semaphore_mem>>) src(%arg10 : memref<80x32xf32, #tpu.memory_space<vmem>>) dst(%dma_wait3A_298 : memref<10000x32xf32, #tpu.memory_space<vmem_shared>>)
      %add3A_299 = arith.constant 2 : i32
      %add3A_300 = arith.addi %add3A_234, %add3A_299 : i32
      %min3A = arith.constant 1999 : i32
      %min3A_301 = arith.minsi %add3A_300, %min3A : i32
      %jit3A_302 = arith.constant 400 : i32
      %div3A_303 = arith.divsi %min3A_301, %jit3A_302 : i32
      %sign3A_304 = arith.constant 0 : i32
      %sign3A_305 = arith.cmpi sgt, %min3A_301, %sign3A_304 : i32
      %sign3A_306 = arith.extui %sign3A_305 : i1 to i32
      %sign3A_307 = arith.constant 0 : i32
      %sign3A_308 = arith.cmpi slt, %min3A_301, %sign3A_307 : i32
      %sign3A_309 = arith.extui %sign3A_308 : i1 to i32
      %sign3A_310 = arith.subi %sign3A_306, %sign3A_309 : i32
      %sign3A_311 = arith.constant 0 : i32
      %sign3A_312 = arith.cmpi sgt, %jit3A_302, %sign3A_311 : i32
      %sign3A_313 = arith.extui %sign3A_312 : i1 to i32
      %sign3A_314 = arith.constant 0 : i32
      %sign3A_315 = arith.cmpi slt, %jit3A_302, %sign3A_314 : i32
      %sign3A_316 = arith.extui %sign3A_315 : i1 to i32
      %sign3A_317 = arith.subi %sign3A_313, %sign3A_316 : i32
      %ne3A_318 = arith.cmpi ne, %sign3A_310, %sign3A_317 : i32
      %rem3A_319 = arith.remsi %min3A_301, %jit3A_302 : i32
      %ne3A_320 = arith.constant 0 : i32
      %ne3A_321 = arith.cmpi ne, %rem3A_319, %ne3A_320 : i32
      %and3A_322 = arith.andi %ne3A_318, %ne3A_321 : i1
      %sub3A_323 = arith.constant 1 : i32
      %sub3A_324 = arith.subi %div3A_303, %sub3A_323 : i32
      %select_n3A_325 = arith.select %and3A_322, %sub3A_324, %div3A_303 : i32
      %jit3A_326 = arith.constant 400 : i32
      %eq3A_327 = arith.constant 0 : i32
      %eq3A_328 = arith.cmpi eq, %jit3A_326, %eq3A_327 : i32
      %jit3A_329 = arith.constant 1 : i32
      %select_n3A_330 = arith.select %eq3A_328, %jit3A_329, %jit3A_326 : i32
      %rem3A_331 = arith.remsi %min3A_301, %select_n3A_330 : i32
      %ne3A_332 = arith.constant 0 : i32
      %ne3A_333 = arith.cmpi ne, %rem3A_331, %ne3A_332 : i32
      %lt3A_334 = arith.constant 0 : i32
      %lt3A_335 = arith.cmpi slt, %rem3A_331, %lt3A_334 : i32
      %lt3A_336 = arith.constant 0 : i32
      %lt3A_337 = arith.cmpi slt, %select_n3A_330, %lt3A_336 : i32
      %ne3A_338 = arith.xori %lt3A_335, %lt3A_337 : i1
      %and3A_339 = arith.andi %ne3A_338, %ne3A_333 : i1
      %add3A_340 = arith.addi %rem3A_331, %select_n3A_330 : i32
      %select_n3A_341 = arith.select %and3A_339, %add3A_340, %rem3A_331 : i32
      %jit3A_342 = arith.constant 100 : i32
      %div3A_343 = arith.divsi %select_n3A_341, %jit3A_342 : i32
      %sign3A_344 = arith.constant 0 : i32
      %sign3A_345 = arith.cmpi sgt, %select_n3A_341, %sign3A_344 : i32
      %sign3A_346 = arith.extui %sign3A_345 : i1 to i32
      %sign3A_347 = arith.constant 0 : i32
      %sign3A_348 = arith.cmpi slt, %select_n3A_341, %sign3A_347 : i32
      %sign3A_349 = arith.extui %sign3A_348 : i1 to i32
      %sign3A_350 = arith.subi %sign3A_346, %sign3A_349 : i32
      %sign3A_351 = arith.constant 0 : i32
      %sign3A_352 = arith.cmpi sgt, %jit3A_342, %sign3A_351 : i32
      %sign3A_353 = arith.extui %sign3A_352 : i1 to i32
      %sign3A_354 = arith.constant 0 : i32
      %sign3A_355 = arith.cmpi slt, %jit3A_342, %sign3A_354 : i32
      %sign3A_356 = arith.extui %sign3A_355 : i1 to i32
      %sign3A_357 = arith.subi %sign3A_353, %sign3A_356 : i32
      %ne3A_358 = arith.cmpi ne, %sign3A_350, %sign3A_357 : i32
      %rem3A_359 = arith.remsi %select_n3A_341, %jit3A_342 : i32
      %ne3A_360 = arith.constant 0 : i32
      %ne3A_361 = arith.cmpi ne, %rem3A_359, %ne3A_360 : i32
      %and3A_362 = arith.andi %ne3A_358, %ne3A_361 : i1
      %sub3A_363 = arith.constant 1 : i32
      %sub3A_364 = arith.subi %div3A_343, %sub3A_363 : i32
      %select_n3A_365 = arith.select %and3A_362, %sub3A_364, %div3A_343 : i32
      %jit3A_366 = arith.constant 100 : i32
      %eq3A_367 = arith.constant 0 : i32
      %eq3A_368 = arith.cmpi eq, %jit3A_366, %eq3A_367 : i32
      %jit3A_369 = arith.constant 1 : i32
      %select_n3A_370 = arith.select %eq3A_368, %jit3A_369, %jit3A_366 : i32
      %rem3A_371 = arith.remsi %select_n3A_341, %select_n3A_370 : i32
      %ne3A_372 = arith.constant 0 : i32
      %ne3A_373 = arith.cmpi ne, %rem3A_371, %ne3A_372 : i32
      %lt3A_374 = arith.constant 0 : i32
      %lt3A_375 = arith.cmpi slt, %rem3A_371, %lt3A_374 : i32
      %lt3A_376 = arith.constant 0 : i32
      %lt3A_377 = arith.cmpi slt, %select_n3A_370, %lt3A_376 : i32
      %ne3A_378 = arith.xori %lt3A_375, %lt3A_377 : i1
      %and3A_379 = arith.andi %ne3A_378, %ne3A_373 : i1
      %add3A_380 = arith.addi %rem3A_371, %select_n3A_370 : i32
      %select_n3A_381 = arith.select %and3A_379, %add3A_380, %rem3A_371 : i32
      %mul3A_382 = arith.constant 8000 : i32
      %mul3A_383 = arith.muli %select_n3A_325, %mul3A_382 : i32
      %mul3A_384 = arith.constant 80 : i32
      %mul3A_385 = arith.muli %select_n3A_381, %mul3A_384 : i32
      %add3A_386 = arith.addi %mul3A_383, %mul3A_385 : i32
      %mul3A_387 = arith.constant 32 : i32
      %mul3A_388 = arith.muli %select_n3A_365, %mul3A_387 : i32
      %dma_start3A_389 = tpu.memref_slice %arg3[%add3A_386, %mul3A_388] : memref<40000x128xf32, #tpu.memory_space<hbm>> -> memref<80x32xf32, #tpu.memory_space<hbm>>
      %dma_start3A_390 = tpu.memref_slice %arg3[%add3A_386, %mul3A_388] : memref<40000x128xf32, #tpu.memory_space<hbm>> -> memref<80x32xf32, #tpu.memory_space<hbm>>
      tpu.enqueue_dma source(%dma_start3A_390 : memref<80x32xf32, #tpu.memory_space<hbm>>) target(%arg10 : memref<80x32xf32, #tpu.memory_space<vmem>>) target_semaphore(%arg15 : memref<!tpu.dma_semaphore, #tpu.memory_space<semaphore_mem>>)
      %dma_wait3A_391 = tpu.memref_slice %arg9[%multiple_of3A_290] : memref<5040xi32, #tpu.memory_space<vmem>> -> memref<80xi32, #tpu.memory_space<vmem>>
      %dma_wait3A_392 = arith.constant 0 : i32
      %dma_wait3A_393 = arith.constant 0 : i32
      %dma_wait3A_394 = tpu.memref_slice %arg13[%dma_wait3A_392, %dma_wait3A_393] : memref<10000x32xf32, #tpu.memory_space<vmem_shared>> -> memref<10000x32xf32, #tpu.memory_space<vmem_shared>>
      tpu.wait_indirect_dma semaphore(%arg20 : memref<!tpu.dma_semaphore, #tpu.memory_space<semaphore_mem>>) src(%arg11 : memref<80x32xf32, #tpu.memory_space<vmem>>) dst(%dma_wait3A_394 : memref<10000x32xf32, #tpu.memory_space<vmem_shared>>)
      %add3A_395 = arith.constant 3 : i32
      %add3A_396 = arith.addi %add3A_234, %add3A_395 : i32
      %min3A_397 = arith.constant 1999 : i32
      %min3A_398 = arith.minsi %add3A_396, %min3A_397 : i32
      %jit3A_399 = arith.constant 400 : i32
      %div3A_400 = arith.divsi %min3A_398, %jit3A_399 : i32
      %sign3A_401 = arith.constant 0 : i32
      %sign3A_402 = arith.cmpi sgt, %min3A_398, %sign3A_401 : i32
      %sign3A_403 = arith.extui %sign3A_402 : i1 to i32
      %sign3A_404 = arith.constant 0 : i32
      %sign3A_405 = arith.cmpi slt, %min3A_398, %sign3A_404 : i32
      %sign3A_406 = arith.extui %sign3A_405 : i1 to i32
      %sign3A_407 = arith.subi %sign3A_403, %sign3A_406 : i32
      %sign3A_408 = arith.constant 0 : i32
      %sign3A_409 = arith.cmpi sgt, %jit3A_399, %sign3A_408 : i32
      %sign3A_410 = arith.extui %sign3A_409 : i1 to i32
      %sign3A_411 = arith.constant 0 : i32
      %sign3A_412 = arith.cmpi slt, %jit3A_399, %sign3A_411 : i32
      %sign3A_413 = arith.extui %sign3A_412 : i1 to i32
      %sign3A_414 = arith.subi %sign3A_410, %sign3A_413 : i32
      %ne3A_415 = arith.cmpi ne, %sign3A_407, %sign3A_414 : i32
      %rem3A_416 = arith.remsi %min3A_398, %jit3A_399 : i32
      %ne3A_417 = arith.constant 0 : i32
      %ne3A_418 = arith.cmpi ne, %rem3A_416, %ne3A_417 : i32
      %and3A_419 = arith.andi %ne3A_415, %ne3A_418 : i1
      %sub3A_420 = arith.constant 1 : i32
      %sub3A_421 = arith.subi %div3A_400, %sub3A_420 : i32
      %select_n3A_422 = arith.select %and3A_419, %sub3A_421, %div3A_400 : i32
      %jit3A_423 = arith.constant 400 : i32
      %eq3A_424 = arith.constant 0 : i32
      %eq3A_425 = arith.cmpi eq, %jit3A_423, %eq3A_424 : i32
      %jit3A_426 = arith.constant 1 : i32
      %select_n3A_427 = arith.select %eq3A_425, %jit3A_426, %jit3A_423 : i32
      %rem3A_428 = arith.remsi %min3A_398, %select_n3A_427 : i32
      %ne3A_429 = arith.constant 0 : i32
      %ne3A_430 = arith.cmpi ne, %rem3A_428, %ne3A_429 : i32
      %lt3A_431 = arith.constant 0 : i32
      %lt3A_432 = arith.cmpi slt, %rem3A_428, %lt3A_431 : i32
      %lt3A_433 = arith.constant 0 : i32
      %lt3A_434 = arith.cmpi slt, %select_n3A_427, %lt3A_433 : i32
      %ne3A_435 = arith.xori %lt3A_432, %lt3A_434 : i1
      %and3A_436 = arith.andi %ne3A_435, %ne3A_430 : i1
      %add3A_437 = arith.addi %rem3A_428, %select_n3A_427 : i32
      %select_n3A_438 = arith.select %and3A_436, %add3A_437, %rem3A_428 : i32
      %jit3A_439 = arith.constant 100 : i32
      %div3A_440 = arith.divsi %select_n3A_438, %jit3A_439 : i32
      %sign3A_441 = arith.constant 0 : i32
      %sign3A_442 = arith.cmpi sgt, %select_n3A_438, %sign3A_441 : i32
      %sign3A_443 = arith.extui %sign3A_442 : i1 to i32
      %sign3A_444 = arith.constant 0 : i32
      %sign3A_445 = arith.cmpi slt, %select_n3A_438, %sign3A_444 : i32
      %sign3A_446 = arith.extui %sign3A_445 : i1 to i32
      %sign3A_447 = arith.subi %sign3A_443, %sign3A_446 : i32
      %sign3A_448 = arith.constant 0 : i32
      %sign3A_449 = arith.cmpi sgt, %jit3A_439, %sign3A_448 : i32
      %sign3A_450 = arith.extui %sign3A_449 : i1 to i32
      %sign3A_451 = arith.constant 0 : i32
      %sign3A_452 = arith.cmpi slt, %jit3A_439, %sign3A_451 : i32
      %sign3A_453 = arith.extui %sign3A_452 : i1 to i32
      %sign3A_454 = arith.subi %sign3A_450, %sign3A_453 : i32
      %ne3A_455 = arith.cmpi ne, %sign3A_447, %sign3A_454 : i32
      %rem3A_456 = arith.remsi %select_n3A_438, %jit3A_439 : i32
      %ne3A_457 = arith.constant 0 : i32
      %ne3A_458 = arith.cmpi ne, %rem3A_456, %ne3A_457 : i32
      %and3A_459 = arith.andi %ne3A_455, %ne3A_458 : i1
      %sub3A_460 = arith.constant 1 : i32
      %sub3A_461 = arith.subi %div3A_440, %sub3A_460 : i32
      %select_n3A_462 = arith.select %and3A_459, %sub3A_461, %div3A_440 : i32
      %jit3A_463 = arith.constant 100 : i32
      %eq3A_464 = arith.constant 0 : i32
      %eq3A_465 = arith.cmpi eq, %jit3A_463, %eq3A_464 : i32
      %jit3A_466 = arith.constant 1 : i32
      %select_n3A_467 = arith.select %eq3A_465, %jit3A_466, %jit3A_463 : i32
      %rem3A_468 = arith.remsi %select_n3A_438, %select_n3A_467 : i32
      %ne3A_469 = arith.constant 0 : i32
      %ne3A_470 = arith.cmpi ne, %rem3A_468, %ne3A_469 : i32
      %lt3A_471 = arith.constant 0 : i32
      %lt3A_472 = arith.cmpi slt, %rem3A_468, %lt3A_471 : i32
      %lt3A_473 = arith.constant 0 : i32
      %lt3A_474 = arith.cmpi slt, %select_n3A_467, %lt3A_473 : i32
      %ne3A_475 = arith.xori %lt3A_472, %lt3A_474 : i1
      %and3A_476 = arith.andi %ne3A_475, %ne3A_470 : i1
      %add3A_477 = arith.addi %rem3A_468, %select_n3A_467 : i32
      %select_n3A_478 = arith.select %and3A_476, %add3A_477, %rem3A_468 : i32
      %mul3A_479 = arith.constant 8000 : i32
      %mul3A_480 = arith.muli %select_n3A_422, %mul3A_479 : i32
      %mul3A_481 = arith.constant 80 : i32
      %mul3A_482 = arith.muli %select_n3A_478, %mul3A_481 : i32
      %add3A_483 = arith.addi %mul3A_480, %mul3A_482 : i32
      %mul3A_484 = arith.constant 32 : i32
      %mul3A_485 = arith.muli %select_n3A_462, %mul3A_484 : i32
      %dma_start3A_486 = tpu.memref_slice %arg3[%add3A_483, %mul3A_485] : memref<40000x128xf32, #tpu.memory_space<hbm>> -> memref<80x32xf32, #tpu.memory_space<hbm>>
      %dma_start3A_487 = tpu.memref_slice %arg3[%add3A_483, %mul3A_485] : memref<40000x128xf32, #tpu.memory_space<hbm>> -> memref<80x32xf32, #tpu.memory_space<hbm>>
      tpu.enqueue_dma source(%dma_start3A_487 : memref<80x32xf32, #tpu.memory_space<hbm>>) target(%arg11 : memref<80x32xf32, #tpu.memory_space<vmem>>) target_semaphore(%arg16 : memref<!tpu.dma_semaphore, #tpu.memory_space<semaphore_mem>>)
    }
    %scan3A_203 = arith.constant 31 : i32
    %dma_wait3A = arith.constant 0 : i32
    %dma_wait3A_204 = arith.constant 0 : i32
    %dma_wait3A_205 = tpu.memref_slice %arg3[%dma_wait3A, %dma_wait3A_204] : memref<40000x128xf32, #tpu.memory_space<hbm>> -> memref<80x32xf32, #tpu.memory_space<hbm>>
    %dma_wait3A_206 = arith.constant 0 : i32
    %dma_wait3A_207 = arith.constant 0 : i32
    %dma_wait3A_208 = tpu.memref_slice %arg3[%dma_wait3A_206, %dma_wait3A_207] : memref<40000x128xf32, #tpu.memory_space<hbm>> -> memref<80x32xf32, #tpu.memory_space<hbm>>
    tpu.wait_dma2 semaphore(%arg15 : memref<!tpu.dma_semaphore, #tpu.memory_space<semaphore_mem>>) src(%dma_wait3A_208 : memref<80x32xf32, #tpu.memory_space<hbm>>) dst(%arg10 : memref<80x32xf32, #tpu.memory_space<vmem>>)
    %dma_wait3A_209 = arith.constant 0 : i32
    %dma_wait3A_210 = arith.constant 0 : i32
    %dma_wait3A_211 = tpu.memref_slice %arg3[%dma_wait3A_209, %dma_wait3A_210] : memref<40000x128xf32, #tpu.memory_space<hbm>> -> memref<80x32xf32, #tpu.memory_space<hbm>>
    %dma_wait3A_212 = arith.constant 0 : i32
    %dma_wait3A_213 = arith.constant 0 : i32
    %dma_wait3A_214 = tpu.memref_slice %arg3[%dma_wait3A_212, %dma_wait3A_213] : memref<40000x128xf32, #tpu.memory_space<hbm>> -> memref<80x32xf32, #tpu.memory_space<hbm>>
    tpu.wait_dma2 semaphore(%arg16 : memref<!tpu.dma_semaphore, #tpu.memory_space<semaphore_mem>>) src(%dma_wait3A_214 : memref<80x32xf32, #tpu.memory_space<hbm>>) dst(%arg11 : memref<80x32xf32, #tpu.memory_space<vmem>>)
    %lt3A_215 = arith.constant 16 : i32
    %lt3A_216 = arith.cmpi slt, %add3A, %lt3A_215 : i32
    %convert_element_type3A_217 = arith.extui %lt3A_216 : i1 to i32
    %cond3A_218 = arith.constant 0 : i32
    %cond3A_219 = arith.cmpi ne, %convert_element_type3A_217, %cond3A_218 : i32
    scf.if %cond3A_219 {
      %add3A_231 = arith.constant 1984 : i32
      %add3A_232 = arith.addi %add3A_231, %add3A : i32
      %jit3A_233 = arith.constant 400 : i32
      %div3A_234 = arith.divsi %add3A_232, %jit3A_233 : i32
      %sign3A_235 = arith.constant 0 : i32
      %sign3A_236 = arith.cmpi sgt, %add3A_232, %sign3A_235 : i32
      %sign3A_237 = arith.extui %sign3A_236 : i1 to i32
      %sign3A_238 = arith.constant 0 : i32
      %sign3A_239 = arith.cmpi slt, %add3A_232, %sign3A_238 : i32
      %sign3A_240 = arith.extui %sign3A_239 : i1 to i32
      %sign3A_241 = arith.subi %sign3A_237, %sign3A_240 : i32
      %sign3A_242 = arith.constant 0 : i32
      %sign3A_243 = arith.cmpi sgt, %jit3A_233, %sign3A_242 : i32
      %sign3A_244 = arith.extui %sign3A_243 : i1 to i32
      %sign3A_245 = arith.constant 0 : i32
      %sign3A_246 = arith.cmpi slt, %jit3A_233, %sign3A_245 : i32
      %sign3A_247 = arith.extui %sign3A_246 : i1 to i32
      %sign3A_248 = arith.subi %sign3A_244, %sign3A_247 : i32
      %ne3A_249 = arith.cmpi ne, %sign3A_241, %sign3A_248 : i32
      %rem3A_250 = arith.remsi %add3A_232, %jit3A_233 : i32
      %ne3A_251 = arith.constant 0 : i32
      %ne3A_252 = arith.cmpi ne, %rem3A_250, %ne3A_251 : i32
      %and3A_253 = arith.andi %ne3A_249, %ne3A_252 : i1
      %sub3A_254 = arith.constant 1 : i32
      %sub3A_255 = arith.subi %div3A_234, %sub3A_254 : i32
      %select_n3A_256 = arith.select %and3A_253, %sub3A_255, %div3A_234 : i32
      %jit3A_257 = arith.constant 400 : i32
      %eq3A_258 = arith.constant 0 : i32
      %eq3A_259 = arith.cmpi eq, %jit3A_257, %eq3A_258 : i32
      %jit3A_260 = arith.constant 1 : i32
      %select_n3A_261 = arith.select %eq3A_259, %jit3A_260, %jit3A_257 : i32
      %rem3A_262 = arith.remsi %add3A_232, %select_n3A_261 : i32
      %ne3A_263 = arith.constant 0 : i32
      %ne3A_264 = arith.cmpi ne, %rem3A_262, %ne3A_263 : i32
      %lt3A_265 = arith.constant 0 : i32
      %lt3A_266 = arith.cmpi slt, %rem3A_262, %lt3A_265 : i32
      %lt3A_267 = arith.constant 0 : i32
      %lt3A_268 = arith.cmpi slt, %select_n3A_261, %lt3A_267 : i32
      %ne3A_269 = arith.xori %lt3A_266, %lt3A_268 : i1
      %and3A_270 = arith.andi %ne3A_269, %ne3A_264 : i1
      %add3A_271 = arith.addi %rem3A_262, %select_n3A_261 : i32
      %select_n3A_272 = arith.select %and3A_270, %add3A_271, %rem3A_262 : i32
      %jit3A_273 = arith.constant 100 : i32
      %div3A_274 = arith.divsi %select_n3A_272, %jit3A_273 : i32
      %sign3A_275 = arith.constant 0 : i32
      %sign3A_276 = arith.cmpi sgt, %select_n3A_272, %sign3A_275 : i32
      %sign3A_277 = arith.extui %sign3A_276 : i1 to i32
      %sign3A_278 = arith.constant 0 : i32
      %sign3A_279 = arith.cmpi slt, %select_n3A_272, %sign3A_278 : i32
      %sign3A_280 = arith.extui %sign3A_279 : i1 to i32
      %sign3A_281 = arith.subi %sign3A_277, %sign3A_280 : i32
      %sign3A_282 = arith.constant 0 : i32
      %sign3A_283 = arith.cmpi sgt, %jit3A_273, %sign3A_282 : i32
      %sign3A_284 = arith.extui %sign3A_283 : i1 to i32
      %sign3A_285 = arith.constant 0 : i32
      %sign3A_286 = arith.cmpi slt, %jit3A_273, %sign3A_285 : i32
      %sign3A_287 = arith.extui %sign3A_286 : i1 to i32
      %sign3A_288 = arith.subi %sign3A_284, %sign3A_287 : i32
      %ne3A_289 = arith.cmpi ne, %sign3A_281, %sign3A_288 : i32
      %rem3A_290 = arith.remsi %select_n3A_272, %jit3A_273 : i32
      %ne3A_291 = arith.constant 0 : i32
      %ne3A_292 = arith.cmpi ne, %rem3A_290, %ne3A_291 : i32
      %and3A_293 = arith.andi %ne3A_289, %ne3A_292 : i1
      %sub3A_294 = arith.constant 1 : i32
      %sub3A_295 = arith.subi %div3A_274, %sub3A_294 : i32
      %select_n3A_296 = arith.select %and3A_293, %sub3A_295, %div3A_274 : i32
      %jit3A_297 = arith.constant 100 : i32
      %eq3A_298 = arith.constant 0 : i32
      %eq3A_299 = arith.cmpi eq, %jit3A_297, %eq3A_298 : i32
      %jit3A_300 = arith.constant 1 : i32
      %select_n3A_301 = arith.select %eq3A_299, %jit3A_300, %jit3A_297 : i32
      %rem3A_302 = arith.remsi %select_n3A_272, %select_n3A_301 : i32
      %ne3A_303 = arith.constant 0 : i32
      %ne3A_304 = arith.cmpi ne, %rem3A_302, %ne3A_303 : i32
      %lt3A_305 = arith.constant 0 : i32
      %lt3A_306 = arith.cmpi slt, %rem3A_302, %lt3A_305 : i32
      %lt3A_307 = arith.constant 0 : i32
      %lt3A_308 = arith.cmpi slt, %select_n3A_301, %lt3A_307 : i32
      %ne3A_309 = arith.xori %lt3A_306, %lt3A_308 : i1
      %and3A_310 = arith.andi %ne3A_309, %ne3A_304 : i1
      %add3A_311 = arith.addi %rem3A_302, %select_n3A_301 : i32
      %select_n3A_312 = arith.select %and3A_310, %add3A_311, %rem3A_302 : i32
      %mul3A_313 = arith.constant 8000 : i32
      %mul3A_314 = arith.muli %select_n3A_256, %mul3A_313 : i32
      %mul3A_315 = arith.constant 80 : i32
      %mul3A_316 = arith.muli %select_n3A_312, %mul3A_315 : i32
      %add3A_317 = arith.addi %mul3A_314, %mul3A_316 : i32
      %mul3A_318 = arith.constant 32 : i32
      %mul3A_319 = arith.muli %select_n3A_296, %mul3A_318 : i32
      "tpu.region"() ({
        %run_scoped3A = tpu.sem_alloc : memref<!tpu.dma_semaphore, #tpu.memory_space<semaphore_mem>>
        %dma_start3A_340 = tpu.memref_slice %arg3[%add3A_317, %mul3A_319] : memref<40000x128xf32, #tpu.memory_space<hbm>> -> memref<80x32xf32, #tpu.memory_space<hbm>>
        %dma_start3A_341 = tpu.memref_slice %arg3[%add3A_317, %mul3A_319] : memref<40000x128xf32, #tpu.memory_space<hbm>> -> memref<80x32xf32, #tpu.memory_space<hbm>>
        tpu.enqueue_dma source(%dma_start3A_341 : memref<80x32xf32, #tpu.memory_space<hbm>>) target(%arg10 : memref<80x32xf32, #tpu.memory_space<vmem>>) target_semaphore(%run_scoped3A : memref<!tpu.dma_semaphore, #tpu.memory_space<semaphore_mem>>)
        %dma_wait3A_342 = tpu.memref_slice %arg3[%add3A_317, %mul3A_319] : memref<40000x128xf32, #tpu.memory_space<hbm>> -> memref<80x32xf32, #tpu.memory_space<hbm>>
        %dma_wait3A_343 = tpu.memref_slice %arg3[%add3A_317, %mul3A_319] : memref<40000x128xf32, #tpu.memory_space<hbm>> -> memref<80x32xf32, #tpu.memory_space<hbm>>
        tpu.wait_dma2 semaphore(%run_scoped3A : memref<!tpu.dma_semaphore, #tpu.memory_space<semaphore_mem>>) src(%dma_wait3A_343 : memref<80x32xf32, #tpu.memory_space<hbm>>) dst(%arg10 : memref<80x32xf32, #tpu.memory_space<vmem>>)
        tpu.yield
      }) : () -> ()
      %multiple_of3A_320 = arith.constant 4960 : i32
      %multiple_of3A_321 = tpu.assume_multiple %multiple_of3A_320, 8 : i32
      %dma_start3A_322 = tpu.memref_slice %arg8[%multiple_of3A_321] : memref<5040xi32, #tpu.memory_space<vmem>> -> memref<80xi32, #tpu.memory_space<vmem>>
      %dma_start3A_323 = arith.constant 0 : i32
      %dma_start3A_324 = arith.constant 0 : i32
      %dma_start3A_325 = tpu.memref_slice %arg14[%dma_start3A_323, %dma_start3A_324] : memref<10000x32xf32, #tpu.memory_space<vmem_shared>> -> memref<10000x32xf32, #tpu.memory_space<vmem_shared>>
      tpu.enqueue_indirect_dma source(%dma_start3A_325 : memref<10000x32xf32, #tpu.memory_space<vmem_shared>>) target(%arg10 : memref<80x32xf32, #tpu.memory_space<vmem>>) offsets(%dma_start3A_322 : memref<80xi32, #tpu.memory_space<vmem>>) semaphore(%arg17 : memref<!tpu.dma_semaphore, #tpu.memory_space<semaphore_mem>>) {add = true}
      %dma_wait3A_326 = tpu.memref_slice %arg8[%multiple_of3A_321] : memref<5040xi32, #tpu.memory_space<vmem>> -> memref<80xi32, #tpu.memory_space<vmem>>
      %dma_wait3A_327 = arith.constant 0 : i32
      %dma_wait3A_328 = arith.constant 0 : i32
      %dma_wait3A_329 = tpu.memref_slice %arg14[%dma_wait3A_327, %dma_wait3A_328] : memref<10000x32xf32, #tpu.memory_space<vmem_shared>> -> memref<10000x32xf32, #tpu.memory_space<vmem_shared>>
      tpu.wait_indirect_dma semaphore(%arg17 : memref<!tpu.dma_semaphore, #tpu.memory_space<semaphore_mem>>) src(%dma_wait3A_329 : memref<10000x32xf32, #tpu.memory_space<vmem_shared>>) dst(%arg10 : memref<80x32xf32, #tpu.memory_space<vmem>>)
      %multiple_of3A_330 = arith.constant 4960 : i32
      %multiple_of3A_331 = tpu.assume_multiple %multiple_of3A_330, 8 : i32
      %dma_start3A_332 = tpu.memref_slice %arg9[%multiple_of3A_331] : memref<5040xi32, #tpu.memory_space<vmem>> -> memref<80xi32, #tpu.memory_space<vmem>>
      %dma_start3A_333 = arith.constant 0 : i32
      %dma_start3A_334 = arith.constant 0 : i32
      %dma_start3A_335 = tpu.memref_slice %arg13[%dma_start3A_333, %dma_start3A_334] : memref<10000x32xf32, #tpu.memory_space<vmem_shared>> -> memref<10000x32xf32, #tpu.memory_space<vmem_shared>>
      tpu.enqueue_indirect_dma source(%arg10 : memref<80x32xf32, #tpu.memory_space<vmem>>) target(%dma_start3A_335 : memref<10000x32xf32, #tpu.memory_space<vmem_shared>>) offsets(%dma_start3A_332 : memref<80xi32, #tpu.memory_space<vmem>>) semaphore(%arg19 : memref<!tpu.dma_semaphore, #tpu.memory_space<semaphore_mem>>) {add = true}
      %dma_wait3A_336 = tpu.memref_slice %arg9[%multiple_of3A_331] : memref<5040xi32, #tpu.memory_space<vmem>> -> memref<80xi32, #tpu.memory_space<vmem>>
      %dma_wait3A_337 = arith.constant 0 : i32
      %dma_wait3A_338 = arith.constant 0 : i32
      %dma_wait3A_339 = tpu.memref_slice %arg13[%dma_wait3A_337, %dma_wait3A_338] : memref<10000x32xf32, #tpu.memory_space<vmem_shared>> -> memref<10000x32xf32, #tpu.memory_space<vmem_shared>>
      tpu.wait_indirect_dma semaphore(%arg19 : memref<!tpu.dma_semaphore, #tpu.memory_space<semaphore_mem>>) src(%arg10 : memref<80x32xf32, #tpu.memory_space<vmem>>) dst(%dma_wait3A_339 : memref<10000x32xf32, #tpu.memory_space<vmem_shared>>)
    } else {
    }
    %barrier3A_220 = arith.constant 0 : index
    tpu.barrier barrier_id(%barrier3A_220)
    %lt3A_221 = arith.constant 15 : i32
    %lt3A_222 = arith.cmpi slt, %arg1, %lt3A_221 : i32
    %convert_element_type3A_223 = arith.extui %lt3A_222 : i1 to i32
    %cond3A_224 = arith.constant 0 : i32
    %cond3A_225 = arith.cmpi ne, %convert_element_type3A_223, %cond3A_224 : i32
    scf.if %cond3A_225 {
      %mul3A_231 = arith.constant 624 : i32
      %mul3A_232 = arith.muli %arg1, %mul3A_231 : i32
      %multiple_of3A_233 = tpu.assume_multiple %mul3A_232, 8 : i32
      "tpu.region"() ({
        %run_scoped3A = tpu.sem_alloc : memref<!tpu.dma_semaphore, #tpu.memory_space<semaphore_mem>>
        %dma_start3A_234 = arith.constant 0 : i32
        %dma_start3A_235 = tpu.memref_slice %arg7[%arg0, %multiple_of3A_233, %dma_start3A_234] : memref<2x10000x32xf32, #tpu.memory_space<hbm>> -> memref<1x624x32xf32, #tpu.memory_space<hbm>>
        %dma_start3A_236 = tpu.memref_squeeze %dma_start3A_235 : memref<1x624x32xf32, #tpu.memory_space<hbm>> -> memref<624x32xf32, #tpu.memory_space<hbm>>
        %dma_start3A_237 = arith.constant 0 : i32
        %dma_start3A_238 = tpu.memref_slice %arg13[%multiple_of3A_233, %dma_start3A_237] : memref<10000x32xf32, #tpu.memory_space<vmem_shared>> -> memref<624x32xf32, #tpu.memory_space<vmem_shared>>
        tpu.enqueue_dma source(%dma_start3A_238 : memref<624x32xf32, #tpu.memory_space<vmem_shared>>) target(%dma_start3A_236 : memref<624x32xf32, #tpu.memory_space<hbm>>) target_semaphore(%run_scoped3A : memref<!tpu.dma_semaphore, #tpu.memory_space<semaphore_mem>>)
        %dma_wait3A_239 = arith.constant 0 : i32
        %dma_wait3A_240 = tpu.memref_slice %arg7[%arg0, %multiple_of3A_233, %dma_wait3A_239] : memref<2x10000x32xf32, #tpu.memory_space<hbm>> -> memref<1x624x32xf32, #tpu.memory_space<hbm>>
        %dma_wait3A_241 = tpu.memref_squeeze %dma_wait3A_240 : memref<1x624x32xf32, #tpu.memory_space<hbm>> -> memref<624x32xf32, #tpu.memory_space<hbm>>
        %dma_wait3A_242 = arith.constant 0 : i32
        %dma_wait3A_243 = tpu.memref_slice %arg13[%multiple_of3A_233, %dma_wait3A_242] : memref<10000x32xf32, #tpu.memory_space<vmem_shared>> -> memref<624x32xf32, #tpu.memory_space<vmem_shared>>
        tpu.wait_dma2 semaphore(%run_scoped3A : memref<!tpu.dma_semaphore, #tpu.memory_space<semaphore_mem>>) src(%dma_wait3A_243 : memref<624x32xf32, #tpu.memory_space<vmem_shared>>) dst(%dma_wait3A_241 : memref<624x32xf32, #tpu.memory_space<hbm>>)
        tpu.yield
      }) : () -> ()
    } else {
    }
    %eq3A_226 = arith.constant 15 : i32
    %eq3A_227 = arith.cmpi eq, %arg1, %eq3A_226 : i32
    %convert_element_type3A_228 = arith.extui %eq3A_227 : i1 to i32
    %cond3A_229 = arith.constant 0 : i32
    %cond3A_230 = arith.cmpi ne, %convert_element_type3A_228, %cond3A_229 : i32
    scf.if %cond3A_230 {
      "tpu.region"() ({
        %run_scoped3A = tpu.sem_alloc : memref<!tpu.dma_semaphore, #tpu.memory_space<semaphore_mem>>
        %dma_start3A_231 = arith.constant 9360 : i32
        %dma_start3A_232 = arith.constant 0 : i32
        %dma_start3A_233 = tpu.memref_slice %arg7[%arg0, %dma_start3A_231, %dma_start3A_232] : memref<2x10000x32xf32, #tpu.memory_space<hbm>> -> memref<1x640x32xf32, #tpu.memory_space<hbm>>
        %dma_start3A_234 = tpu.memref_squeeze %dma_start3A_233 : memref<1x640x32xf32, #tpu.memory_space<hbm>> -> memref<640x32xf32, #tpu.memory_space<hbm>>
        %dma_start3A_235 = arith.constant 9360 : i32
        %dma_start3A_236 = arith.constant 0 : i32
        %dma_start3A_237 = tpu.memref_slice %arg13[%dma_start3A_235, %dma_start3A_236] : memref<10000x32xf32, #tpu.memory_space<vmem_shared>> -> memref<640x32xf32, #tpu.memory_space<vmem_shared>>
        tpu.enqueue_dma source(%dma_start3A_237 : memref<640x32xf32, #tpu.memory_space<vmem_shared>>) target(%dma_start3A_234 : memref<640x32xf32, #tpu.memory_space<hbm>>) target_semaphore(%run_scoped3A : memref<!tpu.dma_semaphore, #tpu.memory_space<semaphore_mem>>)
        %dma_wait3A_238 = arith.constant 9360 : i32
        %dma_wait3A_239 = arith.constant 0 : i32
        %dma_wait3A_240 = tpu.memref_slice %arg7[%arg0, %dma_wait3A_238, %dma_wait3A_239] : memref<2x10000x32xf32, #tpu.memory_space<hbm>> -> memref<1x640x32xf32, #tpu.memory_space<hbm>>
        %dma_wait3A_241 = tpu.memref_squeeze %dma_wait3A_240 : memref<1x640x32xf32, #tpu.memory_space<hbm>> -> memref<640x32xf32, #tpu.memory_space<hbm>>
        %dma_wait3A_242 = arith.constant 9360 : i32
        %dma_wait3A_243 = arith.constant 0 : i32
        %dma_wait3A_244 = tpu.memref_slice %arg13[%dma_wait3A_242, %dma_wait3A_243] : memref<10000x32xf32, #tpu.memory_space<vmem_shared>> -> memref<640x32xf32, #tpu.memory_space<vmem_shared>>
        tpu.wait_dma2 semaphore(%run_scoped3A : memref<!tpu.dma_semaphore, #tpu.memory_space<semaphore_mem>>) src(%dma_wait3A_244 : memref<640x32xf32, #tpu.memory_space<vmem_shared>>) dst(%dma_wait3A_241 : memref<640x32xf32, #tpu.memory_space<hbm>>)
        tpu.yield
      }) : () -> ()
    } else {
    }
    return
  }
}

#map = affine_map<(d0, d1) -> (0, 0)>
#map1 = affine_map<(d0, d1) -> (0)>
module attributes {stable_mosaic.version = 14 : i64} {
  func.func @_sc_post_gather(%arg0: i32, %arg1: i32, %arg2: memref<10000x128xf32, #tpu.memory_space<hbm>>, %arg3: memref<5120xi32, #tpu.memory_space<hbm>>, %arg4: memref<5120x128xf32, #tpu.memory_space<hbm>>, %arg5: memref<128xi32, #tpu.memory_space<vmem>>, %arg6: memref<128x128xf32, #tpu.memory_space<vmem>>, %arg7: memref<!tpu.dma_semaphore, #tpu.memory_space<semaphore_mem>>) attributes {dimension_semantics = [#tpu.dimension_semantics<core_parallel>, #tpu.dimension_semantics<subcore_parallel>], iteration_bounds = array<i64: 2, 16>, scalar_prefetch = 0 : i64, scratch_operands = 3 : i64, tpu.core_type = #tpu.core_type<sc_vector_subcore>, window_params = [{transform_indices = #map}, {transform_indices = #map1}, {transform_indices = #map}]} {
    %mul3A = arith.constant 2 : i32
    %mul3A_0 = arith.muli %arg1, %mul3A : i32
    %add3A = arith.addi %mul3A_0, %arg0 : i32
    %mul3A_1 = arith.constant 128 : i32
    %mul3A_2 = arith.muli %add3A, %mul3A_1 : i32
    %multiple_of3A = tpu.assume_multiple %mul3A_2, 8 : i32
    "tpu.region"() ({
      %run_scoped3A = tpu.sem_alloc : memref<!tpu.dma_semaphore, #tpu.memory_space<semaphore_mem>>
      %dma_start3A_9 = tpu.memref_slice %arg3[%multiple_of3A] : memref<5120xi32, #tpu.memory_space<hbm>> -> memref<128xi32, #tpu.memory_space<hbm>>
      %dma_start3A_10 = tpu.memref_slice %arg3[%multiple_of3A] : memref<5120xi32, #tpu.memory_space<hbm>> -> memref<128xi32, #tpu.memory_space<hbm>>
      tpu.enqueue_dma source(%dma_start3A_10 : memref<128xi32, #tpu.memory_space<hbm>>) target(%arg5 : memref<128xi32, #tpu.memory_space<vmem>>) target_semaphore(%run_scoped3A : memref<!tpu.dma_semaphore, #tpu.memory_space<semaphore_mem>>)
      %dma_wait3A_11 = tpu.memref_slice %arg3[%multiple_of3A] : memref<5120xi32, #tpu.memory_space<hbm>> -> memref<128xi32, #tpu.memory_space<hbm>>
      %dma_wait3A_12 = tpu.memref_slice %arg3[%multiple_of3A] : memref<5120xi32, #tpu.memory_space<hbm>> -> memref<128xi32, #tpu.memory_space<hbm>>
      tpu.wait_dma2 semaphore(%run_scoped3A : memref<!tpu.dma_semaphore, #tpu.memory_space<semaphore_mem>>) src(%dma_wait3A_12 : memref<128xi32, #tpu.memory_space<hbm>>) dst(%arg5 : memref<128xi32, #tpu.memory_space<vmem>>)
      tpu.yield
    }) : () -> ()
    %dma_start3A = arith.constant 0 : i32
    %dma_start3A_3 = arith.constant 0 : i32
    %dma_start3A_4 = tpu.memref_slice %arg2[%dma_start3A, %dma_start3A_3] : memref<10000x128xf32, #tpu.memory_space<hbm>> -> memref<10000x128xf32, #tpu.memory_space<hbm>>
    tpu.enqueue_indirect_dma source(%dma_start3A_4 : memref<10000x128xf32, #tpu.memory_space<hbm>>) target(%arg6 : memref<128x128xf32, #tpu.memory_space<vmem>>) offsets(%arg5 : memref<128xi32, #tpu.memory_space<vmem>>) semaphore(%arg7 : memref<!tpu.dma_semaphore, #tpu.memory_space<semaphore_mem>>)
    %dma_wait3A = arith.constant 0 : i32
    %dma_wait3A_5 = arith.constant 0 : i32
    %dma_wait3A_6 = tpu.memref_slice %arg2[%dma_wait3A, %dma_wait3A_5] : memref<10000x128xf32, #tpu.memory_space<hbm>> -> memref<10000x128xf32, #tpu.memory_space<hbm>>
    tpu.wait_indirect_dma semaphore(%arg7 : memref<!tpu.dma_semaphore, #tpu.memory_space<semaphore_mem>>) src(%dma_wait3A_6 : memref<10000x128xf32, #tpu.memory_space<hbm>>) dst(%arg6 : memref<128x128xf32, #tpu.memory_space<vmem>>)
    "tpu.region"() ({
      %run_scoped3A = tpu.sem_alloc : memref<!tpu.dma_semaphore, #tpu.memory_space<semaphore_mem>>
      %dma_start3A_9 = arith.constant 0 : i32
      %dma_start3A_10 = tpu.memref_slice %arg4[%multiple_of3A, %dma_start3A_9] : memref<5120x128xf32, #tpu.memory_space<hbm>> -> memref<128x128xf32, #tpu.memory_space<hbm>>
      %dma_start3A_11 = arith.constant 0 : i32
      %dma_start3A_12 = tpu.memref_slice %arg4[%multiple_of3A, %dma_start3A_11] : memref<5120x128xf32, #tpu.memory_space<hbm>> -> memref<128x128xf32, #tpu.memory_space<hbm>>
      tpu.enqueue_dma source(%arg6 : memref<128x128xf32, #tpu.memory_space<vmem>>) target(%dma_start3A_12 : memref<128x128xf32, #tpu.memory_space<hbm>>) target_semaphore(%run_scoped3A : memref<!tpu.dma_semaphore, #tpu.memory_space<semaphore_mem>>)
      %dma_wait3A_13 = arith.constant 0 : i32
      %dma_wait3A_14 = tpu.memref_slice %arg4[%multiple_of3A, %dma_wait3A_13] : memref<5120x128xf32, #tpu.memory_space<hbm>> -> memref<128x128xf32, #tpu.memory_space<hbm>>
      %dma_wait3A_15 = arith.constant 0 : i32
      %dma_wait3A_16 = tpu.memref_slice %arg4[%multiple_of3A, %dma_wait3A_15] : memref<5120x128xf32, #tpu.memory_space<hbm>> -> memref<128x128xf32, #tpu.memory_space<hbm>>
      tpu.wait_dma2 semaphore(%run_scoped3A : memref<!tpu.dma_semaphore, #tpu.memory_space<semaphore_mem>>) src(%arg6 : memref<128x128xf32, #tpu.memory_space<vmem>>) dst(%dma_wait3A_16 : memref<128x128xf32, #tpu.memory_space<hbm>>)
      tpu.yield
    }) : () -> ()
    %lt3A = arith.constant 8 : i32
    %lt3A_7 = arith.cmpi slt, %add3A, %lt3A : i32
    %convert_element_type3A = arith.extui %lt3A_7 : i1 to i32
    %cond3A = arith.constant 0 : i32
    %cond3A_8 = arith.cmpi ne, %convert_element_type3A, %cond3A : i32
    scf.if %cond3A_8 {
      %add3A_9 = arith.constant 32 : i32
      %add3A_10 = arith.addi %add3A, %add3A_9 : i32
      %mul3A_11 = arith.constant 128 : i32
      %mul3A_12 = arith.muli %add3A_10, %mul3A_11 : i32
      %multiple_of3A_13 = tpu.assume_multiple %mul3A_12, 8 : i32
      "tpu.region"() ({
        %run_scoped3A = tpu.sem_alloc : memref<!tpu.dma_semaphore, #tpu.memory_space<semaphore_mem>>
        %dma_start3A_20 = tpu.memref_slice %arg3[%multiple_of3A_13] : memref<5120xi32, #tpu.memory_space<hbm>> -> memref<128xi32, #tpu.memory_space<hbm>>
        %dma_start3A_21 = tpu.memref_slice %arg3[%multiple_of3A_13] : memref<5120xi32, #tpu.memory_space<hbm>> -> memref<128xi32, #tpu.memory_space<hbm>>
        tpu.enqueue_dma source(%dma_start3A_21 : memref<128xi32, #tpu.memory_space<hbm>>) target(%arg5 : memref<128xi32, #tpu.memory_space<vmem>>) target_semaphore(%run_scoped3A : memref<!tpu.dma_semaphore, #tpu.memory_space<semaphore_mem>>)
        %dma_wait3A_22 = tpu.memref_slice %arg3[%multiple_of3A_13] : memref<5120xi32, #tpu.memory_space<hbm>> -> memref<128xi32, #tpu.memory_space<hbm>>
        %dma_wait3A_23 = tpu.memref_slice %arg3[%multiple_of3A_13] : memref<5120xi32, #tpu.memory_space<hbm>> -> memref<128xi32, #tpu.memory_space<hbm>>
        tpu.wait_dma2 semaphore(%run_scoped3A : memref<!tpu.dma_semaphore, #tpu.memory_space<semaphore_mem>>) src(%dma_wait3A_23 : memref<128xi32, #tpu.memory_space<hbm>>) dst(%arg5 : memref<128xi32, #tpu.memory_space<vmem>>)
        tpu.yield
      }) : () -> ()
      %dma_start3A_14 = arith.constant 0 : i32
      %dma_start3A_15 = arith.constant 0 : i32
      %dma_start3A_16 = tpu.memref_slice %arg2[%dma_start3A_14, %dma_start3A_15] : memref<10000x128xf32, #tpu.memory_space<hbm>> -> memref<10000x128xf32, #tpu.memory_space<hbm>>
      tpu.enqueue_indirect_dma source(%dma_start3A_16 : memref<10000x128xf32, #tpu.memory_space<hbm>>) target(%arg6 : memref<128x128xf32, #tpu.memory_space<vmem>>) offsets(%arg5 : memref<128xi32, #tpu.memory_space<vmem>>) semaphore(%arg7 : memref<!tpu.dma_semaphore, #tpu.memory_space<semaphore_mem>>)
      %dma_wait3A_17 = arith.constant 0 : i32
      %dma_wait3A_18 = arith.constant 0 : i32
      %dma_wait3A_19 = tpu.memref_slice %arg2[%dma_wait3A_17, %dma_wait3A_18] : memref<10000x128xf32, #tpu.memory_space<hbm>> -> memref<10000x128xf32, #tpu.memory_space<hbm>>
      tpu.wait_indirect_dma semaphore(%arg7 : memref<!tpu.dma_semaphore, #tpu.memory_space<semaphore_mem>>) src(%dma_wait3A_19 : memref<10000x128xf32, #tpu.memory_space<hbm>>) dst(%arg6 : memref<128x128xf32, #tpu.memory_space<vmem>>)
      "tpu.region"() ({
        %run_scoped3A = tpu.sem_alloc : memref<!tpu.dma_semaphore, #tpu.memory_space<semaphore_mem>>
        %dma_start3A_20 = arith.constant 0 : i32
        %dma_start3A_21 = tpu.memref_slice %arg4[%multiple_of3A_13, %dma_start3A_20] : memref<5120x128xf32, #tpu.memory_space<hbm>> -> memref<128x128xf32, #tpu.memory_space<hbm>>
        %dma_start3A_22 = arith.constant 0 : i32
        %dma_start3A_23 = tpu.memref_slice %arg4[%multiple_of3A_13, %dma_start3A_22] : memref<5120x128xf32, #tpu.memory_space<hbm>> -> memref<128x128xf32, #tpu.memory_space<hbm>>
        tpu.enqueue_dma source(%arg6 : memref<128x128xf32, #tpu.memory_space<vmem>>) target(%dma_start3A_23 : memref<128x128xf32, #tpu.memory_space<hbm>>) target_semaphore(%run_scoped3A : memref<!tpu.dma_semaphore, #tpu.memory_space<semaphore_mem>>)
        %dma_wait3A_24 = arith.constant 0 : i32
        %dma_wait3A_25 = tpu.memref_slice %arg4[%multiple_of3A_13, %dma_wait3A_24] : memref<5120x128xf32, #tpu.memory_space<hbm>> -> memref<128x128xf32, #tpu.memory_space<hbm>>
        %dma_wait3A_26 = arith.constant 0 : i32
        %dma_wait3A_27 = tpu.memref_slice %arg4[%multiple_of3A_13, %dma_wait3A_26] : memref<5120x128xf32, #tpu.memory_space<hbm>> -> memref<128x128xf32, #tpu.memory_space<hbm>>
        tpu.wait_dma2 semaphore(%run_scoped3A : memref<!tpu.dma_semaphore, #tpu.memory_space<semaphore_mem>>) src(%arg6 : memref<128x128xf32, #tpu.memory_space<vmem>>) dst(%dma_wait3A_27 : memref<128x128xf32, #tpu.memory_space<hbm>>)
        tpu.yield
      }) : () -> ()
    } else {
    }
    return
  }
}

module attributes {stable_mosaic.version = 14 : i64} {
  func.func @_tc_nodes_body(%arg0: memref<10000x128xf32, #tpu.memory_space<vmem>>, %arg1: memref<128x32xf32, #tpu.memory_space<vmem>>, %arg2: memref<1x32xf32, #tpu.memory_space<vmem>>, %arg3: memref<32x32xf32, #tpu.memory_space<vmem>>, %arg4: memref<10000x32xf32, #tpu.memory_space<vmem>>, %arg5: memref<10000x32xf32, #tpu.memory_space<vmem>>) attributes {dimension_semantics = [], scalar_prefetch = 0 : i64, scratch_operands = 0 : i64, tpu.core_type = #tpu.core_type<tc>} {
    %get3A = arith.constant 0 : index
    %get3A_0 = arith.constant 0 : index
    %get3A_1 = vector.load %arg0[%get3A, %get3A_0] : memref<10000x128xf32, #tpu.memory_space<vmem>>, vector<10000x128xf32>
    %get3A_2 = arith.constant 0 : index
    %get3A_3 = arith.constant 0 : index
    %get3A_4 = vector.load %arg1[%get3A_2, %get3A_3] : memref<128x32xf32, #tpu.memory_space<vmem>>, vector<128x32xf32>
    %dot_general3A = arith.constant dense<0.000000e+00> : vector<10000x32xf32>
    %dot_general3A_5 = tpu.matmul %get3A_1, %get3A_4, %dot_general3A {dimension_numbers = #tpu.dot_dimension_numbers<[1], [0], [0], [1], [0, 0, 1, 1], [], []>, transpose_lhs_hint = false} : vector<10000x128xf32>, vector<128x32xf32>, vector<10000x32xf32> -> vector<10000x32xf32>
    %get3A_6 = arith.constant 0 : index
    %get3A_7 = arith.constant 0 : index
    %get3A_8 = vector.load %arg2[%get3A_6, %get3A_7] : memref<1x32xf32, #tpu.memory_space<vmem>>, vector<1x32xf32>
    %add3A = vector.broadcast %get3A_8 : vector<1x32xf32> to vector<10000x32xf32>
    %add3A_9 = arith.addf %dot_general3A_5, %add3A : vector<10000x32xf32>
    %max3A = arith.constant 0.000000e+00 : f32
    %max3A_10 = vector.broadcast %max3A : f32 to vector<10000x32xf32>
    %max3A_11 = arith.maximumf %add3A_9, %max3A_10 : vector<10000x32xf32>
    %swap3A = arith.constant 0 : index
    %swap3A_12 = arith.constant 0 : index
    %swap3A_13 = vector.load %arg4[%swap3A, %swap3A_12] : memref<10000x32xf32, #tpu.memory_space<vmem>>, vector<10000x32xf32>
    tpu.vector_store %arg4[%swap3A, %swap3A_12], %max3A_11 {strides = array<i32>} : memref<10000x32xf32, #tpu.memory_space<vmem>>, vector<10000x32xf32>,
    %get3A_14 = arith.constant 0 : index
    %get3A_15 = arith.constant 0 : index
    %get3A_16 = vector.load %arg3[%get3A_14, %get3A_15] : memref<32x32xf32, #tpu.memory_space<vmem>>, vector<32x32xf32>
    %dot_general3A_17 = arith.constant dense<0.000000e+00> : vector<10000x32xf32>
    %dot_general3A_18 = tpu.matmul %max3A_11, %get3A_16, %dot_general3A_17 {dimension_numbers = #tpu.dot_dimension_numbers<[1], [0], [0], [1], [0, 0, 1, 1], [], []>, transpose_lhs_hint = false} : vector<10000x32xf32>, vector<32x32xf32>, vector<10000x32xf32> -> vector<10000x32xf32>
    %swap3A_19 = arith.constant 0 : index
    %swap3A_20 = arith.constant 0 : index
    %swap3A_21 = vector.load %arg5[%swap3A_19, %swap3A_20] : memref<10000x32xf32, #tpu.memory_space<vmem>>, vector<10000x32xf32>
    tpu.vector_store %arg5[%swap3A_19, %swap3A_20], %dot_general3A_18 {strides = array<i32>} : memref<10000x32xf32, #tpu.memory_space<vmem>>, vector<10000x32xf32>,
    return
  }
}

module attributes {stable_mosaic.version = 14 : i64} {
  func.func @_tc_edges_body(%arg0: i32, %arg1: memref<16x32000xf32, #tpu.memory_space<vmem>>, %arg2: memref<16x32xf32, #tpu.memory_space<vmem>>, %arg3: memref<1x32xf32, #tpu.memory_space<vmem>>, %arg4: memref<32x32xf32, #tpu.memory_space<vmem>>, %arg5: memref<1x32xf32, #tpu.memory_space<vmem>>, %arg6: memref<8000x128xf32, #tpu.memory_space<vmem>>) attributes {dimension_semantics = [#tpu.dimension_semantics<arbitrary>], iteration_bounds = array<i64: 5>, scalar_prefetch = 0 : i64, scratch_operands = 0 : i64, tpu.core_type = #tpu.core_type<tc>, window_params = [{transform_indices = @transform_0, window_bounds = array<i64: 16, 32000>}, {pipeline_mode = #tpu.pipeline_mode<synchronous>, transform_indices = @transform_1, window_bounds = array<i64: 16, 32>}, {pipeline_mode = #tpu.pipeline_mode<synchronous>, transform_indices = @transform_2, window_bounds = array<i64: 1, 32>}, {pipeline_mode = #tpu.pipeline_mode<synchronous>, transform_indices = @transform_3, window_bounds = array<i64: 32, 32>}, {pipeline_mode = #tpu.pipeline_mode<synchronous>, transform_indices = @transform_4, window_bounds = array<i64: 1, 32>}, {transform_indices = @transform_5, window_bounds = array<i64: 8000, 128>}]} {
    %get3A = arith.constant 0 : index
    %get3A_0 = arith.constant 0 : index
    %get3A_1 = vector.load %arg1[%get3A, %get3A_0] : memref<16x32000xf32, #tpu.memory_space<vmem>>, vector<16x8000xf32>
    %get3A_2 = arith.constant 0 : index
    %get3A_3 = arith.constant 0 : index
    %get3A_4 = vector.load %arg2[%get3A_2, %get3A_3] : memref<16x32xf32, #tpu.memory_space<vmem>>, vector<16x32xf32>
    %dot_general3A = arith.constant dense<0.000000e+00> : vector<8000x32xf32>
    %dot_general3A_5 = tpu.matmul %get3A_1, %get3A_4, %dot_general3A {dimension_numbers = #tpu.dot_dimension_numbers<[0], [0], [1], [1], [0, 1, 1, 1], [], []>, transpose_lhs_hint = false} : vector<16x8000xf32>, vector<16x32xf32>, vector<8000x32xf32> -> vector<8000x32xf32>
    %get3A_6 = arith.constant 0 : index
    %get3A_7 = arith.constant 0 : index
    %get3A_8 = vector.load %arg3[%get3A_6, %get3A_7] : memref<1x32xf32, #tpu.memory_space<vmem>>, vector<1x32xf32>
    %add3A = vector.broadcast %get3A_8 : vector<1x32xf32> to vector<8000x32xf32>
    %add3A_9 = arith.addf %dot_general3A_5, %add3A : vector<8000x32xf32>
    %max3A = arith.constant 0.000000e+00 : f32
    %max3A_10 = vector.broadcast %max3A : f32 to vector<8000x32xf32>
    %max3A_11 = arith.maximumf %add3A_9, %max3A_10 : vector<8000x32xf32>
    %get3A_12 = arith.constant 0 : index
    %get3A_13 = arith.constant 0 : index
    %get3A_14 = vector.load %arg4[%get3A_12, %get3A_13] : memref<32x32xf32, #tpu.memory_space<vmem>>, vector<32x32xf32>
    %dot_general3A_15 = arith.constant dense<0.000000e+00> : vector<8000x32xf32>
    %dot_general3A_16 = tpu.matmul %max3A_11, %get3A_14, %dot_general3A_15 {dimension_numbers = #tpu.dot_dimension_numbers<[1], [0], [0], [1], [0, 0, 1, 1], [], []>, transpose_lhs_hint = false} : vector<8000x32xf32>, vector<32x32xf32>, vector<8000x32xf32> -> vector<8000x32xf32>
    %get3A_17 = arith.constant 0 : index
    %get3A_18 = arith.constant 0 : index
    %get3A_19 = vector.load %arg5[%get3A_17, %get3A_18] : memref<1x32xf32, #tpu.memory_space<vmem>>, vector<1x32xf32>
    %add3A_20 = vector.broadcast %get3A_19 : vector<1x32xf32> to vector<8000x32xf32>
    %add3A_21 = arith.addf %dot_general3A_16, %add3A_20 : vector<8000x32xf32>
    %swap3A = arith.constant 0 : index
    %swap3A_22 = arith.constant 0 : index
    %swap3A_23 = vector.load %arg6[%swap3A, %swap3A_22] : memref<8000x128xf32, #tpu.memory_space<vmem>>, vector<8000x32xf32>
    tpu.vector_store %arg6[%swap3A, %swap3A_22], %add3A_21 {strides = array<i32>} : memref<8000x128xf32, #tpu.memory_space<vmem>>, vector<8000x32xf32>,
    %get3A_24 = arith.constant 0 : index
    %get3A_25 = arith.constant 8000 : index
    %get3A_26 = vector.load %arg1[%get3A_24, %get3A_25] : memref<16x32000xf32, #tpu.memory_space<vmem>>, vector<16x8000xf32>
    %get3A_27 = arith.constant 0 : index
    %get3A_28 = arith.constant 0 : index
    %get3A_29 = vector.load %arg2[%get3A_27, %get3A_28] : memref<16x32xf32, #tpu.memory_space<vmem>>, vector<16x32xf32>
    %dot_general3A_30 = arith.constant dense<0.000000e+00> : vector<8000x32xf32>
    %dot_general3A_31 = tpu.matmul %get3A_26, %get3A_29, %dot_general3A_30 {dimension_numbers = #tpu.dot_dimension_numbers<[0], [0], [1], [1], [0, 1, 1, 1], [], []>, transpose_lhs_hint = false} : vector<16x8000xf32>, vector<16x32xf32>, vector<8000x32xf32> -> vector<8000x32xf32>
    %get3A_32 = arith.constant 0 : index
    %get3A_33 = arith.constant 0 : index
    %get3A_34 = vector.load %arg3[%get3A_32, %get3A_33] : memref<1x32xf32, #tpu.memory_space<vmem>>, vector<1x32xf32>
    %add3A_35 = vector.broadcast %get3A_34 : vector<1x32xf32> to vector<8000x32xf32>
    %add3A_36 = arith.addf %dot_general3A_31, %add3A_35 : vector<8000x32xf32>
    %max3A_37 = arith.constant 0.000000e+00 : f32
    %max3A_38 = vector.broadcast %max3A_37 : f32 to vector<8000x32xf32>
    %max3A_39 = arith.maximumf %add3A_36, %max3A_38 : vector<8000x32xf32>
    %get3A_40 = arith.constant 0 : index
    %get3A_41 = arith.constant 0 : index
    %get3A_42 = vector.load %arg4[%get3A_40, %get3A_41] : memref<32x32xf32, #tpu.memory_space<vmem>>, vector<32x32xf32>
    %dot_general3A_43 = arith.constant dense<0.000000e+00> : vector<8000x32xf32>
    %dot_general3A_44 = tpu.matmul %max3A_39, %get3A_42, %dot_general3A_43 {dimension_numbers = #tpu.dot_dimension_numbers<[1], [0], [0], [1], [0, 0, 1, 1], [], []>, transpose_lhs_hint = false} : vector<8000x32xf32>, vector<32x32xf32>, vector<8000x32xf32> -> vector<8000x32xf32>
    %get3A_45 = arith.constant 0 : index
    %get3A_46 = arith.constant 0 : index
    %get3A_47 = vector.load %arg5[%get3A_45, %get3A_46] : memref<1x32xf32, #tpu.memory_space<vmem>>, vector<1x32xf32>
    %add3A_48 = vector.broadcast %get3A_47 : vector<1x32xf32> to vector<8000x32xf32>
    %add3A_49 = arith.addf %dot_general3A_44, %add3A_48 : vector<8000x32xf32>
    %swap3A_50 = arith.constant 0 : index
    %swap3A_51 = arith.constant 32 : index
    %swap3A_52 = vector.load %arg6[%swap3A_50, %swap3A_51] : memref<8000x128xf32, #tpu.memory_space<vmem>>, vector<8000x32xf32>
    tpu.vector_store %arg6[%swap3A_50, %swap3A_51], %add3A_49 {strides = array<i32>} : memref<8000x128xf32, #tpu.memory_space<vmem>>, vector<8000x32xf32>,
    %get3A_53 = arith.constant 0 : index
    %get3A_54 = arith.constant 16000 : index
    %get3A_55 = vector.load %arg1[%get3A_53, %get3A_54] : memref<16x32000xf32, #tpu.memory_space<vmem>>, vector<16x8000xf32>
    %get3A_56 = arith.constant 0 : index
    %get3A_57 = arith.constant 0 : index
    %get3A_58 = vector.load %arg2[%get3A_56, %get3A_57] : memref<16x32xf32, #tpu.memory_space<vmem>>, vector<16x32xf32>
    %dot_general3A_59 = arith.constant dense<0.000000e+00> : vector<8000x32xf32>
    %dot_general3A_60 = tpu.matmul %get3A_55, %get3A_58, %dot_general3A_59 {dimension_numbers = #tpu.dot_dimension_numbers<[0], [0], [1], [1], [0, 1, 1, 1], [], []>, transpose_lhs_hint = false} : vector<16x8000xf32>, vector<16x32xf32>, vector<8000x32xf32> -> vector<8000x32xf32>
    %get3A_61 = arith.constant 0 : index
    %get3A_62 = arith.constant 0 : index
    %get3A_63 = vector.load %arg3[%get3A_61, %get3A_62] : memref<1x32xf32, #tpu.memory_space<vmem>>, vector<1x32xf32>
    %add3A_64 = vector.broadcast %get3A_63 : vector<1x32xf32> to vector<8000x32xf32>
    %add3A_65 = arith.addf %dot_general3A_60, %add3A_64 : vector<8000x32xf32>
    %max3A_66 = arith.constant 0.000000e+00 : f32
    %max3A_67 = vector.broadcast %max3A_66 : f32 to vector<8000x32xf32>
    %max3A_68 = arith.maximumf %add3A_65, %max3A_67 : vector<8000x32xf32>
    %get3A_69 = arith.constant 0 : index
    %get3A_70 = arith.constant 0 : index
    %get3A_71 = vector.load %arg4[%get3A_69, %get3A_70] : memref<32x32xf32, #tpu.memory_space<vmem>>, vector<32x32xf32>
    %dot_general3A_72 = arith.constant dense<0.000000e+00> : vector<8000x32xf32>
    %dot_general3A_73 = tpu.matmul %max3A_68, %get3A_71, %dot_general3A_72 {dimension_numbers = #tpu.dot_dimension_numbers<[1], [0], [0], [1], [0, 0, 1, 1], [], []>, transpose_lhs_hint = false} : vector<8000x32xf32>, vector<32x32xf32>, vector<8000x32xf32> -> vector<8000x32xf32>
    %get3A_74 = arith.constant 0 : index
    %get3A_75 = arith.constant 0 : index
    %get3A_76 = vector.load %arg5[%get3A_74, %get3A_75] : memref<1x32xf32, #tpu.memory_space<vmem>>, vector<1x32xf32>
    %add3A_77 = vector.broadcast %get3A_76 : vector<1x32xf32> to vector<8000x32xf32>
    %add3A_78 = arith.addf %dot_general3A_73, %add3A_77 : vector<8000x32xf32>
    %swap3A_79 = arith.constant 0 : index
    %swap3A_80 = arith.constant 64 : index
    %swap3A_81 = vector.load %arg6[%swap3A_79, %swap3A_80] : memref<8000x128xf32, #tpu.memory_space<vmem>>, vector<8000x32xf32>
    tpu.vector_store %arg6[%swap3A_79, %swap3A_80], %add3A_78 {strides = array<i32>} : memref<8000x128xf32, #tpu.memory_space<vmem>>, vector<8000x32xf32>,
    %get3A_82 = arith.constant 0 : index
    %get3A_83 = arith.constant 24000 : index
    %get3A_84 = vector.load %arg1[%get3A_82, %get3A_83] : memref<16x32000xf32, #tpu.memory_space<vmem>>, vector<16x8000xf32>
    %get3A_85 = arith.constant 0 : index
    %get3A_86 = arith.constant 0 : index
    %get3A_87 = vector.load %arg2[%get3A_85, %get3A_86] : memref<16x32xf32, #tpu.memory_space<vmem>>, vector<16x32xf32>
    %dot_general3A_88 = arith.constant dense<0.000000e+00> : vector<8000x32xf32>
    %dot_general3A_89 = tpu.matmul %get3A_84, %get3A_87, %dot_general3A_88 {dimension_numbers = #tpu.dot_dimension_numbers<[0], [0], [1], [1], [0, 1, 1, 1], [], []>, transpose_lhs_hint = false} : vector<16x8000xf32>, vector<16x32xf32>, vector<8000x32xf32> -> vector<8000x32xf32>
    %get3A_90 = arith.constant 0 : index
    %get3A_91 = arith.constant 0 : index
    %get3A_92 = vector.load %arg3[%get3A_90, %get3A_91] : memref<1x32xf32, #tpu.memory_space<vmem>>, vector<1x32xf32>
    %add3A_93 = vector.broadcast %get3A_92 : vector<1x32xf32> to vector<8000x32xf32>
    %add3A_94 = arith.addf %dot_general3A_89, %add3A_93 : vector<8000x32xf32>
    %max3A_95 = arith.constant 0.000000e+00 : f32
    %max3A_96 = vector.broadcast %max3A_95 : f32 to vector<8000x32xf32>
    %max3A_97 = arith.maximumf %add3A_94, %max3A_96 : vector<8000x32xf32>
    %get3A_98 = arith.constant 0 : index
    %get3A_99 = arith.constant 0 : index
    %get3A_100 = vector.load %arg4[%get3A_98, %get3A_99] : memref<32x32xf32, #tpu.memory_space<vmem>>, vector<32x32xf32>
    %dot_general3A_101 = arith.constant dense<0.000000e+00> : vector<8000x32xf32>
    %dot_general3A_102 = tpu.matmul %max3A_97, %get3A_100, %dot_general3A_101 {dimension_numbers = #tpu.dot_dimension_numbers<[1], [0], [0], [1], [0, 0, 1, 1], [], []>, transpose_lhs_hint = false} : vector<8000x32xf32>, vector<32x32xf32>, vector<8000x32xf32> -> vector<8000x32xf32>
    %get3A_103 = arith.constant 0 : index
    %get3A_104 = arith.constant 0 : index
    %get3A_105 = vector.load %arg5[%get3A_103, %get3A_104] : memref<1x32xf32, #tpu.memory_space<vmem>>, vector<1x32xf32>
    %add3A_106 = vector.broadcast %get3A_105 : vector<1x32xf32> to vector<8000x32xf32>
    %add3A_107 = arith.addf %dot_general3A_102, %add3A_106 : vector<8000x32xf32>
    %swap3A_108 = arith.constant 0 : index
    %swap3A_109 = arith.constant 96 : index
    %swap3A_110 = vector.load %arg6[%swap3A_108, %swap3A_109] : memref<8000x128xf32, #tpu.memory_space<vmem>>, vector<8000x32xf32>
    tpu.vector_store %arg6[%swap3A_108, %swap3A_109], %add3A_107 {strides = array<i32>} : memref<8000x128xf32, #tpu.memory_space<vmem>>, vector<8000x32xf32>,
    return
  }
  func.func @transform_0(%arg0: i32) -> (i32, i32) {
    %add3A = arith.constant 0 : i32
    %add3A_0 = arith.addi %arg0, %add3A : i32
    %c0_i32 = arith.constant 0 : i32
    %c0_i32_1 = arith.constant 0 : i32
    return %c0_i32, %add3A_0 : i32, i32
  }
  func.func @transform_1(%arg0: i32) -> (i32, i32) {
    %c0_i32 = arith.constant 0 : i32
    %c0_i32_0 = arith.constant 0 : i32
    %c0_i32_1 = arith.constant 0 : i32
    return %c0_i32, %c0_i32_0 : i32, i32
  }
  func.func @transform_2(%arg0: i32) -> (i32, i32) {
    %c0_i32 = arith.constant 0 : i32
    %c0_i32_0 = arith.constant 0 : i32
    %c0_i32_1 = arith.constant 0 : i32
    return %c0_i32, %c0_i32_0 : i32, i32
  }
  func.func @transform_3(%arg0: i32) -> (i32, i32) {
    %c0_i32 = arith.constant 0 : i32
    %c0_i32_0 = arith.constant 0 : i32
    %c0_i32_1 = arith.constant 0 : i32
    return %c0_i32, %c0_i32_0 : i32, i32
  }
  func.func @transform_4(%arg0: i32) -> (i32, i32) {
    %c0_i32 = arith.constant 0 : i32
    %c0_i32_0 = arith.constant 0 : i32
    %c0_i32_1 = arith.constant 0 : i32
    return %c0_i32, %c0_i32_0 : i32, i32
  }
  func.func @transform_5(%arg0: i32) -> (i32, i32) {
    %c0_i32 = arith.constant 0 : i32
    %c0_i32_0 = arith.constant 0 : i32
    return %arg0, %c0_i32 : i32, i32
  }
}

module attributes {stable_mosaic.version = 14 : i64} {
  func.func @_tc_edges_body(%arg0: i32, %arg1: memref<16x32000xf32, #tpu.memory_space<vmem>>, %arg2: memref<16x32xf32, #tpu.memory_space<vmem>>, %arg3: memref<1x32xf32, #tpu.memory_space<vmem>>, %arg4: memref<32x32xf32, #tpu.memory_space<vmem>>, %arg5: memref<1x32xf32, #tpu.memory_space<vmem>>, %arg6: memref<8000x128xf32, #tpu.memory_space<vmem>>) attributes {dimension_semantics = [#tpu.dimension_semantics<arbitrary>], iteration_bounds = array<i64: 5>, scalar_prefetch = 0 : i64, scratch_operands = 0 : i64, tpu.core_type = #tpu.core_type<tc>, window_params = [{transform_indices = @transform_0, window_bounds = array<i64: 16, 32000>}, {pipeline_mode = #tpu.pipeline_mode<synchronous>, transform_indices = @transform_1, window_bounds = array<i64: 16, 32>}, {pipeline_mode = #tpu.pipeline_mode<synchronous>, transform_indices = @transform_2, window_bounds = array<i64: 1, 32>}, {pipeline_mode = #tpu.pipeline_mode<synchronous>, transform_indices = @transform_3, window_bounds = array<i64: 32, 32>}, {pipeline_mode = #tpu.pipeline_mode<synchronous>, transform_indices = @transform_4, window_bounds = array<i64: 1, 32>}, {transform_indices = @transform_5, window_bounds = array<i64: 8000, 128>}]} {
    %get3A = arith.constant 0 : index
    %get3A_0 = arith.constant 0 : index
    %get3A_1 = vector.load %arg1[%get3A, %get3A_0] : memref<16x32000xf32, #tpu.memory_space<vmem>>, vector<16x8000xf32>
    %get3A_2 = arith.constant 0 : index
    %get3A_3 = arith.constant 0 : index
    %get3A_4 = vector.load %arg2[%get3A_2, %get3A_3] : memref<16x32xf32, #tpu.memory_space<vmem>>, vector<16x32xf32>
    %dot_general3A = arith.constant dense<0.000000e+00> : vector<8000x32xf32>
    %dot_general3A_5 = tpu.matmul %get3A_1, %get3A_4, %dot_general3A {dimension_numbers = #tpu.dot_dimension_numbers<[0], [0], [1], [1], [0, 1, 1, 1], [], []>, transpose_lhs_hint = false} : vector<16x8000xf32>, vector<16x32xf32>, vector<8000x32xf32> -> vector<8000x32xf32>
    %get3A_6 = arith.constant 0 : index
    %get3A_7 = arith.constant 0 : index
    %get3A_8 = vector.load %arg3[%get3A_6, %get3A_7] : memref<1x32xf32, #tpu.memory_space<vmem>>, vector<1x32xf32>
    %add3A = vector.broadcast %get3A_8 : vector<1x32xf32> to vector<8000x32xf32>
    %add3A_9 = arith.addf %dot_general3A_5, %add3A : vector<8000x32xf32>
    %max3A = arith.constant 0.000000e+00 : f32
    %max3A_10 = vector.broadcast %max3A : f32 to vector<8000x32xf32>
    %max3A_11 = arith.maximumf %add3A_9, %max3A_10 : vector<8000x32xf32>
    %get3A_12 = arith.constant 0 : index
    %get3A_13 = arith.constant 0 : index
    %get3A_14 = vector.load %arg4[%get3A_12, %get3A_13] : memref<32x32xf32, #tpu.memory_space<vmem>>, vector<32x32xf32>
    %dot_general3A_15 = arith.constant dense<0.000000e+00> : vector<8000x32xf32>
    %dot_general3A_16 = tpu.matmul %max3A_11, %get3A_14, %dot_general3A_15 {dimension_numbers = #tpu.dot_dimension_numbers<[1], [0], [0], [1], [0, 0, 1, 1], [], []>, transpose_lhs_hint = false} : vector<8000x32xf32>, vector<32x32xf32>, vector<8000x32xf32> -> vector<8000x32xf32>
    %get3A_17 = arith.constant 0 : index
    %get3A_18 = arith.constant 0 : index
    %get3A_19 = vector.load %arg5[%get3A_17, %get3A_18] : memref<1x32xf32, #tpu.memory_space<vmem>>, vector<1x32xf32>
    %add3A_20 = vector.broadcast %get3A_19 : vector<1x32xf32> to vector<8000x32xf32>
    %add3A_21 = arith.addf %dot_general3A_16, %add3A_20 : vector<8000x32xf32>
    %swap3A = arith.constant 0 : index
    %swap3A_22 = arith.constant 0 : index
    %swap3A_23 = vector.load %arg6[%swap3A, %swap3A_22] : memref<8000x128xf32, #tpu.memory_space<vmem>>, vector<8000x32xf32>
    tpu.vector_store %arg6[%swap3A, %swap3A_22], %add3A_21 {strides = array<i32>} : memref<8000x128xf32, #tpu.memory_space<vmem>>, vector<8000x32xf32>,
    %get3A_24 = arith.constant 0 : index
    %get3A_25 = arith.constant 8000 : index
    %get3A_26 = vector.load %arg1[%get3A_24, %get3A_25] : memref<16x32000xf32, #tpu.memory_space<vmem>>, vector<16x8000xf32>
    %get3A_27 = arith.constant 0 : index
    %get3A_28 = arith.constant 0 : index
    %get3A_29 = vector.load %arg2[%get3A_27, %get3A_28] : memref<16x32xf32, #tpu.memory_space<vmem>>, vector<16x32xf32>
    %dot_general3A_30 = arith.constant dense<0.000000e+00> : vector<8000x32xf32>
    %dot_general3A_31 = tpu.matmul %get3A_26, %get3A_29, %dot_general3A_30 {dimension_numbers = #tpu.dot_dimension_numbers<[0], [0], [1], [1], [0, 1, 1, 1], [], []>, transpose_lhs_hint = false} : vector<16x8000xf32>, vector<16x32xf32>, vector<8000x32xf32> -> vector<8000x32xf32>
    %get3A_32 = arith.constant 0 : index
    %get3A_33 = arith.constant 0 : index
    %get3A_34 = vector.load %arg3[%get3A_32, %get3A_33] : memref<1x32xf32, #tpu.memory_space<vmem>>, vector<1x32xf32>
    %add3A_35 = vector.broadcast %get3A_34 : vector<1x32xf32> to vector<8000x32xf32>
    %add3A_36 = arith.addf %dot_general3A_31, %add3A_35 : vector<8000x32xf32>
    %max3A_37 = arith.constant 0.000000e+00 : f32
    %max3A_38 = vector.broadcast %max3A_37 : f32 to vector<8000x32xf32>
    %max3A_39 = arith.maximumf %add3A_36, %max3A_38 : vector<8000x32xf32>
    %get3A_40 = arith.constant 0 : index
    %get3A_41 = arith.constant 0 : index
    %get3A_42 = vector.load %arg4[%get3A_40, %get3A_41] : memref<32x32xf32, #tpu.memory_space<vmem>>, vector<32x32xf32>
    %dot_general3A_43 = arith.constant dense<0.000000e+00> : vector<8000x32xf32>
    %dot_general3A_44 = tpu.matmul %max3A_39, %get3A_42, %dot_general3A_43 {dimension_numbers = #tpu.dot_dimension_numbers<[1], [0], [0], [1], [0, 0, 1, 1], [], []>, transpose_lhs_hint = false} : vector<8000x32xf32>, vector<32x32xf32>, vector<8000x32xf32> -> vector<8000x32xf32>
    %get3A_45 = arith.constant 0 : index
    %get3A_46 = arith.constant 0 : index
    %get3A_47 = vector.load %arg5[%get3A_45, %get3A_46] : memref<1x32xf32, #tpu.memory_space<vmem>>, vector<1x32xf32>
    %add3A_48 = vector.broadcast %get3A_47 : vector<1x32xf32> to vector<8000x32xf32>
    %add3A_49 = arith.addf %dot_general3A_44, %add3A_48 : vector<8000x32xf32>
    %swap3A_50 = arith.constant 0 : index
    %swap3A_51 = arith.constant 32 : index
    %swap3A_52 = vector.load %arg6[%swap3A_50, %swap3A_51] : memref<8000x128xf32, #tpu.memory_space<vmem>>, vector<8000x32xf32>
    tpu.vector_store %arg6[%swap3A_50, %swap3A_51], %add3A_49 {strides = array<i32>} : memref<8000x128xf32, #tpu.memory_space<vmem>>, vector<8000x32xf32>,
    %get3A_53 = arith.constant 0 : index
    %get3A_54 = arith.constant 16000 : index
    %get3A_55 = vector.load %arg1[%get3A_53, %get3A_54] : memref<16x32000xf32, #tpu.memory_space<vmem>>, vector<16x8000xf32>
    %get3A_56 = arith.constant 0 : index
    %get3A_57 = arith.constant 0 : index
    %get3A_58 = vector.load %arg2[%get3A_56, %get3A_57] : memref<16x32xf32, #tpu.memory_space<vmem>>, vector<16x32xf32>
    %dot_general3A_59 = arith.constant dense<0.000000e+00> : vector<8000x32xf32>
    %dot_general3A_60 = tpu.matmul %get3A_55, %get3A_58, %dot_general3A_59 {dimension_numbers = #tpu.dot_dimension_numbers<[0], [0], [1], [1], [0, 1, 1, 1], [], []>, transpose_lhs_hint = false} : vector<16x8000xf32>, vector<16x32xf32>, vector<8000x32xf32> -> vector<8000x32xf32>
    %get3A_61 = arith.constant 0 : index
    %get3A_62 = arith.constant 0 : index
    %get3A_63 = vector.load %arg3[%get3A_61, %get3A_62] : memref<1x32xf32, #tpu.memory_space<vmem>>, vector<1x32xf32>
    %add3A_64 = vector.broadcast %get3A_63 : vector<1x32xf32> to vector<8000x32xf32>
    %add3A_65 = arith.addf %dot_general3A_60, %add3A_64 : vector<8000x32xf32>
    %max3A_66 = arith.constant 0.000000e+00 : f32
    %max3A_67 = vector.broadcast %max3A_66 : f32 to vector<8000x32xf32>
    %max3A_68 = arith.maximumf %add3A_65, %max3A_67 : vector<8000x32xf32>
    %get3A_69 = arith.constant 0 : index
    %get3A_70 = arith.constant 0 : index
    %get3A_71 = vector.load %arg4[%get3A_69, %get3A_70] : memref<32x32xf32, #tpu.memory_space<vmem>>, vector<32x32xf32>
    %dot_general3A_72 = arith.constant dense<0.000000e+00> : vector<8000x32xf32>
    %dot_general3A_73 = tpu.matmul %max3A_68, %get3A_71, %dot_general3A_72 {dimension_numbers = #tpu.dot_dimension_numbers<[1], [0], [0], [1], [0, 0, 1, 1], [], []>, transpose_lhs_hint = false} : vector<8000x32xf32>, vector<32x32xf32>, vector<8000x32xf32> -> vector<8000x32xf32>
    %get3A_74 = arith.constant 0 : index
    %get3A_75 = arith.constant 0 : index
    %get3A_76 = vector.load %arg5[%get3A_74, %get3A_75] : memref<1x32xf32, #tpu.memory_space<vmem>>, vector<1x32xf32>
    %add3A_77 = vector.broadcast %get3A_76 : vector<1x32xf32> to vector<8000x32xf32>
    %add3A_78 = arith.addf %dot_general3A_73, %add3A_77 : vector<8000x32xf32>
    %swap3A_79 = arith.constant 0 : index
    %swap3A_80 = arith.constant 64 : index
    %swap3A_81 = vector.load %arg6[%swap3A_79, %swap3A_80] : memref<8000x128xf32, #tpu.memory_space<vmem>>, vector<8000x32xf32>
    tpu.vector_store %arg6[%swap3A_79, %swap3A_80], %add3A_78 {strides = array<i32>} : memref<8000x128xf32, #tpu.memory_space<vmem>>, vector<8000x32xf32>,
    %get3A_82 = arith.constant 0 : index
    %get3A_83 = arith.constant 24000 : index
    %get3A_84 = vector.load %arg1[%get3A_82, %get3A_83] : memref<16x32000xf32, #tpu.memory_space<vmem>>, vector<16x8000xf32>
    %get3A_85 = arith.constant 0 : index
    %get3A_86 = arith.constant 0 : index
    %get3A_87 = vector.load %arg2[%get3A_85, %get3A_86] : memref<16x32xf32, #tpu.memory_space<vmem>>, vector<16x32xf32>
    %dot_general3A_88 = arith.constant dense<0.000000e+00> : vector<8000x32xf32>
    %dot_general3A_89 = tpu.matmul %get3A_84, %get3A_87, %dot_general3A_88 {dimension_numbers = #tpu.dot_dimension_numbers<[0], [0], [1], [1], [0, 1, 1, 1], [], []>, transpose_lhs_hint = false} : vector<16x8000xf32>, vector<16x32xf32>, vector<8000x32xf32> -> vector<8000x32xf32>
    %get3A_90 = arith.constant 0 : index
    %get3A_91 = arith.constant 0 : index
    %get3A_92 = vector.load %arg3[%get3A_90, %get3A_91] : memref<1x32xf32, #tpu.memory_space<vmem>>, vector<1x32xf32>
    %add3A_93 = vector.broadcast %get3A_92 : vector<1x32xf32> to vector<8000x32xf32>
    %add3A_94 = arith.addf %dot_general3A_89, %add3A_93 : vector<8000x32xf32>
    %max3A_95 = arith.constant 0.000000e+00 : f32
    %max3A_96 = vector.broadcast %max3A_95 : f32 to vector<8000x32xf32>
    %max3A_97 = arith.maximumf %add3A_94, %max3A_96 : vector<8000x32xf32>
    %get3A_98 = arith.constant 0 : index
    %get3A_99 = arith.constant 0 : index
    %get3A_100 = vector.load %arg4[%get3A_98, %get3A_99] : memref<32x32xf32, #tpu.memory_space<vmem>>, vector<32x32xf32>
    %dot_general3A_101 = arith.constant dense<0.000000e+00> : vector<8000x32xf32>
    %dot_general3A_102 = tpu.matmul %max3A_97, %get3A_100, %dot_general3A_101 {dimension_numbers = #tpu.dot_dimension_numbers<[1], [0], [0], [1], [0, 0, 1, 1], [], []>, transpose_lhs_hint = false} : vector<8000x32xf32>, vector<32x32xf32>, vector<8000x32xf32> -> vector<8000x32xf32>
    %get3A_103 = arith.constant 0 : index
    %get3A_104 = arith.constant 0 : index
    %get3A_105 = vector.load %arg5[%get3A_103, %get3A_104] : memref<1x32xf32, #tpu.memory_space<vmem>>, vector<1x32xf32>
    %add3A_106 = vector.broadcast %get3A_105 : vector<1x32xf32> to vector<8000x32xf32>
    %add3A_107 = arith.addf %dot_general3A_102, %add3A_106 : vector<8000x32xf32>
    %swap3A_108 = arith.constant 0 : index
    %swap3A_109 = arith.constant 96 : index
    %swap3A_110 = vector.load %arg6[%swap3A_108, %swap3A_109] : memref<8000x128xf32, #tpu.memory_space<vmem>>, vector<8000x32xf32>
    tpu.vector_store %arg6[%swap3A_108, %swap3A_109], %add3A_107 {strides = array<i32>} : memref<8000x128xf32, #tpu.memory_space<vmem>>, vector<8000x32xf32>,
    return
  }
  func.func @transform_0(%arg0: i32) -> (i32, i32) {
    %add3A = arith.constant 5 : i32
    %add3A_0 = arith.addi %arg0, %add3A : i32
    %c0_i32 = arith.constant 0 : i32
    %c0_i32_1 = arith.constant 0 : i32
    return %c0_i32, %add3A_0 : i32, i32
  }
  func.func @transform_1(%arg0: i32) -> (i32, i32) {
    %c0_i32 = arith.constant 0 : i32
    %c0_i32_0 = arith.constant 0 : i32
    %c0_i32_1 = arith.constant 0 : i32
    return %c0_i32, %c0_i32_0 : i32, i32
  }
  func.func @transform_2(%arg0: i32) -> (i32, i32) {
    %c0_i32 = arith.constant 0 : i32
    %c0_i32_0 = arith.constant 0 : i32
    %c0_i32_1 = arith.constant 0 : i32
    return %c0_i32, %c0_i32_0 : i32, i32
  }
  func.func @transform_3(%arg0: i32) -> (i32, i32) {
    %c0_i32 = arith.constant 0 : i32
    %c0_i32_0 = arith.constant 0 : i32
    %c0_i32_1 = arith.constant 0 : i32
    return %c0_i32, %c0_i32_0 : i32, i32
  }
  func.func @transform_4(%arg0: i32) -> (i32, i32) {
    %c0_i32 = arith.constant 0 : i32
    %c0_i32_0 = arith.constant 0 : i32
    %c0_i32_1 = arith.constant 0 : i32
    return %c0_i32, %c0_i32_0 : i32, i32
  }
  func.func @transform_5(%arg0: i32) -> (i32, i32) {
    %c0_i32 = arith.constant 0 : i32
    %c0_i32_0 = arith.constant 0 : i32
    return %arg0, %c0_i32 : i32, i32
  }
}

module attributes {stable_mosaic.version = 14 : i64} {
  func.func @_tc_combine_body(%arg0: memref<10000x32xf32, #tpu.memory_space<vmem>>, %arg1: memref<2x10000x32xf32, #tpu.memory_space<vmem>>, %arg2: memref<10000x128xf32, #tpu.memory_space<vmem>>) attributes {dimension_semantics = [], scalar_prefetch = 0 : i64, scratch_operands = 0 : i64, tpu.core_type = #tpu.core_type<tc>} {
    %get3A = arith.constant 0 : index
    %get3A_0 = arith.constant 0 : index
    %get3A_1 = vector.load %arg0[%get3A, %get3A_0] : memref<10000x32xf32, #tpu.memory_space<vmem>>, vector<10000x32xf32>
    %get3A_2 = arith.constant 0 : index
    %get3A_3 = arith.constant 0 : index
    %get3A_4 = arith.constant 0 : index
    %get3A_5 = vector.load %arg1[%get3A_2, %get3A_3, %get3A_4] : memref<2x10000x32xf32, #tpu.memory_space<vmem>>, vector<1x10000x32xf32>
    %get3A_6 = vector.shape_cast %get3A_5 : vector<1x10000x32xf32> to vector<10000x32xf32>
    %add3A = arith.addf %get3A_1, %get3A_6 : vector<10000x32xf32>
    %get3A_7 = arith.constant 1 : index
    %get3A_8 = arith.constant 0 : index
    %get3A_9 = arith.constant 0 : index
    %get3A_10 = vector.load %arg1[%get3A_7, %get3A_8, %get3A_9] : memref<2x10000x32xf32, #tpu.memory_space<vmem>>, vector<1x10000x32xf32>
    %get3A_11 = vector.shape_cast %get3A_10 : vector<1x10000x32xf32> to vector<10000x32xf32>
    %add3A_12 = arith.addf %add3A, %get3A_11 : vector<10000x32xf32>
    %broadcast_in_dim3A = arith.constant 0.000000e+00 : f32
    %broadcast_in_dim3A_13 = vector.broadcast %broadcast_in_dim3A : f32 to vector<10000x96xf32>
    %concatenate3A = tpu.concatenate %add3A_12, %broadcast_in_dim3A_13 in 1 : vector<10000x32xf32>, vector<10000x96xf32> -> vector<10000x128xf32>
    %swap3A = arith.constant 0 : index
    %swap3A_14 = arith.constant 0 : index
    %swap3A_15 = vector.load %arg2[%swap3A, %swap3A_14] : memref<10000x128xf32, #tpu.memory_space<vmem>>, vector<10000x128xf32>
    tpu.vector_store %arg2[%swap3A, %swap3A_14], %concatenate3A {strides = array<i32>} : memref<10000x128xf32, #tpu.memory_space<vmem>>, vector<10000x128xf32>,
    return
  }
}

module attributes {stable_mosaic.version = 14 : i64} {
  func.func @_tc_head_body(%arg0: memref<5000x32xf32, #tpu.memory_space<vmem>>, %arg1: memref<32x1xf32, #tpu.memory_space<vmem>>, %arg2: memref<1x1xf32, #tpu.memory_space<vmem>>, %arg3: memref<5000x1xf32, #tpu.memory_space<vmem>>) attributes {dimension_semantics = [], scalar_prefetch = 0 : i64, scratch_operands = 0 : i64, tpu.core_type = #tpu.core_type<tc>} {
    %get3A = arith.constant 0 : index
    %get3A_0 = arith.constant 0 : index
    %get3A_1 = vector.load %arg0[%get3A, %get3A_0] : memref<5000x32xf32, #tpu.memory_space<vmem>>, vector<5000x32xf32>
    %get3A_2 = arith.constant 0 : index
    %get3A_3 = arith.constant 0 : index
    %get3A_4 = vector.load %arg1[%get3A_2, %get3A_3] : memref<32x1xf32, #tpu.memory_space<vmem>>, vector<32x1xf32>
    %dot_general3A = arith.constant dense<0.000000e+00> : vector<5000x1xf32>
    %dot_general3A_5 = tpu.matmul %get3A_1, %get3A_4, %dot_general3A {dimension_numbers = #tpu.dot_dimension_numbers<[1], [0], [0], [1], [0, 0, 1, 1], [], []>, transpose_lhs_hint = false} : vector<5000x32xf32>, vector<32x1xf32>, vector<5000x1xf32> -> vector<5000x1xf32>
    %get3A_6 = arith.constant 0 : index
    %get3A_7 = arith.constant 0 : index
    %get3A_8 = vector.load %arg2[%get3A_6, %get3A_7] : memref<1x1xf32, #tpu.memory_space<vmem>>, vector<1x1xf32>
    %add3A = vector.broadcast %get3A_8 : vector<1x1xf32> to vector<5000x1xf32>
    %add3A_9 = arith.addf %dot_general3A_5, %add3A : vector<5000x1xf32>
    %logistic3A = arith.negf %add3A_9 : vector<5000x1xf32>
    %logistic3A_10 = math.exp %logistic3A : vector<5000x1xf32>
    %logistic3A_11 = arith.constant 1.000000e+00 : f32
    %logistic3A_12 = vector.broadcast %logistic3A_11 : f32 to vector<5000x1xf32>
    %logistic3A_13 = arith.addf %logistic3A_12, %logistic3A_10 : vector<5000x1xf32>
    %logistic3A_14 = arith.divf %logistic3A_12, %logistic3A_13 : vector<5000x1xf32>
    %swap3A = arith.constant 0 : index
    %swap3A_15 = arith.constant 0 : index
    %swap3A_16 = vector.load %arg3[%swap3A, %swap3A_15] : memref<5000x1xf32, #tpu.memory_space<vmem>>, vector<5000x1xf32>
    tpu.vector_store %arg3[%swap3A, %swap3A_15], %logistic3A_14 {strides = array<i32>} : memref<5000x1xf32, #tpu.memory_space<vmem>>, vector<5000x1xf32>,
    return
  }
}

</mosaic_0001>

<sc_bundles>
// kernel: kernel.10.cloned.1.call-start
scs
__scs_entry_jumppad:
0x0: {  	(pc) =	sbr.rel $0x88, $3  }
0x1: {  	(tag) =	ssettag $0x0;
	lr =	simm.s32 $0x1  }
0x2: {  	[smem:$0x3F95] =	sst lr;
	_ =	strace $0xD0000000  }
0x3: {  	_ = 	snop  }
0x4: {  	_ = 	snop  }
0x5: {  	_ = 	snop  }
0x6: {  	_ = 	snop  }
0x7: {  	_ = 	snop  }
__scs_overlays_trampoline_lowered:
0x8: {  	[smem:$0x3FA4] =	sst s0  }
0x9: {  	[smem:$0x3FA5] =	sst s1  }
0xa: {  	[smem:$0x3FA6] =	sst s2  }
0xb: {  	[smem:$0x3FA7] =	sst s3  }
0xc: {  	[smem:$0x3FA8] =	sst s4  }
0xd: {  	[smem:$0x3FA9] =	sst s5  }
0xe: {  	[smem:$0x3FAA] =	sst s6  }
0xf: {  	[smem:$0x3FAB] =	sst s7  }
0x10: {  	[smem:$0x3FAC] =	sst s8  }
0x11: {  	[smem:$0x3FAD] =	sst s9;
	s0 =	simm.s32 @!p0 $0x0  }
0x12: {  	s1 =	sld [smem:$0x3F93];
	s0 =	simm.s32 @p0 $0x1  }
0x13: {  	[smem:$0x3FAE] =	sst s0;
	s0 =	simm.s32 @!p1 $0x0  }
0x14: {  	s2 =	sld [smem:$0x3F92];
	s0 =	simm.s32 @p1 $0x1  }
0x15: {  	[smem:$0x3FAF] =	sst s0;
	s0 =	simm.s32 @!p2 $0x0  }
0x16: {  	s3 =	sld [smem:$0x3FDB];
	s0 =	simm.s32 @p2 $0x1  }
0x17: {  	s4 =	simm.s32 $0x1BF5;
	[smem:$0x3FB1] =	sst s0  }
0x18: {  	s0 =	sld [smem:$0x3F94];
	_ =	swait.ge [sflag:s4], $0x0  }
0x19: {  	s7 =	sld [smem:$0x3F95]  }
0x1a: {  	s8 =	sadd.s32 $0xFFFFE003, lr  }
0x1b: {  	s9 =	sadd.s32 $0xFFFFFEF7, lr;
	s5 =	simm.s32 $0xFFFFFFFF;
	p2 =	slt.u32 s8, $0xFFFFF086  }
0x1c: {  	p1 =	slt.u32 s9, $0xF7A;
	s5 =	simm.s32 @!p2 $0x0  }
0x1d: {  	s5 =	simm.s32 @p1 $0x1;
	p0 =	seq.s32 s7, s2  }
0x1e: {  	s7 =	smul.u32 @!p0 $0xF7A, s2;
	p2 =	seq.s32 @!p0 s5, $0x0  }
0x1f: {  	s9 =	smul.u32 $0xF7A, s1;
	s8 =	simm.s32 @!p0 $0x1BF5;
	p2 =	por !p2, p0  }
0x20: {  	[sflag:s8] =	ssyncset.s32 @!p0 $0xFFFFF086;
	s6 =	sadd.s32 @!p0 s3, s7;
	s7 =	simm.s32 @!p0 $0x108  }
0x21: {  	s3 =	sadd.s32 s3, s9;
	s6 =	sadd.s32 @!p0 $0x88, s6;
	s7 =	simm.s32 @p2 $0x1082  }
0x22: {  	[simem:s7], [sflag:s8] =	dma.local @!p0 [hbm:s6], $0xF7A  }
0x23: {  	s9 =	sor.u32 $0xD0000000, s2;
	s6 =	simm.s32 $0x108;
	_ =	swait.ge @!p0 [sflag:s8], $0x0  }
0x24: {  	s3 =	sadd.s32 $0x88, s3;
	s6 =	simm.s32 @!p1 $0x1082;
	[sflag:s4] =	ssyncset.s32 $0xFFFFF086  }
0x25: {  	[simem:s6], [sflag:s4] =	dma.local [hbm:s3], $0xF7A  }
0x26: {  	[smem:$0x3F95] =	sst s1;
	(tag) =	ssettag s2;
	_ =	strace s9  }
0x27: {  	s1 =	sld [smem:$0x3FA5]  }
0x28: {  	s2 =	sld [smem:$0x3FA6]  }
0x29: {  	s4 =	sld [smem:$0x3FA8]  }
0x2a: {  	p0 =	seq.s32 s5, $0x0;
	s5 =	sld [smem:$0x3FA9]  }
0x2b: {  	s6 =	sld [smem:$0x3FAA]  }
0x2c: {  	s7 =	sld [smem:$0x3FAB]  }
0x2d: {  	s3 =	simm.s32 $0x108;
	s8 =	sld [smem:$0x3FAC]  }
0x2e: {  	s3 =	simm.s32 @!p0 $0x1082;
	s9 =	sld [smem:$0x3FAD]  }
0x2f: {  	lr =	sadd.s32 s0, s3;
	s0 =	sld [smem:$0x3FA4]  }
0x30: {  	s3 =	sld [smem:$0x3FA7]  }
0x31: {  	[smem:$0x3FB0] =	sst s10  }
0x32: {  	s10 =	sld [smem:$0x3FAE];
	_ =	sdelay $0x3  }
0x33: {  	p0 =	seq.s32 s10, $0x1;
	s10 =	sld [smem:$0x3FB0];
	_ =	sdelay $0x3  }
0x34: {  	[smem:$0x3FB0] =	sst s10  }
0x35: {  	s10 =	sld [smem:$0x3FAF];
	_ =	sdelay $0x3  }
0x36: {  	p1 =	seq.s32 s10, $0x1;
	s10 =	sld [smem:$0x3FB0];
	_ =	sdelay $0x3  }
0x37: {  	[smem:$0x3FB0] =	sst s10  }
0x38: {  	s10 =	sld [smem:$0x3FB1]  }
0x39: {  	_ = 	snop;
	(pc) =	sbr.ind lr, $3  }
0x3a: {  	_ = 	snop  }
0x3b: {  	_ = 	snop  }
0x3c: {  	p2 =	seq.s32 s10, $0x1;
	s10 =	sld [smem:$0x3FB0]  }
0x3d: {  	_ =	shalt  }
0x3e: {  	_ =	shalt  }
0x3f: {  	_ =	shalt  }
0x40: {  	_ =	shalt  }
0x41: {  	_ =	shalt  }
0x42: {  	_ =	shalt  }
0x43: {  	_ =	shalt  }
0x44: {  	_ =	shalt  }
0x45: {  	_ =	shalt  }
0x46: {  	_ =	shalt  }
0x47: {  	_ =	shalt  }
0x48: {  	_ =	shalt  }
0x49: {  	_ =	shalt  }
0x4a: {  	_ =	shalt  }
0x4b: {  	_ =	shalt  }
0x4c: {  	_ =	shalt  }
0x4d: {  	_ =	shalt  }
0x4e: {  	_ =	shalt  }
0x4f: {  	_ =	shalt  }
0x50: {  	_ =	shalt  }
0x51: {  	_ =	shalt  }
0x52: {  	_ =	shalt  }
0x53: {  	_ =	shalt  }
0x54: {  	_ =	shalt  }
0x55: {  	_ =	shalt  }
0x56: {  	_ =	shalt  }
0x57: {  	_ =	shalt  }
0x58: {  	_ =	shalt  }
0x59: {  	_ =	shalt  }
0x5a: {  	_ =	shalt  }
0x5b: {  	_ =	shalt  }
0x5c: {  	_ =	shalt  }
0x5d: {  	_ =	shalt  }
0x5e: {  	_ =	shalt  }
0x5f: {  	_ =	shalt  }
0x60: {  	_ =	shalt  }
0x61: {  	_ =	shalt  }
0x62: {  	_ =	shalt  }
0x63: {  	_ =	shalt  }
0x64: {  	_ =	shalt  }
0x65: {  	_ =	shalt  }
0x66: {  	_ =	shalt  }
0x67: {  	_ =	shalt  }
0x68: {  	_ =	shalt  }
0x69: {  	_ =	shalt  }
0x6a: {  	_ =	shalt  }
0x6b: {  	_ =	shalt  }
0x6c: {  	_ =	shalt  }
0x6d: {  	_ =	shalt  }
0x6e: {  	_ =	shalt  }
0x6f: {  	_ =	shalt  }
0x70: {  	_ =	shalt  }
0x71: {  	_ =	shalt  }
0x72: {  	_ =	shalt  }
0x73: {  	_ =	shalt  }
0x74: {  	_ =	shalt  }
0x75: {  	_ =	shalt  }
0x76: {  	_ =	shalt  }
0x77: {  	_ =	shalt  }
0x78: {  	_ =	shalt  }
0x79: {  	_ =	shalt  }
0x7a: {  	_ =	shalt  }
0x7b: {  	_ =	shalt  }
0x7c: {  	_ =	shalt  }
0x7d: {  	_ =	shalt  }
0x7e: {  	_ =	shalt  }
0x7f: {  	_ =	shalt  }
0x80: {  	_ =	shalt  }
0x81: {  	_ =	shalt  }
0x82: {  	_ =	shalt  }
0x83: {  	_ =	shalt  }
0x84: {  	_ =	shalt  }
0x85: {  	_ =	shalt  }
0x86: {  	_ =	shalt  }
0x87: {  	_ =	shalt  }
.Lfunc_end0:
.L_simem_size_0:
called_computation_lowered:
.L_overlay_start_0:
0x88: {  	s2 =	sld [smem:$0x3FD9]  }
0x89: {  	s3 =	sld [smem:$0x3FFE];
	_ =	sdelay $0x1  }
0x8a: {  	s1 =	srdreg.scid  }
0x8b: {  	s0 =	sand.u32 $0x1, s1  }
0x8c: {  	s16 =	sshll.u32 s0, $0xA;
	s2 =	sadd.s32 s3, s2  }
0x8d: {  	s2 =	sadd.s32 s2, s16  }
0x8e: {  	[smem:$0x3FBC] =	sst s2  }
0x8f: {  	_ = 	snop  }
0x90: {  	(tm) =	ssettm $0x1  }
0x91: {  	s17 =	sld [smem:$0x3FFB];
	_ =	sdelay $0x3  }
0x92: {  	_ =	strace s17  }
0x93: {  	s2 =	sld [smem:$0x3FFC];
	_ =	sdelay $0x3  }
0x94: {  	_ =	strace s2  }
0x95: {  	s2 =	sld [smem:$0x3FFD];
	_ =	sdelay $0x3  }
0x96: {  	_ =	strace s2  }
0x97: {  	_ =	strace $0x8FFFFFFF  }
0x98: {  	s18 =	sld [smem:$0x3FDB];
	_ =	sdelay $0x1  }
0x99: {  	s19 =	simm.s32 $_scs_section_size  }
0x9a: {  	s4 =	simm.s32 $_size__tile_overlayer_lowered;
	s5 =	simm.s32 $_tile_overlayer_lowered  }
0x9b: {  	s22 =	simm.s32 $0x1BFF;
	s21 =	sshll.u32 s5, $0x1;
	s2 =	sadd.s32 s19, s18  }
0x9c: {  	s6 =	simm.s32 $0x0;
	s20 =	sshll.u32 s4, $0x1;
	s4 =	sadd.s32 s21, s2  }
0x9d: {  	[timem:s6], [sflag:s22] =	dma.local [hbm:s4], s20  }
0x9e: {  	_ =	swait.ge [sflag:s22], s20  }
0x9f: {  	s3 =	ssub.s32 $0x0, s20;
	[sflag:s22] =	ssyncset.done $0x0  }
0xa0: {  	[sflag:s22] =	ssyncadd.s32 s3;
	_ =	sdelay $0x1  }
0xa1: {  	s23 =	simm.s32 $0x1B8B  }
0xa2: {  	_ =	swait.ge [sflag:s23], $0x1  }
0xa3: {  	[sflag:s23] =	ssyncset.done $0x0  }
0xa4: {  	s25 =	simm.s32 $0x1B8E;
	s24 =	sld [smem:$0x3FFE];
	[sflag:s23] =	ssyncadd.s32 $0xFFFFFFFF  }
0xa5: {  	s26 =	simm.s32 $execute0_lowered;
	[smem:$0x3FD2] =	sst s25  }
0xa6: {  	s4 =	sshll.u32 s26, $0x1;
	_ =	strace $0x80000046;
	[dreg:$0x1] =	wrdreg $0xFFFFFFFF  }
0xa7: {  	s28 =	simm.s32 $_size_execute0_lowered;
	s2 =	sadd.s32 s2, s4;
	[dreg:$0x0] =	wrdreg $0x0  }
0xa8: {  	s4 =	sshll.u32 s28, $0x1;
	[dreg:$0x2] =	wrdreg s2  }
0xa9: {  	[dreg:$0x3] =	wrdreg s4  }
0xaa: {  	[dreg:$0x4] =	wrdreg $0xC0  }
0xab: {  	_ =	task [dreg:s6], $0x5FFFF  }
0xac: {  	[dreg:$0x1] =	wrdreg $0xFFFFFFFF  }
0xad: {  	[dreg:$0x0] =	wrdreg $0x60  }
0xae: {  	[dreg:$0x2] =	wrdreg s24  }
0xaf: {  	[dreg:$0x3] =	wrdreg $0xD9800  }
0xb0: {  	[dreg:$0x4] =	wrdreg $0x8B600  }
0xb1: {  	[dreg:$0x5] =	wrdreg $0x9  }
0xb2: {  	_ =	task.clear_ibuf [dreg:s6], $0x6FFFF;
	_ =	strace $0x90000046  }
0xb3: {  	s29 =	simm.s32 $0x9;
	_ =	strace $0x80000048  }
0xb4: {  	_ =	swait.ge [sflag:s29], $0x1  }
0xb5: {  	[sflag:s29] =	ssyncadd.s32 $0xFFFFFFFF  }
0xb6: {  	_ =	strace $0x90000048  }
0xb7: {  	_ =	sfence  }
0xb8: {  	s30 =	sld [smem:$0x0];
	_ =	sdelay $0x2  }
0xb9: {  	s31 =	sshll.u32 s1, $0xD;
	s1 =	sshrl.u32 s1, $0x2  }
0xba: {  	s3 =	sand.u32 $0x4000, s31;
	s1 =	sadd.s32 s1, s30  }
0xbb: {  	s0 =	sor.u32 s3, s0;
	s1 =	sshll.u32 s1, $0x11  }
0xbc: {  	s0 =	sor.u32 s1, s0  }
0xbd: {  	s0 =	sadd.s32 $0x8F2B, s0  }
0xbe: {  	[sflag:s0] =	ssyncadd.remote.s32 $0x1  }
0xbf: {  	_ =	sfence.sel $0xFFFF  }
0xc0: {  	[dreg:$0x0] =	wrdreg $0xFFFFFFFF;
	(pc) =	sbr.abs _section_cstart, $3  }
0xc1: {  	[dreg:$0x1] =	wrdreg $0xFFFFFFFF  }
0xc2: {  	_ =	task.clear_ibuf [dreg:s6], $0x2FFFF;
	_ =	strace $0x9FFFFFFF  }
0xc3: {  	(tm) =	ssettm $0x7FFFFFFF  }
tec
execute0_lowered:
.L_overlay_start_1:
0x0: {  	(tag) =	ssettag $0x1  }
0x1: {  	s7 =	rddreg [dreg:$0x0]  }
0x2: {  	s2 =	rddreg [dreg:$0x1]  }
0x3: {  	s3 =	rddreg [dreg:$0x2];
	s20 =	stileid.u32  }
0x4: {  	s4 =	simm.s32 $0x0;
	s1 =	srdreg.scid;
	s28 =	simm.s32 $0x20  }
0x5: {  	s29 =	simm.s32 $0x80;
	s30 =	simm.s32 $0x2760;
	s31 =	simm.s32 $0x3160  }
0x6: {  	s0 =	smul.u32 $0x4E00, s20;
	s1 =	sand.u32 $0x1, s1;
	s25 =	sshll.u32 s20, $0x1  }
0x7: {  	[smem:$0x7FF] =	sst s4;
	s9 =	smul.u32 $0x13800, s20;
	s8 =	sor.u32 s1, s25  }
0x8: {  	s12 =	sadd.s32 $0x15400, s7;
	s13 =	sadd.s32 $0xB600, s7;
	s11 =	smul.u32 $0x3E, s8  }
0x9: {  	p0 =	seq.s32 s20, $0xF;
	_ =	strace $0x80000047;
	s4 =	smul.u32 $0x13D82, s8  }
0xa: {  	s6 =	ssub.s32 $0x2, s1;
	s5 =	sshrl.u32 s0, $0x3;
	s14 =	smul.u32 $0x26C, s8  }
0xb: {  	s18 =	sshrl.u32 s6, $0x1;
	s26 =	smul.u32 $0x50, s8;
	s8 =	sor.u32 $0x7C0, s8  }
0xc: {  	s9 =	sshrl.u32 s9, $0x2;
	s10 =	sadd.s32 s5, s7;
	s5 =	sadd.s32 $0x1F200, s7  }
0xd: {  	s6 =	ssub.s32 s6, s18;
	s24 =	smul.u32 $0x51F, s8;
	s9 =	sadd.s32 s9, s3  }
0xe: {  	s15 =	sor.u32 $0x1, s11;
	s16 =	sshrl.u32 s4, $0x13;
	s4 =	sadd.s32 $0xBB600, s7  }
0xf: {  	s21 =	sadd.s32 s12, s14;
	s14 =	sadd.s32 s13, s14;
	s17 =	smul.u32 $0x51F, s15  }
0x10: {  	s22 =	sshrl.u32 s26, $0x3;
	s10 =	sadd.s32 $0x1800, s10;
	s19 =	smul.u32 $0x190, s16  }
0x11: {  	s7 =	sadd.s32 $0xAA40, s7;
	[dreg:$0xa] =	wrdreg s9;
	s17 =	sshrl.u32 s17, $0x13  }
0x12: {  	[dreg:$0x5] =	wrdreg s14;
	s11 =	ssub.s32 s11, s19;
	s17 =	smul.u32 $0x190, s17  }
0x13: {  	s14 =	sadd.s32 $0x4D80, s22;
	s26 =	sshrl.u32 s24, $0x13;
	s23 =	sand.u32 $0xFFFE, s11  }
0x14: {  	s12 =	sadd.s32 s12, s14;
	s18 =	smul.u32 $0x290, s23;
	s15 =	ssub.s32 s15, s17  }
0x15: {  	s13 =	sadd.s32 s13, s14;
	s14 =	smul.u32 $0x190, s26;
	s17 =	sand.u32 $0xFFFF, s15  }
0x16: {  	[dreg:$0x6] =	wrdreg s12;
	s12 =	sshrl.u32 s18, $0x10;
	s17 =	smul.u32 $0x290, s17  }
0x17: {  	[dreg:$0x4] =	wrdreg s21;
	s8 =	ssub.s32 s8, s14;
	s25 =	smul.u32 $0x64, s12  }
0x18: {  	[dreg:$0x8] =	wrdreg s10;
	s22 =	smul.u32 $0x1F40, s16;
	s23 =	sand.u32 $0xFFFF, s8  }
0x19: {  	s17 =	sshrl.u32 s17, $0x10;
	s19 =	ssub.s32 s11, s25;
	s25 =	smul.u32 $0x290, s23  }
0x1a: {  	p1 =	sgt.u32 s20, $0x7;
	[dreg:$0x9] =	wrdreg s7;
	s21 =	smul.u32 $0x64, s17  }
0x1b: {  	[dreg:$0x7] =	wrdreg s13;
	s13 =	sadd.s32 $0x49200, s3;
	s10 =	smul.u32 $0x50, s19  }
0x1c: {  	s14 =	sadd.s32 $0x49200, s2;
	s16 =	sshll.u32 s17, $0x5;
	s17 =	smul.u32 $0x4E200, s1  }
0x1d: {  	s18 =	sadd.s32 s0, s2;
	s12 =	sshll.u32 s12, $0x5;
	s1 =	smul.u32 $0x3E, s1  }
0x1e: {  	s11 =	ssub.s32 s15, s21;
	s24 =	sand.u32 $0xFFE0, s10;
	s10 =	sshrl.u32 s25, $0x10  }
0x1f: {  	s21 =	sshrl.u32 s17, $0x3;
	s23 =	sadd.s32 s0, s17;
	s0 =	sadd.s32 s0, s3  }
0x20: {  	s17 =	simm.s32 $0x3;
	s7 =	sadd.s32 s24, s22;
	s11 =	smul.u32 $0x50, s11  }
0x21: {  	s26 =	smul.u32 $0x64, s10;
	s10 =	sshll.u32 s10, $0x5;
	s0 =	sshrl.u32 s0, $0x3  }
0x22: {  	s24 =	smul.u32 $0x7C, s20;
	s7 =	sshll.u32 s7, $0x7;
	[dreg:$0x12] =	wrdreg s0  }
0x23: {  	s0 =	simm.s32 $0x1;
	s7 =	sor.u32 s12, s7;
	s11 =	sand.u32 $0xFFF0, s11  }
0x24: {  	s8 =	ssub.s32 s8, s26;
	s26 =	smax.u32 s6, $0x1;
	s1 =	sadd.s32 s1, s24  }
0x25: {  	s24 =	simm.s32 $0x7;
	s15 =	sadd.s32 s11, s22;
	s7 =	sshrl.u32 s7, $0x3  }
0x26: {  	s8 =	sand.u32 $0xFFFF, s8;
	s22 =	sadd.s32 s4, s21;
	[dreg:$0x10] =	wrdreg s26  }
0x27: {  	s26 =	simm.s32 $0x2;
	s9 =	sshll.u32 s15, $0x7;
	s7 =	sadd.s32 s5, s7  }
0x28: {  	s8 =	smul.u32 $0x2800, s8;
	[dreg:$0xb] =	wrdreg s7;
	s19 =	sor.u32 s16, s9  }
0x29: {  	s9 =	sshrl.u32 s23, $0x3;
	s23 =	sshrl.u32 @!p0 s18, $0x3;
	s16 =	simm.s32 $0x50  }
0x2a: {  	s18 =	simm.s32 $0x5;
	s7 =	sshrl.u32 s19, $0x3;
	s8 =	sor.u32 s10, s8  }
0x2b: {  	s4 =	sadd.s32 s4, s9;
	s7 =	sadd.s32 s5, s7;
	s8 =	sadd.s32 $0x3E8000, s8  }
.Ltmp0:
0x2c: {  	[dreg:$0xf] =	wrdreg s4;
	s4 =	simm.s32 $0x0;
	(pc) =	sbr.rel .LBB2_1-.Ltmp0, $4  }
0x2d: {  	[dreg:$0xc] =	wrdreg s7;
	s8 =	sshrl.u32 s8, $0x3;
	s7 =	sadd.s32 $0x9240, s22  }
0x2e: {  	[dreg:$0xd] =	wrdreg s7;
	s25 =	sadd.s32 s5, s8;
	s7 =	sadd.s32 $0x2, s1  }
0x2f: {  	s8 =	sadd.s32 $0x3, s1;
	s1 =	sshrl.u32 @p0 s14, $0x3;
	[dreg:$0xe] =	wrdreg s25  }
0x30: {  	v0 =	vimm.f32 $0.0e+00;
	[dreg:$0x11] =	wrdreg s1;
	s1 =	simm.s32 $0x4;
	s25 =	simm.s32 $0x6  }
.LBB2_9:
0x31: {  	s6 =	sshrl.u32 s13, $0x3;
	s9 =	rddreg [dreg:$0xd];
	s10 =	simm.s32 $0x1FC7  }
0x32: {  	[hbm:s9], [sflag:s10] =	dma.local [spmem:s6], $0xA00  }
0x33: {  	_ =	swait.ge [sflag:s24], $0xA00  }
0x34: {  	[sflag:s24] =	ssyncset.done $0x0  }
0x35: {  	[sflag:s24] =	ssyncadd.s32 $0xFFFFF600  }
.LBB2_10:
0x36: {  	s4 =	sadd.s32 $0x1, s4;
	s6 =	rddreg [dreg:$0x10]  }
0x37: {  	p2 =	sne.s32 s4, s6  }
.Ltmp1:
0x38: {  	_ = 	snop;
	(pc) =	sbr.rel @!p2 .LBB2_11-.Ltmp1, $1  }
0x39: {  	_ =	sdelay $0x3  }
.LBB2_1:
0x3a: {  	s9 =	rddreg [dreg:$0x9]  }
0x3b: {  	s6 =	simm.s32 @p0 $0x1FC7;
	s10 =	rddreg [dreg:$0x11]  }
0x3c: {  	[spmem:s10], [sflag:s6] =	dma.local @p0 [hbm:s9], $0xA00  }
0x3d: {  	s6 =	simm.s32 @p0 $0x7  }
0x3e: {  	s9 =	stileid.u32;
	_ =	swait.ge @p0 [sflag:s6], $0xA00  }
0x3f: {  	s9 =	sshll.u32 @!p0 s9, $0x6;
	[sflag:s6] =	ssyncset.done @p0 $0x0  }
0x40: {  	[sflag:s6] =	ssyncadd.s32 @p0 $0xFFFFF600;
	s6 =	sor.u32 @!p0 $0x1C07, s9;
	s9 =	rddreg [dreg:$0x8]  }
0x41: {  	[spmem:s23], [sflag:s6] =	dma.local @!p0 [hbm:s9], $0x9C0  }
0x42: {  	s6 =	simm.s32 @!p0 $0x7  }
0x43: {  	_ =	swait.ge @!p0 [sflag:s6], $0x9C0  }
0x44: {  	[sflag:s6] =	ssyncset.done @!p0 $0x0  }
0x45: {  	s9 =	simm.s32 $0x0;
	[sflag:s6] =	ssyncadd.s32 @!p0 $0xFFFFF640;
	s6 =	simm.s32 $0x80  }
.LBB2_2:
0x46: {  	p2 =	sne.s32 s6, $0x13F80;
	[tilespmem:s9+$0x3B60] =	vst v0;
	s10 =	smov.u32 s6;
	s6 =	sadd.s32 $0x80, s6  }
.Ltmp2:
0x47: {  	[tilespmem:s9+$0x3B70] =	vst v0;
	(pc) =	sbr.rel @p2 .LBB2_2-.Ltmp2, $2  }
0x48: {  	_ =	sdelay $0x2  }
0x49: {  	s9 =	sshra.s32 s10, $0x2  }
0x4a: {  	[tilespmem:s9+$0x3B60] =	vst v0  }
0x4b: {  	[tilespmem:s9+$0x3B70] =	vst v0;
	s6 =	simm.s32 @p0 $0x3B60  }
0x4c: {  	[spmem:s13] =	stream.linear.scatter @p0 [tilespmem:s6], [sflag:$0x7], $0x5000, $0x38;
	[tilespmem:$0x127A0] =	vst v63  }
0x4d: {  	s6 =	simm.s32 @p0 $0x7  }
0x4e: {  	_ =	swait.ge @p0 [sflag:s6], $0x5000  }
0x4f: {  	[sflag:s6] =	ssyncset.done @p0 $0x0  }
0x50: {  	s9 =	rddreg [dreg:$0xa];
	[sflag:s6] =	ssyncadd.s32 @p0 $0xFFFFB000;
	s6 =	simm.s32 @!p0 $0x3B60  }
0x51: {  	[spmem:s9] =	stream.linear.scatter @!p0 [tilespmem:s6], [sflag:$0x7], $0x4E00, $0x38;
	[tilespmem:$0x127A0] =	vst v63  }
0x52: {  	s6 =	simm.s32 @!p0 $0x7  }
0x53: {  	_ =	swait.ge @!p0 [sflag:s6], $0x4E00  }
0x54: {  	[sflag:s6] =	ssyncset.done @!p0 $0x0  }
0x55: {  	[sflag:s6] =	ssyncadd.s32 @!p0 $0xFFFFB200  }
0x56: {  	[bflag:$0x0] =	sbarrier.arrive $0xFFFF  }
0x57: {  	s22 =	simm.s32 $0x0;
	s11 =	rddreg [dreg:$0x4]  }
0x58: {  	[tilespmem:s22], [sflag:$0x7] =	stream.linear.gather [hbm4b:s11+s22], $0x1360, $0x38;
	[tilespmem:$0x127A0] =	vst v63  }
0x59: {  	_ =	swait.ge [sflag:s24], $0x1360  }
0x5a: {  	[sflag:s24] =	ssyncset.done $0x0  }
0x5b: {  	s10 =	simm.s32 $0x13B0;
	s12 =	rddreg [dreg:$0x5];
	[sflag:s24] =	ssyncadd.s32 $0xFFFFECA0  }
0x5c: {  	[tilespmem:s10], [sflag:$0x7] =	stream.linear.gather [hbm4b:s12+s22], $0x1360, $0x38;
	[tilespmem:$0x127A0] =	vst v63  }
0x5d: {  	_ =	swait.ge [sflag:s24], $0x1360  }
0x5e: {  	s9 =	simm.s32 @!p1 $0x1360;
	[sflag:s24] =	ssyncset.done $0x0  }
0x5f: {  	s6 =	simm.s32 @!p1 $0x0;
	s10 =	rddreg [dreg:$0x6];
	[sflag:s24] =	ssyncadd.s32 $0xFFFFECA0  }
0x60: {  	[tilespmem:s9], [sflag:$0x7] =	stream.linear.gather @!p1 [hbm4b:s10+s6], $0x50, $0x38;
	[tilespmem:$0x127A0] =	vst v63  }
0x61: {  	s14 =	smulhi.u32 $0x51EB851F, s7;
	s9 =	simm.s32 @!p1 $0x7  }
0x62: {  	_ =	swait.ge @!p1 [sflag:s9], $0x50  }
0x63: {  	s19 =	sshrl.u32 s14, $0x7;
	[sflag:s9] =	ssyncset.done @!p1 $0x0  }
0x64: {  	s10 =	simm.s32 @!p1 $0x2710;
	s11 =	rddreg [dreg:$0x7];
	[sflag:s9] =	ssyncadd.s32 @!p1 $0xFFFFFFB0  }
0x65: {  	[tilespmem:s10], [sflag:$0x7] =	stream.linear.gather @!p1 [hbm4b:s11+s6], $0x50, $0x38;
	[tilespmem:$0x127A0] =	vst v63  }
0x66: {  	s6 =	smul.u32 $0x190, s19;
	_ =	swait.ge @!p1 [sflag:s9], $0x50  }
0x67: {  	s21 =	smulhi.u32 $0x51EB851F, s8;
	[sflag:s9] =	ssyncset.done @!p1 $0x0  }
0x68: {  	s15 =	rddreg [dreg:$0xb];
	s22 =	ssub.s32 s7, s6;
	[sflag:s9] =	ssyncadd.s32 @!p1 $0xFFFFFFB0  }
0x69: {  	[tilespmem:s30], [sflag:$0x1] =	stream.strided.gather [hbm4b:s15+s28], $0xA00, s29, s28, $0x38;
	[tilespmem:$0x127A0] =	vst v63  }
0x6a: {  	s12 =	smul.u32 $0x290, s22;
	s15 =	sshrl.u32 s21, $0x7  }
0x6b: {  	s10 =	smul.u32 $0x190, s15  }
0x6c: {  	s20 =	rddreg [dreg:$0xc];
	s21 =	sadd.s32 $0x1, s7;
	s15 =	smul.u32 $0x1F40, s19  }
0x6d: {  	s6 =	simm.s32 $0x280;
	s14 =	sshrl.u32 s12, $0x10;
	s19 =	smulhi.u32 $0x51EB851F, s21  }
0x6e: {  	s12 =	sshrl.u32 s12, $0xB;
	s21 =	smov.u32 s8;
	s14 =	smul.u32 $0x64, s14  }
0x6f: {  	[tilespmem:s31], [sflag:$0x2] =	stream.strided.gather [hbm4b:s20+s28], $0xA00, s29, s28, $0x38;
	[tilespmem:$0x127A0] =	vst v63  }
0x70: {  	s20 =	simm.s32 $0x13B0;
	_ =	swait.ge [sflag:s0], $0xA00;
	s11 =	ssub.s32 s22, s14  }
0x71: {  	s9 =	ssub.s32 s8, s10;
	[sflag:s0] =	ssyncset.done $0x0;
	s14 =	smul.u32 $0x50, s11  }
0x72: {  	s10 =	simm.s32 $0x0;
	[sflag:s0] =	ssyncadd.s32 $0xFFFFF600;
	s11 =	smul.u32 $0x290, s9  }
0x73: {  	[tilespmem:s30], [sflag:$0x3] =	stream.indirect.gather.add.f32 [spmem:s2], $0x20, s10, s16, $0xb8;
	[tilespmem:$0x127A0] =	vst v63  }
0x74: {  	s12 =	sand.u32 $0xFFE0, s12;
	_ =	swait.ge [sflag:s17], $0xA00;
	s14 =	sand.u32 $0xFFF0, s14  }
0x75: {  	s22 =	sshrl.u32 s11, $0x10;
	[sflag:s17] =	ssyncset.done $0x0;
	s14 =	sadd.s32 s14, s15  }
0x76: {  	s15 =	sshrl.u32 s19, $0x7;
	[sflag:s17] =	ssyncadd.s32 $0xFFFFF600;
	s14 =	sshll.u32 s14, $0x7  }
0x77: {  	[spmem:s3] =	stream.indirect.scatter.add.f32 [tilespmem:s30], [sflag:$0x5], $0x20, s20, s16, $0xb8;
	[tilespmem:$0x127A0] =	vst v63  }
0x78: {  	s12 =	sor.u32 s12, s14;
	s14 =	smul.u32 $0x64, s22;
	_ =	swait.ge [sflag:s26], $0xA00  }
0x79: {  	s20 =	smov.u32 s7;
	s12 =	sshrl.u32 s12, $0x3;
	[sflag:s26] =	ssyncset.done $0x0  }
.LBB2_4:
0x7a: {  	s19 =	sshrl.u32 s11, $0xB  }
0x7b: {  	s20 =	sadd.s32 $0x2, s20;
	s21 =	sadd.s32 $0x2, s21;
	s11 =	smov.u32 s6  }
0x7c: {  	p2 =	sne.s32 s6, $0x4B00;
	s22 =	sadd.s32 $0x50, s10;
	s15 =	smul.u32 $0x1F40, s15  }
0x7d: {  	s10 =	sadd.s32 $0x1400, s10;
	s9 =	ssub.s32 s9, s14;
	[sflag:s26] =	ssyncadd.s32 $0xFFFFF600  }
0x7e: {  	[tilespmem:s31], [sflag:$0x4] =	stream.indirect.gather.add.f32 [spmem:s2], $0x20, s22, s16, $0xb8;
	[tilespmem:$0x127A0] =	vst v63  }
0x7f: {  	s6 =	sadd.s32 $0x280, s6;
	s9 =	smul.u32 $0x50, s9;
	_ =	swait.ge [sflag:s1], $0xA00  }
0x80: {  	s14 =	smulhi.u32 $0x51EB851F, s20;
	[sflag:s1] =	ssyncset.done $0x0  }
0x81: {  	s12 =	sadd.s32 s5, s12;
	s9 =	sand.u32 $0xFFF0, s9;
	[sflag:s1] =	ssyncadd.s32 $0xFFFFF600  }
0x82: {  	[spmem:s3] =	stream.indirect.scatter.add.f32 [tilespmem:s31], [sflag:$0x6], $0x20, s10, s16, $0xb8;
	[tilespmem:$0x127A0] =	vst v63  }
0x83: {  	s9 =	sadd.s32 s9, s15;
	s10 =	sand.u32 $0xFFE0, s19;
	_ =	swait.ge [sflag:s18], $0xA00  }
0x84: {  	s14 =	sshrl.u32 s14, $0x7;
	s9 =	sshll.u32 s9, $0x7;
	[sflag:s18] =	ssyncset.done $0x0  }
0x85: {  	s15 =	smul.u32 $0x190, s14;
	s9 =	sor.u32 s10, s9;
	[sflag:s18] =	ssyncadd.s32 $0xFFFFF600  }
0x86: {  	[tilespmem:s30], [sflag:$0x1] =	stream.strided.gather [hbm4b:s12+s28], $0xA00, s29, s28, $0x38;
	[tilespmem:$0x127A0] =	vst v63  }
0x87: {  	s10 =	smulhi.u32 $0x51EB851F, s21;
	s12 =	ssub.s32 s20, s15;
	_ =	swait.ge [sflag:s25], $0xA00  }
0x88: {  	s9 =	sshrl.u32 s9, $0x3;
	s15 =	smul.u32 $0x290, s12;
	[sflag:s25] =	ssyncset.done $0x0  }
0x89: {  	s10 =	sshrl.u32 s10, $0x7;
	[sflag:s25] =	ssyncadd.s32 $0xFFFFF600  }
0x8a: {  	s10 =	smul.u32 $0x190, s10;
	s19 =	sshrl.u32 s15, $0x10  }
0x8b: {  	s9 =	sadd.s32 s5, s9;
	s15 =	sshrl.u32 s15, $0xB;
	s19 =	smul.u32 $0x64, s19  }
0x8c: {  	[tilespmem:s31], [sflag:$0x2] =	stream.strided.gather [hbm4b:s9+s28], $0xA00, s29, s28, $0x38;
	[tilespmem:$0x127A0] =	vst v63  }
0x8d: {  	s22 =	sadd.s32 $0x1, s20;
	s14 =	smul.u32 $0x1F40, s14;
	_ =	swait.ge [sflag:s0], $0xA00  }
0x8e: {  	s9 =	ssub.s32 s21, s10;
	s12 =	ssub.s32 s12, s19;
	[sflag:s0] =	ssyncset.done $0x0  }
0x8f: {  	s10 =	sshra.s32 s11, $0x2;
	s12 =	smul.u32 $0x50, s12;
	[sflag:s0] =	ssyncadd.s32 $0xFFFFF600  }
0x90: {  	[tilespmem:s30], [sflag:$0x3] =	stream.indirect.gather.add.f32 [spmem:s2], $0x20, s10, s16, $0xb8;
	[tilespmem:$0x127A0] =	vst v63  }
0x91: {  	s19 =	sadd.s32 $0x13B0, s10;
	s11 =	smul.u32 $0x290, s9;
	_ =	swait.ge [sflag:s17], $0xA00  }
0x92: {  	s22 =	smulhi.u32 $0x51EB851F, s22;
	s12 =	sand.u32 $0xFFF0, s12;
	[sflag:s17] =	ssyncset.done $0x0  }
.Ltmp3:
0x93: {  	s12 =	sadd.s32 s12, s14;
	[sflag:s17] =	ssyncadd.s32 $0xFFFFF600;
	(pc) =	sbr.rel @p2 .LBB2_4-.Ltmp3, $4  }
0x94: {  	s14 =	sand.u32 $0xFFE0, s15;
	s15 =	sshrl.u32 s11, $0x10;
	s12 =	sshll.u32 s12, $0x7  }
0x95: {  	[spmem:s3] =	stream.indirect.scatter.add.f32 [tilespmem:s30], [sflag:$0x5], $0x20, s19, s16, $0xb8;
	[tilespmem:$0x127A0] =	vst v63  }
0x96: {  	s12 =	sor.u32 s14, s12;
	s14 =	smul.u32 $0x64, s15;
	_ =	swait.ge [sflag:s26], $0xA00  }
0x97: {  	s15 =	sshrl.u32 s22, $0x7;
	s12 =	sshrl.u32 s12, $0x3;
	[sflag:s26] =	ssyncset.done $0x0  }
0x98: {  	s6 =	sadd.s32 $0x50, s10;
	[sflag:s26] =	ssyncadd.s32 $0xFFFFF600  }
0x99: {  	[tilespmem:s31], [sflag:$0x4] =	stream.indirect.gather.add.f32 [spmem:s2], $0x20, s6, s16, $0xb8;
	[tilespmem:$0x127A0] =	vst v63  }
0x9a: {  	_ =	swait.ge [sflag:s1], $0xA00  }
0x9b: {  	s15 =	smul.u32 $0x1F40, s15;
	s9 =	ssub.s32 s9, s14;
	[sflag:s1] =	ssyncset.done $0x0  }
0x9c: {  	s19 =	sadd.s32 $0x1400, s10;
	s9 =	smul.u32 $0x50, s9;
	[sflag:s1] =	ssyncadd.s32 $0xFFFFF600  }
0x9d: {  	[spmem:s3] =	stream.indirect.scatter.add.f32 [tilespmem:s31], [sflag:$0x6], $0x20, s19, s16, $0xb8;
	[tilespmem:$0x127A0] =	vst v63  }
0x9e: {  	s20 =	sshrl.u32 s11, $0xB;
	s9 =	sand.u32 $0xFFF0, s9;
	_ =	swait.ge [sflag:s18], $0xA00  }
0x9f: {  	s21 =	sadd.s32 s5, s12;
	s6 =	sadd.s32 s9, s15;
	[sflag:s18] =	ssyncset.done $0x0  }
0xa0: {  	s22 =	sand.u32 $0xFFE0, s20;
	s6 =	sshll.u32 s6, $0x7;
	[sflag:s18] =	ssyncadd.s32 $0xFFFFF600  }
0xa1: {  	[tilespmem:s30], [sflag:$0x1] =	stream.strided.gather [hbm4b:s21+s28], $0xA00, s29, s28, $0x38;
	[tilespmem:$0x127A0] =	vst v63  }
0xa2: {  	s6 =	sor.u32 s22, s6;
	_ =	swait.ge [sflag:s25], $0xA00  }
0xa3: {  	s6 =	sshrl.u32 s6, $0x3;
	[sflag:s25] =	ssyncset.done $0x0  }
0xa4: {  	s6 =	sadd.s32 s5, s6;
	[sflag:s25] =	ssyncadd.s32 $0xFFFFF600  }
0xa5: {  	[tilespmem:s31], [sflag:$0x2] =	stream.strided.gather [hbm4b:s6+s28], $0xA00, s29, s28, $0x38;
	[tilespmem:$0x127A0] =	vst v63  }
0xa6: {  	_ =	swait.ge [sflag:s0], $0xA00  }
.Ltmp4:
0xa7: {  	[sflag:s0] =	ssyncset.done $0x0;
	(pc) =	sbr.rel @p1 .LBB2_7-.Ltmp4, $4  }
0xa8: {  	[sflag:s0] =	ssyncadd.s32 $0xFFFFF600  }
0xa9: {  	_ =	swait.ge [sflag:s26], $0xA00  }
0xaa: {  	[sflag:s26] =	ssyncset.done $0x0  }
0xab: {  	[sflag:s26] =	ssyncadd.s32 $0xFFFFF600  }
0xac: {  	s6 =	rddreg [dreg:$0xe]  }
0xad: {  	[tilespmem:s30], [sflag:$0x7] =	stream.strided.gather [hbm4b:s6+s28], $0xA00, s29, s28, $0x38;
	[tilespmem:$0x127A0] =	vst v63  }
0xae: {  	_ =	swait.ge [sflag:s24], $0xA00  }
0xaf: {  	[sflag:s24] =	ssyncset.done $0x0  }
0xb0: {  	s21 =	simm.s32 $0x1360;
	[sflag:s24] =	ssyncadd.s32 $0xFFFFF600  }
0xb1: {  	[tilespmem:s30], [sflag:$0x3] =	stream.indirect.gather.add.f32 [spmem:s2], $0x20, s21, s16, $0xb8;
	[tilespmem:$0x127A0] =	vst v63  }
0xb2: {  	_ =	swait.ge [sflag:s17], $0xA00  }
0xb3: {  	[sflag:s17] =	ssyncset.done $0x0  }
0xb4: {  	s22 =	simm.s32 $0x2710;
	[sflag:s17] =	ssyncadd.s32 $0xFFFFF600  }
0xb5: {  	[spmem:s3] =	stream.indirect.scatter.add.f32 [tilespmem:s30], [sflag:$0x5], $0x20, s22, s16, $0xb8;
	[tilespmem:$0x127A0] =	vst v63  }
.Ltmp5:
0xb6: {  	_ =	swait.ge [sflag:s18], $0xA00;
	(pc) =	sbr.rel .LBB2_8-.Ltmp5, $3  }
0xb7: {  	[sflag:s18] =	ssyncset.done $0x0  }
0xb8: {  	[sflag:s18] =	ssyncadd.s32 $0xFFFFF600  }
0xb9: {  	[bflag:$0x0] =	sbarrier.arrive $0xFFFF;
	_ =	sdelay $0x1  }
.LBB2_7:
.Ltmp6:
0xba: {  	(pc) =	sbr.rel @p0 .LBB2_9-.Ltmp6, $2  }
0xbb: {  	_ =	sdelay $0x1  }
0xbc: {  	[bflag:$0x0] =	sbarrier.arrive $0xFFFF;
	_ =	sdelay $0x1  }
.LBB2_8:
0xbd: {  	s6 =	stileid.u32  }
0xbe: {  	s9 =	rddreg [dreg:$0xf];
	s6 =	sshll.u32 s6, $0x6  }
.Ltmp7:
0xbf: {  	s10 =	rddreg [dreg:$0x12];
	s6 =	sor.u32 $0x1C07, s6;
	(pc) =	sbr.rel .LBB2_10-.Ltmp7, $4  }
0xc0: {  	[hbm:s9], [sflag:s6] =	dma.local [spmem:s10], $0x9C0  }
0xc1: {  	_ =	swait.ge [sflag:s24], $0x9C0  }
0xc2: {  	[sflag:s24] =	ssyncset.done $0x0  }
0xc3: {  	[sflag:s24] =	ssyncadd.s32 $0xFFFFF640  }
.LBB2_11:
0xc4: {  	_ =	sfence.sel $0x180000  }
0xc5: {  	[bflag:$0x0] =	sbarrier.arrive $0xFFFF  }
0xc6: {  	_ =	strace $0x90000047  }
0xc7: {  	s0 =	stileid.u32;
	[bflag:$0x2] =	sbarrier.arrive $0xFFFF  }
0xc8: {  	p0 =	sne.s32 s0, $0x0;
	s0 =	rddreg [dreg:$0x3]  }
0xc9: {  	s0 =	sadd.s32 @!p0 $0x100000, s0  }
0xca: {  	[sflag:s0] =	ssyncadd.tile.s32 @!p0 $0x1;
	_ =	shalt  }
.Lfunc_end2:
_tile_overlayer_lowered:
.L_overlay_start_2:
0xcb: {  	(tag) =	ssettag $0x2  }
0xcc: {  	s0 =	rddreg [dreg:$0x0];
	s2 =	stileid.u32  }
0xcd: {  	s1 =	rddreg [dreg:$0x1];
	p0 =	sne.s32 s2, $0x0  }
0xce: {  	s3 =	rddreg [dreg:$0x2];
	[bflag:$0x3] =	sbarrier.arrive $0xFFFF;
	s2 =	simm.s32 @!p0 $0x1C07  }
0xcf: {  	[timem:s3], [sflag:s2] =	dma.local @!p0 [hbm:s0], s1  }
0xd0: {  	s0 =	simm.s32 @!p0 $0x7  }
0xd1: {  	_ =	swait.ge @!p0 [sflag:s0], s1  }
0xd2: {  	s1 =	ssub.s32 @!p0 $0x0, s1;
	[sflag:s0] =	ssyncset.done @!p0 $0x0  }
0xd3: {  	[sflag:s0] =	ssyncadd.s32 @!p0 s1  }
0xd4: {  	[bflag:$0x3] =	sbarrier.arrive $0xFFFF  }
0xd5: {  	_ =	shalt  }

// kernel: kernel.13.cloned.1.call-start
scs
__scs_entry_jumppad:
0x0: {  	(pc) =	sbr.rel $0x88, $3  }
0x1: {  	(tag) =	ssettag $0x0;
	lr =	simm.s32 $0x1  }
0x2: {  	[smem:$0x3F95] =	sst lr;
	_ =	strace $0xD0000000  }
0x3: {  	_ = 	snop  }
0x4: {  	_ = 	snop  }
0x5: {  	_ = 	snop  }
0x6: {  	_ = 	snop  }
0x7: {  	_ = 	snop  }
__scs_overlays_trampoline_lowered:
0x8: {  	[smem:$0x3FA4] =	sst s0  }
0x9: {  	[smem:$0x3FA5] =	sst s1  }
0xa: {  	[smem:$0x3FA6] =	sst s2  }
0xb: {  	[smem:$0x3FA7] =	sst s3  }
0xc: {  	[smem:$0x3FA8] =	sst s4  }
0xd: {  	[smem:$0x3FA9] =	sst s5  }
0xe: {  	[smem:$0x3FAA] =	sst s6  }
0xf: {  	[smem:$0x3FAB] =	sst s7  }
0x10: {  	[smem:$0x3FAC] =	sst s8  }
0x11: {  	[smem:$0x3FAD] =	sst s9;
	s0 =	simm.s32 @!p0 $0x0  }
0x12: {  	s1 =	sld [smem:$0x3F93];
	s0 =	simm.s32 @p0 $0x1  }
0x13: {  	[smem:$0x3FAE] =	sst s0;
	s0 =	simm.s32 @!p1 $0x0  }
0x14: {  	s2 =	sld [smem:$0x3F92];
	s0 =	simm.s32 @p1 $0x1  }
0x15: {  	[smem:$0x3FAF] =	sst s0;
	s0 =	simm.s32 @!p2 $0x0  }
0x16: {  	s3 =	sld [smem:$0x3FDB];
	s0 =	simm.s32 @p2 $0x1  }
0x17: {  	s4 =	simm.s32 $0x1BF5;
	[smem:$0x3FB1] =	sst s0  }
0x18: {  	s0 =	sld [smem:$0x3F94];
	_ =	swait.ge [sflag:s4], $0x0  }
0x19: {  	s7 =	sld [smem:$0x3F95]  }
0x1a: {  	s8 =	sadd.s32 $0xFFFFE003, lr  }
0x1b: {  	s9 =	sadd.s32 $0xFFFFFEF7, lr;
	s5 =	simm.s32 $0xFFFFFFFF;
	p2 =	slt.u32 s8, $0xFFFFF086  }
0x1c: {  	p1 =	slt.u32 s9, $0xF7A;
	s5 =	simm.s32 @!p2 $0x0  }
0x1d: {  	s5 =	simm.s32 @p1 $0x1;
	p0 =	seq.s32 s7, s2  }
0x1e: {  	s7 =	smul.u32 @!p0 $0xF7A, s2;
	p2 =	seq.s32 @!p0 s5, $0x0  }
0x1f: {  	s9 =	smul.u32 $0xF7A, s1;
	s8 =	simm.s32 @!p0 $0x1BF5;
	p2 =	por !p2, p0  }
0x20: {  	[sflag:s8] =	ssyncset.s32 @!p0 $0xFFFFF086;
	s6 =	sadd.s32 @!p0 s3, s7;
	s7 =	simm.s32 @!p0 $0x108  }
0x21: {  	s3 =	sadd.s32 s3, s9;
	s6 =	sadd.s32 @!p0 $0x88, s6;
	s7 =	simm.s32 @p2 $0x1082  }
0x22: {  	[simem:s7], [sflag:s8] =	dma.local @!p0 [hbm:s6], $0xF7A  }
0x23: {  	s9 =	sor.u32 $0xD0000000, s2;
	s6 =	simm.s32 $0x108;
	_ =	swait.ge @!p0 [sflag:s8], $0x0  }
0x24: {  	s3 =	sadd.s32 $0x88, s3;
	s6 =	simm.s32 @!p1 $0x1082;
	[sflag:s4] =	ssyncset.s32 $0xFFFFF086  }
0x25: {  	[simem:s6], [sflag:s4] =	dma.local [hbm:s3], $0xF7A  }
0x26: {  	[smem:$0x3F95] =	sst s1;
	(tag) =	ssettag s2;
	_ =	strace s9  }
0x27: {  	s1 =	sld [smem:$0x3FA5]  }
0x28: {  	s2 =	sld [smem:$0x3FA6]  }
0x29: {  	s4 =	sld [smem:$0x3FA8]  }
0x2a: {  	p0 =	seq.s32 s5, $0x0;
	s5 =	sld [smem:$0x3FA9]  }
0x2b: {  	s6 =	sld [smem:$0x3FAA]  }
0x2c: {  	s7 =	sld [smem:$0x3FAB]  }
0x2d: {  	s3 =	simm.s32 $0x108;
	s8 =	sld [smem:$0x3FAC]  }
0x2e: {  	s3 =	simm.s32 @!p0 $0x1082;
	s9 =	sld [smem:$0x3FAD]  }
0x2f: {  	lr =	sadd.s32 s0, s3;
	s0 =	sld [smem:$0x3FA4]  }
0x30: {  	s3 =	sld [smem:$0x3FA7]  }
0x31: {  	[smem:$0x3FB0] =	sst s10  }
0x32: {  	s10 =	sld [smem:$0x3FAE];
	_ =	sdelay $0x3  }
0x33: {  	p0 =	seq.s32 s10, $0x1;
	s10 =	sld [smem:$0x3FB0];
	_ =	sdelay $0x3  }
0x34: {  	[smem:$0x3FB0] =	sst s10  }
0x35: {  	s10 =	sld [smem:$0x3FAF];
	_ =	sdelay $0x3  }
0x36: {  	p1 =	seq.s32 s10, $0x1;
	s10 =	sld [smem:$0x3FB0];
	_ =	sdelay $0x3  }
0x37: {  	[smem:$0x3FB0] =	sst s10  }
0x38: {  	s10 =	sld [smem:$0x3FB1]  }
0x39: {  	_ = 	snop;
	(pc) =	sbr.ind lr, $3  }
0x3a: {  	_ = 	snop  }
0x3b: {  	_ = 	snop  }
0x3c: {  	p2 =	seq.s32 s10, $0x1;
	s10 =	sld [smem:$0x3FB0]  }
0x3d: {  	_ =	shalt  }
0x3e: {  	_ =	shalt  }
0x3f: {  	_ =	shalt  }
0x40: {  	_ =	shalt  }
0x41: {  	_ =	shalt  }
0x42: {  	_ =	shalt  }
0x43: {  	_ =	shalt  }
0x44: {  	_ =	shalt  }
0x45: {  	_ =	shalt  }
0x46: {  	_ =	shalt  }
0x47: {  	_ =	shalt  }
0x48: {  	_ =	shalt  }
0x49: {  	_ =	shalt  }
0x4a: {  	_ =	shalt  }
0x4b: {  	_ =	shalt  }
0x4c: {  	_ =	shalt  }
0x4d: {  	_ =	shalt  }
0x4e: {  	_ =	shalt  }
0x4f: {  	_ =	shalt  }
0x50: {  	_ =	shalt  }
0x51: {  	_ =	shalt  }
0x52: {  	_ =	shalt  }
0x53: {  	_ =	shalt  }
0x54: {  	_ =	shalt  }
0x55: {  	_ =	shalt  }
0x56: {  	_ =	shalt  }
0x57: {  	_ =	shalt  }
0x58: {  	_ =	shalt  }
0x59: {  	_ =	shalt  }
0x5a: {  	_ =	shalt  }
0x5b: {  	_ =	shalt  }
0x5c: {  	_ =	shalt  }
0x5d: {  	_ =	shalt  }
0x5e: {  	_ =	shalt  }
0x5f: {  	_ =	shalt  }
0x60: {  	_ =	shalt  }
0x61: {  	_ =	shalt  }
0x62: {  	_ =	shalt  }
0x63: {  	_ =	shalt  }
0x64: {  	_ =	shalt  }
0x65: {  	_ =	shalt  }
0x66: {  	_ =	shalt  }
0x67: {  	_ =	shalt  }
0x68: {  	_ =	shalt  }
0x69: {  	_ =	shalt  }
0x6a: {  	_ =	shalt  }
0x6b: {  	_ =	shalt  }
0x6c: {  	_ =	shalt  }
0x6d: {  	_ =	shalt  }
0x6e: {  	_ =	shalt  }
0x6f: {  	_ =	shalt  }
0x70: {  	_ =	shalt  }
0x71: {  	_ =	shalt  }
0x72: {  	_ =	shalt  }
0x73: {  	_ =	shalt  }
0x74: {  	_ =	shalt  }
0x75: {  	_ =	shalt  }
0x76: {  	_ =	shalt  }
0x77: {  	_ =	shalt  }
0x78: {  	_ =	shalt  }
0x79: {  	_ =	shalt  }
0x7a: {  	_ =	shalt  }
0x7b: {  	_ =	shalt  }
0x7c: {  	_ =	shalt  }
0x7d: {  	_ =	shalt  }
0x7e: {  	_ =	shalt  }
0x7f: {  	_ =	shalt  }
0x80: {  	_ =	shalt  }
0x81: {  	_ =	shalt  }
0x82: {  	_ =	shalt  }
0x83: {  	_ =	shalt  }
0x84: {  	_ =	shalt  }
0x85: {  	_ =	shalt  }
0x86: {  	_ =	shalt  }
0x87: {  	_ =	shalt  }
.Lfunc_end0:
.L_simem_size_0:
called_computation.1_lowered:
.L_overlay_start_0:
0x88: {  	s2 =	sld [smem:$0x3FD9]  }
0x89: {  	s3 =	sld [smem:$0x3FFE];
	_ =	sdelay $0x1  }
0x8a: {  	s1 =	srdreg.scid  }
0x8b: {  	s0 =	sand.u32 $0x1, s1  }
0x8c: {  	s16 =	sshll.u32 s0, $0xA;
	s2 =	sadd.s32 s3, s2  }
0x8d: {  	s2 =	sadd.s32 s2, s16  }
0x8e: {  	[smem:$0x3FBC] =	sst s2  }
0x8f: {  	_ = 	snop  }
0x90: {  	(tm) =	ssettm $0x1  }
0x91: {  	s17 =	sld [smem:$0x3FFB];
	_ =	sdelay $0x3  }
0x92: {  	_ =	strace s17  }
0x93: {  	s2 =	sld [smem:$0x3FFC];
	_ =	sdelay $0x3  }
0x94: {  	_ =	strace s2  }
0x95: {  	s2 =	sld [smem:$0x3FFD];
	_ =	sdelay $0x3  }
0x96: {  	_ =	strace s2  }
0x97: {  	_ =	strace $0x8FFFFFFF  }
0x98: {  	s18 =	sld [smem:$0x3FDB];
	_ =	sdelay $0x1  }
0x99: {  	s19 =	simm.s32 $_scs_section_size  }
0x9a: {  	s4 =	simm.s32 $_size__tile_overlayer_lowered;
	s5 =	simm.s32 $_tile_overlayer_lowered  }
0x9b: {  	s22 =	simm.s32 $0x1BFF;
	s21 =	sshll.u32 s5, $0x1;
	s2 =	sadd.s32 s19, s18  }
0x9c: {  	s6 =	simm.s32 $0x0;
	s20 =	sshll.u32 s4, $0x1;
	s4 =	sadd.s32 s21, s2  }
0x9d: {  	[timem:s6], [sflag:s22] =	dma.local [hbm:s4], s20  }
0x9e: {  	_ =	swait.ge [sflag:s22], s20  }
0x9f: {  	s3 =	ssub.s32 $0x0, s20;
	[sflag:s22] =	ssyncset.done $0x0  }
0xa0: {  	[sflag:s22] =	ssyncadd.s32 s3;
	_ =	sdelay $0x1  }
0xa1: {  	s23 =	simm.s32 $0x1B8B  }
0xa2: {  	_ =	swait.ge [sflag:s23], $0x1  }
0xa3: {  	[sflag:s23] =	ssyncset.done $0x0  }
0xa4: {  	s25 =	simm.s32 $0x1B8E;
	s24 =	sld [smem:$0x3FFE];
	[sflag:s23] =	ssyncadd.s32 $0xFFFFFFFF  }
0xa5: {  	s26 =	simm.s32 $execute0_lowered;
	[smem:$0x3FD2] =	sst s25  }
0xa6: {  	s4 =	sshll.u32 s26, $0x1;
	_ =	strace $0x80000049;
	[dreg:$0x1] =	wrdreg $0xFFFFFFFF  }
0xa7: {  	s28 =	simm.s32 $_size_execute0_lowered;
	s2 =	sadd.s32 s2, s4;
	[dreg:$0x0] =	wrdreg $0x0  }
0xa8: {  	s4 =	sshll.u32 s28, $0x1;
	[dreg:$0x2] =	wrdreg s2  }
0xa9: {  	[dreg:$0x3] =	wrdreg s4  }
0xaa: {  	[dreg:$0x4] =	wrdreg $0xC0  }
0xab: {  	_ =	task [dreg:s6], $0x5FFFF  }
0xac: {  	[dreg:$0x1] =	wrdreg $0xFFFFFFFF  }
0xad: {  	[dreg:$0x0] =	wrdreg $0x60  }
0xae: {  	[dreg:$0x2] =	wrdreg s24  }
0xaf: {  	[dreg:$0x3] =	wrdreg $0x89800  }
0xb0: {  	[dreg:$0x4] =	wrdreg $0x3B600  }
0xb1: {  	[dreg:$0x5] =	wrdreg $0x9  }
0xb2: {  	_ =	task.clear_ibuf [dreg:s6], $0x6FFFF;
	_ =	strace $0x90000049  }
0xb3: {  	s29 =	simm.s32 $0x9;
	_ =	strace $0x8000004B  }
0xb4: {  	_ =	swait.ge [sflag:s29], $0x1  }
0xb5: {  	[sflag:s29] =	ssyncadd.s32 $0xFFFFFFFF  }
0xb6: {  	_ =	strace $0x9000004B  }
0xb7: {  	_ =	sfence  }
0xb8: {  	s30 =	sld [smem:$0x0];
	_ =	sdelay $0x2  }
0xb9: {  	s31 =	sshll.u32 s1, $0xD;
	s1 =	sshrl.u32 s1, $0x2  }
0xba: {  	s3 =	sand.u32 $0x4000, s31;
	s1 =	sadd.s32 s1, s30  }
0xbb: {  	s0 =	sor.u32 s3, s0;
	s1 =	sshll.u32 s1, $0x11  }
0xbc: {  	s0 =	sor.u32 s1, s0  }
0xbd: {  	s0 =	sadd.s32 $0x8F2B, s0  }
0xbe: {  	[sflag:s0] =	ssyncadd.remote.s32 $0x1  }
0xbf: {  	_ =	sfence.sel $0xFFFF  }
0xc0: {  	[dreg:$0x0] =	wrdreg $0xFFFFFFFF;
	(pc) =	sbr.abs _section_cstart, $3  }
0xc1: {  	[dreg:$0x1] =	wrdreg $0xFFFFFFFF  }
0xc2: {  	_ =	task.clear_ibuf [dreg:s6], $0x2FFFF;
	_ =	strace $0x9FFFFFFF  }
0xc3: {  	(tm) =	ssettm $0x7FFFFFFF  }
tec
execute0_lowered:
.L_overlay_start_1:
0x0: {  	(tag) =	ssettag $0x1  }
0x1: {  	s23 =	stileid.u32  }
0x2: {  	s0 =	srdreg.scid;
	s2 =	rddreg [dreg:$0x1]  }
0x3: {  	s3 =	rddreg [dreg:$0x2];
	s11 =	simm.s32 $0x0;
	s29 =	simm.s32 $0x20  }
0x4: {  	s30 =	simm.s32 $0x80;
	s31 =	simm.s32 $0x2760;
	s28 =	simm.s32 $0x3  }
0x5: {  	s0 =	sand.u32 $0x1, s0;
	s1 =	sshll.u32 s23, $0x1;
	s6 =	smul.u32 $0x4E00, s23  }
0x6: {  	[smem:$0x7FF] =	sst s11;
	p0 =	seq.s32 s23, $0xF;
	s8 =	sor.u32 s0, s1  }
0x7: {  	p1 =	sgt.u32 s23, $0x7;
	s1 =	rddreg [dreg:$0x0];
	s4 =	smul.u32 $0x3E, s8  }
0x8: {  	_ =	strace $0x8000004A;
	s24 =	ssub.s32 $0x2, s0;
	s5 =	smul.u32 $0x13D82, s8  }
0x9: {  	s20 =	sshrl.u32 s6, $0x3;
	s13 =	sadd.s32 $0x15400, s1;
	s14 =	sadd.s32 $0xB600, s1  }
0xa: {  	s15 =	sadd.s32 $0xBB600, s1;
	s17 =	smul.u32 $0x1360, s8;
	s7 =	sor.u32 $0x1, s4  }
0xb: {  	s16 =	sadd.s32 $0x1F200, s1;
	s10 =	sshrl.u32 s5, $0x13;
	s9 =	smul.u32 $0x51F, s7  }
0xc: {  	s11 =	sadd.s32 s20, s1;
	s20 =	sshrl.u32 s24, $0x1;
	s5 =	smul.u32 $0x190, s10  }
0xd: {  	s17 =	sshrl.u32 s17, $0x3;
	s11 =	sadd.s32 $0x1800, s11;
	s9 =	sshrl.u32 s9, $0x13  }
0xe: {  	s17 =	sadd.s32 $0x4E20, s17;
	s4 =	ssub.s32 s4, s5;
	s9 =	smul.u32 $0x190, s9  }
0xf: {  	s10 =	smul.u32 $0x1F40, s10;
	[dreg:$0x8] =	wrdreg s11;
	s12 =	sand.u32 $0xFFFE, s4  }
0x10: {  	s11 =	sadd.s32 s6, s3;
	s21 =	smul.u32 $0x290, s12;
	s9 =	ssub.s32 s7, s9  }
0x11: {  	s26 =	sadd.s32 s13, s17;
	s17 =	sadd.s32 s14, s17;
	s22 =	sand.u32 $0xFFFF, s9  }
0x12: {  	[dreg:$0x4] =	wrdreg s26;
	s18 =	sshrl.u32 s21, $0x10;
	s12 =	smul.u32 $0x290, s22  }
0x13: {  	s5 =	sadd.s32 $0xCF000, s1;
	[dreg:$0x5] =	wrdreg s17;
	s19 =	smul.u32 $0x64, s18  }
0x14: {  	s1 =	sadd.s32 $0xAA40, s1;
	s22 =	sor.u32 $0x7C0, s8;
	s8 =	smul.u32 $0x50, s8  }
0x15: {  	[dreg:$0xa] =	wrdreg s1;
	s25 =	smul.u32 $0x51F, s22;
	s12 =	sshrl.u32 s12, $0x10  }
0x16: {  	s7 =	ssub.s32 s24, s20;
	s19 =	ssub.s32 s4, s19;
	s21 =	smul.u32 $0x64, s12  }
0x17: {  	s18 =	sshll.u32 s18, $0x5;
	s4 =	sadd.s32 s6, s2;
	s24 =	smul.u32 $0x50, s19  }
0x18: {  	s8 =	sshrl.u32 s8, $0x3;
	s20 =	sshrl.u32 s25, $0x13;
	s19 =	smul.u32 $0x4E200, s0  }
0x19: {  	s8 =	sadd.s32 $0x9BA0, s8;
	s12 =	sshll.u32 s12, $0x5;
	s0 =	smul.u32 $0x3E, s0  }
0x1a: {  	s20 =	smul.u32 $0x190, s20;
	s13 =	sadd.s32 s13, s8;
	s8 =	sadd.s32 s14, s8  }
0x1b: {  	s9 =	ssub.s32 s9, s21;
	[dreg:$0x6] =	wrdreg s13;
	s17 =	sand.u32 $0xFFE0, s24  }
0x1c: {  	[dreg:$0x7] =	wrdreg s8;
	s25 =	ssub.s32 s22, s20;
	s9 =	smul.u32 $0x50, s9  }
0x1d: {  	s14 =	sadd.s32 s17, s10;
	s20 =	sadd.s32 s6, s19;
	s26 =	sand.u32 $0xFFFF, s25  }
0x1e: {  	s8 =	sshll.u32 s14, $0x7;
	s22 =	sshrl.u32 s20, $0x3;
	s20 =	smul.u32 $0x7C, s23  }
0x1f: {  	s17 =	smul.u32 $0x290, s26;
	s9 =	sand.u32 $0xFFF0, s9;
	s24 =	sadd.s32 s15, s22  }
0x20: {  	s8 =	sor.u32 s18, s8;
	s9 =	sadd.s32 s9, s10;
	[dreg:$0x9] =	wrdreg s24  }
0x21: {  	s0 =	sadd.s32 s0, s20;
	s14 =	sshrl.u32 s17, $0x10;
	s9 =	sshll.u32 s9, $0x7  }
0x22: {  	s20 =	simm.s32 $0x50;
	s21 =	smul.u32 $0x64, s14;
	s9 =	sor.u32 s12, s9  }
0x23: {  	s12 =	sadd.s32 $0x49200, s2;
	s17 =	sshll.u32 s14, $0x5;
	s14 =	sadd.s32 $0x49200, s3  }
0x24: {  	s24 =	sshrl.u32 s9, $0x3;
	s9 =	sadd.s32 $0x2, s0;
	s10 =	ssub.s32 s25, s21  }
0x25: {  	s25 =	sshrl.u32 s19, $0x3;
	s19 =	sadd.s32 s16, s22;
	s21 =	sshrl.u32 s8, $0x3  }
0x26: {  	s26 =	sadd.s32 $0x9240, s25;
	[dreg:$0xd] =	wrdreg s19;
	s6 =	sadd.s32 s5, s21  }
0x27: {  	s10 =	sand.u32 $0xFFFF, s10;
	s18 =	sadd.s32 s15, s26;
	[dreg:$0xe] =	wrdreg s6  }
0x28: {  	s10 =	smul.u32 $0x2800, s10;
	s1 =	sadd.s32 s16, s26;
	[dreg:$0xb] =	wrdreg s18  }
0x29: {  	s6 =	sadd.s32 s5, s24;
	s26 =	smax.u32 s7, $0x1;
	[dreg:$0xc] =	wrdreg s1  }
0x2a: {  	s16 =	simm.s32 $0x1;
	s7 =	simm.s32 $0x0;
	[dreg:$0xf] =	wrdreg s6  }
0x2b: {  	[dreg:$0x11] =	wrdreg s26;
	s26 =	simm.s32 $0x7;
	s1 =	simm.s32 $0x3160  }
.Ltmp0:
0x2c: {  	s6 =	simm.s32 $0x6;
	s10 =	sor.u32 s17, s10;
	(pc) =	sbr.rel .LBB2_1-.Ltmp0, $4  }
0x2d: {  	s22 =	sadd.s32 $0x3E8000, s10;
	s10 =	sadd.s32 $0x3, s0;
	s0 =	sshrl.u32 @p0 s12, $0x3  }
0x2e: {  	s8 =	sshrl.u32 s22, $0x3;
	[dreg:$0x12] =	wrdreg s0;
	s0 =	sshrl.u32 @!p0 s4, $0x3  }
0x2f: {  	s17 =	simm.s32 $0x4;
	s25 =	sadd.s32 s5, s8;
	[dreg:$0x13] =	wrdreg s0  }
0x30: {  	s4 =	simm.s32 $0x5;
	s0 =	simm.s32 $0x2;
	[dreg:$0x10] =	wrdreg s25  }
.LBB2_7:
0x31: {  	s8 =	sshrl.u32 s14, $0x3;
	s12 =	rddreg [dreg:$0xc];
	s13 =	simm.s32 $0x1FC7  }
0x32: {  	[hbm:s12], [sflag:s13] =	dma.local [spmem:s8], $0xA00  }
0x33: {  	_ =	swait.ge [sflag:s26], $0xA00  }
0x34: {  	[sflag:s26] =	ssyncset.done $0x0  }
0x35: {  	[sflag:s26] =	ssyncadd.s32 $0xFFFFF600  }
.LBB2_8:
0x36: {  	s7 =	sadd.s32 $0x1, s7;
	s8 =	rddreg [dreg:$0x11]  }
0x37: {  	p2 =	sne.s32 s7, s8  }
.Ltmp1:
0x38: {  	_ = 	snop;
	(pc) =	sbr.rel @!p2 .LBB2_9-.Ltmp1, $1  }
0x39: {  	_ =	sdelay $0x3  }
.LBB2_1:
0x3a: {  	s12 =	rddreg [dreg:$0xa]  }
0x3b: {  	s8 =	simm.s32 @p0 $0x1FC7;
	s13 =	rddreg [dreg:$0x12]  }
0x3c: {  	[spmem:s13], [sflag:s8] =	dma.local @p0 [hbm:s12], $0xA00  }
0x3d: {  	s12 =	simm.s32 @p0 $0x7  }
0x3e: {  	_ =	swait.ge @p0 [sflag:s12], $0xA00  }
0x3f: {  	[sflag:s12] =	ssyncset.done @p0 $0x0  }
0x40: {  	s13 =	sshrl.u32 @p0 s14, $0x3;
	s15 =	rddreg [dreg:$0xb];
	[sflag:s12] =	ssyncadd.s32 @p0 $0xFFFFF600  }
0x41: {  	[spmem:s13], [sflag:s8] =	dma.local @p0 [hbm:s15], $0xA00  }
0x42: {  	s8 =	stileid.u32;
	_ =	swait.ge @p0 [sflag:s12], $0xA00  }
0x43: {  	s8 =	sshll.u32 @!p0 s8, $0x6;
	[sflag:s12] =	ssyncset.done @p0 $0x0;
	s13 =	rddreg [dreg:$0x13]  }
0x44: {  	s8 =	sor.u32 @!p0 $0x1C07, s8;
	[sflag:s12] =	ssyncadd.s32 @p0 $0xFFFFF600;
	s12 =	rddreg [dreg:$0x8]  }
0x45: {  	[spmem:s13], [sflag:s8] =	dma.local @!p0 [hbm:s12], $0x9C0  }
0x46: {  	s12 =	simm.s32 @!p0 $0x7  }
0x47: {  	_ =	swait.ge @!p0 [sflag:s12], $0x9C0  }
0x48: {  	[sflag:s12] =	ssyncset.done @!p0 $0x0  }
0x49: {  	s13 =	sshrl.u32 @!p0 s11, $0x3;
	s15 =	rddreg [dreg:$0x9];
	[sflag:s12] =	ssyncadd.s32 @!p0 $0xFFFFF640  }
0x4a: {  	[spmem:s13], [sflag:s8] =	dma.local @!p0 [hbm:s15], $0x9C0  }
0x4b: {  	_ =	swait.ge @!p0 [sflag:s12], $0x9C0  }
0x4c: {  	[sflag:s12] =	ssyncset.done @!p0 $0x0  }
0x4d: {  	[sflag:s12] =	ssyncadd.s32 @!p0 $0xFFFFF640  }
0x4e: {  	[bflag:$0x0] =	sbarrier.arrive $0xFFFF  }
0x4f: {  	s21 =	simm.s32 $0x0;
	s22 =	rddreg [dreg:$0x4]  }
0x50: {  	[tilespmem:s21], [sflag:$0x7] =	stream.linear.gather [hbm4b:s22+s21], $0x1360, $0x38;
	[tilespmem:$0xD7A0] =	vst v63  }
0x51: {  	_ =	swait.ge [sflag:s26], $0x1360  }
0x52: {  	[sflag:s26] =	ssyncset.done $0x0  }
0x53: {  	s24 =	simm.s32 $0x13B0;
	s23 =	rddreg [dreg:$0x5];
	[sflag:s26] =	ssyncadd.s32 $0xFFFFECA0  }
0x54: {  	[tilespmem:s24], [sflag:$0x7] =	stream.linear.gather [hbm4b:s23+s21], $0x1360, $0x38;
	[tilespmem:$0xD7A0] =	vst v63  }
0x55: {  	_ =	swait.ge [sflag:s26], $0x1360  }
0x56: {  	s8 =	simm.s32 @!p1 $0x0;
	[sflag:s26] =	ssyncset.done $0x0  }
0x57: {  	s12 =	simm.s32 @!p1 $0x1360;
	s13 =	rddreg [dreg:$0x6];
	[sflag:s26] =	ssyncadd.s32 $0xFFFFECA0  }
0x58: {  	[tilespmem:s12], [sflag:$0x7] =	stream.linear.gather @!p1 [hbm4b:s13+s8], $0x50, $0x38;
	[tilespmem:$0xD7A0] =	vst v63  }
0x59: {  	s12 =	simm.s32 @!p1 $0x7  }
0x5a: {  	_ =	swait.ge @!p1 [sflag:s12], $0x50  }
0x5b: {  	s25 =	smulhi.u32 $0x51EB851F, s9;
	[sflag:s12] =	ssyncset.done @!p1 $0x0  }
0x5c: {  	s13 =	simm.s32 @!p1 $0x2710;
	s15 =	rddreg [dreg:$0x7];
	[sflag:s12] =	ssyncadd.s32 @!p1 $0xFFFFFFB0  }
0x5d: {  	[tilespmem:s13], [sflag:$0x7] =	stream.linear.gather @!p1 [hbm4b:s15+s8], $0x50, $0x38;
	[tilespmem:$0xD7A0] =	vst v63  }
0x5e: {  	s21 =	smulhi.u32 $0x51EB851F, s10;
	s15 =	sshrl.u32 s25, $0x7  }
0x5f: {  	_ =	swait.ge @!p1 [sflag:s12], $0x50;
	s8 =	smul.u32 $0x190, s15  }
0x60: {  	s23 =	sshrl.u32 s21, $0x7;
	s21 =	smul.u32 $0x1F40, s15;
	[sflag:s12] =	ssyncset.done @!p1 $0x0  }
0x61: {  	s13 =	rddreg [dreg:$0xe];
	[sflag:s12] =	ssyncadd.s32 @!p1 $0xFFFFFFB0;
	s22 =	ssub.s32 s9, s8  }
0x62: {  	[tilespmem:s31], [sflag:$0x1] =	stream.strided.gather [hbm4b:s13+s29], $0xA00, s30, s29, $0x38;
	[tilespmem:$0xD7A0] =	vst v63  }
0x63: {  	s19 =	rddreg [dreg:$0xf];
	s18 =	smul.u32 $0x290, s22  }
0x64: {  	[tilespmem:s1], [sflag:$0x2] =	stream.strided.gather [hbm4b:s19+s29], $0xA00, s30, s29, $0x38;
	[tilespmem:$0xD7A0] =	vst v63  }
0x65: {  	s13 =	smul.u32 $0x190, s23;
	s19 =	sshrl.u32 s18, $0x10  }
0x66: {  	s8 =	simm.s32 $0x280;
	s23 =	sadd.s32 $0x1, s9;
	s19 =	smul.u32 $0x64, s19  }
0x67: {  	s24 =	smulhi.u32 $0x51EB851F, s23;
	s18 =	sshrl.u32 s18, $0xB;
	_ =	swait.ge [sflag:s16], $0xA00  }
0x68: {  	s12 =	ssub.s32 s10, s13;
	[sflag:s16] =	ssyncset.done $0x0;
	s15 =	ssub.s32 s22, s19  }
0x69: {  	s13 =	simm.s32 $0x0;
	[sflag:s16] =	ssyncadd.s32 $0xFFFFF600;
	s19 =	smul.u32 $0x50, s15  }
0x6a: {  	[tilespmem:s31], [sflag:$0x3] =	stream.indirect.gather.add.f32 [spmem:s2], $0x20, s13, s20, $0xb8;
	[tilespmem:$0xD7A0] =	vst v63  }
0x6b: {  	s23 =	smov.u32 s10;
	s18 =	sand.u32 $0xFFE0, s18;
	s15 =	smul.u32 $0x290, s12  }
0x6c: {  	s22 =	simm.s32 $0x13B0;
	_ =	swait.ge [sflag:s28], $0xA00;
	s19 =	sand.u32 $0xFFF0, s19  }
0x6d: {  	[sflag:s28] =	ssyncset.done $0x0;
	s25 =	sshrl.u32 s15, $0x10;
	s19 =	sadd.s32 s19, s21  }
0x6e: {  	[sflag:s28] =	ssyncadd.s32 $0xFFFFF600;
	s21 =	sshrl.u32 s24, $0x7;
	s19 =	sshll.u32 s19, $0x7  }
0x6f: {  	[spmem:s3] =	stream.indirect.scatter.add.f32 [tilespmem:s31], [sflag:$0x5], $0x20, s22, s20, $0xb8;
	[tilespmem:$0xD7A0] =	vst v63  }
0x70: {  	s22 =	smov.u32 s9;
	_ =	swait.ge [sflag:s0], $0xA00;
	s18 =	sor.u32 s18, s19  }
0x71: {  	s19 =	smul.u32 $0x64, s25;
	[sflag:s0] =	ssyncset.done $0x0;
	s18 =	sshrl.u32 s18, $0x3  }
.LBB2_2:
0x72: {  	s24 =	sshrl.u32 s15, $0xB  }
0x73: {  	s22 =	sadd.s32 $0x2, s22;
	s23 =	sadd.s32 $0x2, s23;
	s15 =	smov.u32 s8  }
0x74: {  	p2 =	sne.s32 s8, $0x4B00;
	s25 =	sadd.s32 $0x50, s13;
	s21 =	smul.u32 $0x1F40, s21  }
0x75: {  	s13 =	sadd.s32 $0x1400, s13;
	s12 =	ssub.s32 s12, s19;
	[sflag:s0] =	ssyncadd.s32 $0xFFFFF600  }
0x76: {  	[tilespmem:s1], [sflag:$0x4] =	stream.indirect.gather.add.f32 [spmem:s2], $0x20, s25, s20, $0xb8;
	[tilespmem:$0xD7A0] =	vst v63  }
0x77: {  	s8 =	sadd.s32 $0x280, s8;
	s12 =	smul.u32 $0x50, s12;
	_ =	swait.ge [sflag:s17], $0xA00  }
0x78: {  	s19 =	smulhi.u32 $0x51EB851F, s22;
	[sflag:s17] =	ssyncset.done $0x0  }
0x79: {  	s18 =	sadd.s32 s5, s18;
	s12 =	sand.u32 $0xFFF0, s12;
	[sflag:s17] =	ssyncadd.s32 $0xFFFFF600  }
0x7a: {  	[spmem:s3] =	stream.indirect.scatter.add.f32 [tilespmem:s1], [sflag:$0x6], $0x20, s13, s20, $0xb8;
	[tilespmem:$0xD7A0] =	vst v63  }
0x7b: {  	s12 =	sadd.s32 s12, s21;
	s13 =	sand.u32 $0xFFE0, s24;
	_ =	swait.ge [sflag:s4], $0xA00  }
0x7c: {  	s19 =	sshrl.u32 s19, $0x7;
	s12 =	sshll.u32 s12, $0x7;
	[sflag:s4] =	ssyncset.done $0x0  }
0x7d: {  	s21 =	smul.u32 $0x190, s19;
	s12 =	sor.u32 s13, s12;
	[sflag:s4] =	ssyncadd.s32 $0xFFFFF600  }
0x7e: {  	[tilespmem:s31], [sflag:$0x1] =	stream.strided.gather [hbm4b:s18+s29], $0xA00, s30, s29, $0x38;
	[tilespmem:$0xD7A0] =	vst v63  }
0x7f: {  	s13 =	smulhi.u32 $0x51EB851F, s23;
	s18 =	ssub.s32 s22, s21;
	_ =	swait.ge [sflag:s6], $0xA00  }
0x80: {  	s12 =	sshrl.u32 s12, $0x3;
	s21 =	smul.u32 $0x290, s18;
	[sflag:s6] =	ssyncset.done $0x0  }
0x81: {  	s13 =	sshrl.u32 s13, $0x7;
	[sflag:s6] =	ssyncadd.s32 $0xFFFFF600  }
0x82: {  	s13 =	smul.u32 $0x190, s13;
	s24 =	sshrl.u32 s21, $0x10  }
0x83: {  	s12 =	sadd.s32 s5, s12;
	s21 =	sshrl.u32 s21, $0xB;
	s24 =	smul.u32 $0x64, s24  }
0x84: {  	[tilespmem:s1], [sflag:$0x2] =	stream.strided.gather [hbm4b:s12+s29], $0xA00, s30, s29, $0x38;
	[tilespmem:$0xD7A0] =	vst v63  }
0x85: {  	s25 =	sadd.s32 $0x1, s22;
	s19 =	smul.u32 $0x1F40, s19;
	_ =	swait.ge [sflag:s16], $0xA00  }
0x86: {  	s12 =	ssub.s32 s23, s13;
	s18 =	ssub.s32 s18, s24;
	[sflag:s16] =	ssyncset.done $0x0  }
0x87: {  	s13 =	sshra.s32 s15, $0x2;
	s18 =	smul.u32 $0x50, s18;
	[sflag:s16] =	ssyncadd.s32 $0xFFFFF600  }
0x88: {  	[tilespmem:s31], [sflag:$0x3] =	stream.indirect.gather.add.f32 [spmem:s2], $0x20, s13, s20, $0xb8;
	[tilespmem:$0xD7A0] =	vst v63  }
0x89: {  	s24 =	sadd.s32 $0x13B0, s13;
	s15 =	smul.u32 $0x290, s12;
	_ =	swait.ge [sflag:s28], $0xA00  }
0x8a: {  	s25 =	smulhi.u32 $0x51EB851F, s25;
	s18 =	sand.u32 $0xFFF0, s18;
	[sflag:s28] =	ssyncset.done $0x0  }
.Ltmp2:
0x8b: {  	s18 =	sadd.s32 s18, s19;
	[sflag:s28] =	ssyncadd.s32 $0xFFFFF600;
	(pc) =	sbr.rel @p2 .LBB2_2-.Ltmp2, $4  }
0x8c: {  	s19 =	sand.u32 $0xFFE0, s21;
	s21 =	sshrl.u32 s15, $0x10;
	s18 =	sshll.u32 s18, $0x7  }
0x8d: {  	[spmem:s3] =	stream.indirect.scatter.add.f32 [tilespmem:s31], [sflag:$0x5], $0x20, s24, s20, $0xb8;
	[tilespmem:$0xD7A0] =	vst v63  }
0x8e: {  	s18 =	sor.u32 s19, s18;
	s19 =	smul.u32 $0x64, s21;
	_ =	swait.ge [sflag:s0], $0xA00  }
0x8f: {  	s21 =	sshrl.u32 s25, $0x7;
	s18 =	sshrl.u32 s18, $0x3;
	[sflag:s0] =	ssyncset.done $0x0  }
0x90: {  	s8 =	sadd.s32 $0x50, s13;
	[sflag:s0] =	ssyncadd.s32 $0xFFFFF600  }
0x91: {  	[tilespmem:s1], [sflag:$0x4] =	stream.indirect.gather.add.f32 [spmem:s2], $0x20, s8, s20, $0xb8;
	[tilespmem:$0xD7A0] =	vst v63  }
0x92: {  	_ =	swait.ge [sflag:s17], $0xA00  }
0x93: {  	s21 =	smul.u32 $0x1F40, s21;
	s12 =	ssub.s32 s12, s19;
	[sflag:s17] =	ssyncset.done $0x0  }
0x94: {  	s22 =	sadd.s32 $0x1400, s13;
	s12 =	smul.u32 $0x50, s12;
	[sflag:s17] =	ssyncadd.s32 $0xFFFFF600  }
0x95: {  	[spmem:s3] =	stream.indirect.scatter.add.f32 [tilespmem:s1], [sflag:$0x6], $0x20, s22, s20, $0xb8;
	[tilespmem:$0xD7A0] =	vst v63  }
0x96: {  	s23 =	sshrl.u32 s15, $0xB;
	s12 =	sand.u32 $0xFFF0, s12;
	_ =	swait.ge [sflag:s4], $0xA00  }
0x97: {  	s24 =	sadd.s32 s5, s18;
	s8 =	sadd.s32 s12, s21;
	[sflag:s4] =	ssyncset.done $0x0  }
0x98: {  	s25 =	sand.u32 $0xFFE0, s23;
	s8 =	sshll.u32 s8, $0x7;
	[sflag:s4] =	ssyncadd.s32 $0xFFFFF600  }
0x99: {  	[tilespmem:s31], [sflag:$0x1] =	stream.strided.gather [hbm4b:s24+s29], $0xA00, s30, s29, $0x38;
	[tilespmem:$0xD7A0] =	vst v63  }
0x9a: {  	s8 =	sor.u32 s25, s8;
	_ =	swait.ge [sflag:s6], $0xA00  }
0x9b: {  	s8 =	sshrl.u32 s8, $0x3;
	[sflag:s6] =	ssyncset.done $0x0  }
0x9c: {  	s8 =	sadd.s32 s5, s8;
	[sflag:s6] =	ssyncadd.s32 $0xFFFFF600  }
0x9d: {  	[tilespmem:s1], [sflag:$0x2] =	stream.strided.gather [hbm4b:s8+s29], $0xA00, s30, s29, $0x38;
	[tilespmem:$0xD7A0] =	vst v63  }
0x9e: {  	_ =	swait.ge [sflag:s16], $0xA00  }
.Ltmp3:
0x9f: {  	[sflag:s16] =	ssyncset.done $0x0;
	(pc) =	sbr.rel @p1 .LBB2_5-.Ltmp3, $4  }
0xa0: {  	[sflag:s16] =	ssyncadd.s32 $0xFFFFF600  }
0xa1: {  	_ =	swait.ge [sflag:s0], $0xA00  }
0xa2: {  	[sflag:s0] =	ssyncset.done $0x0  }
0xa3: {  	[sflag:s0] =	ssyncadd.s32 $0xFFFFF600  }
0xa4: {  	s8 =	rddreg [dreg:$0x10]  }
0xa5: {  	[tilespmem:s31], [sflag:$0x7] =	stream.strided.gather [hbm4b:s8+s29], $0xA00, s30, s29, $0x38;
	[tilespmem:$0xD7A0] =	vst v63  }
0xa6: {  	_ =	swait.ge [sflag:s26], $0xA00  }
0xa7: {  	[sflag:s26] =	ssyncset.done $0x0  }
0xa8: {  	s24 =	simm.s32 $0x1360;
	[sflag:s26] =	ssyncadd.s32 $0xFFFFF600  }
0xa9: {  	[tilespmem:s31], [sflag:$0x3] =	stream.indirect.gather.add.f32 [spmem:s2], $0x20, s24, s20, $0xb8;
	[tilespmem:$0xD7A0] =	vst v63  }
0xaa: {  	_ =	swait.ge [sflag:s28], $0xA00  }
0xab: {  	[sflag:s28] =	ssyncset.done $0x0  }
0xac: {  	s25 =	simm.s32 $0x2710;
	[sflag:s28] =	ssyncadd.s32 $0xFFFFF600  }
0xad: {  	[spmem:s3] =	stream.indirect.scatter.add.f32 [tilespmem:s31], [sflag:$0x5], $0x20, s25, s20, $0xb8;
	[tilespmem:$0xD7A0] =	vst v63  }
.Ltmp4:
0xae: {  	_ =	swait.ge [sflag:s4], $0xA00;
	(pc) =	sbr.rel .LBB2_6-.Ltmp4, $3  }
0xaf: {  	[sflag:s4] =	ssyncset.done $0x0  }
0xb0: {  	[sflag:s4] =	ssyncadd.s32 $0xFFFFF600  }
0xb1: {  	[bflag:$0x0] =	sbarrier.arrive $0xFFFF;
	_ =	sdelay $0x1  }
.LBB2_5:
.Ltmp5:
0xb2: {  	(pc) =	sbr.rel @p0 .LBB2_7-.Ltmp5, $2  }
0xb3: {  	_ =	sdelay $0x1  }
0xb4: {  	[bflag:$0x0] =	sbarrier.arrive $0xFFFF;
	_ =	sdelay $0x1  }
.LBB2_6:
0xb5: {  	s8 =	stileid.u32  }
0xb6: {  	s12 =	sshrl.u32 s11, $0x3;
	s8 =	sshll.u32 s8, $0x6  }
.Ltmp6:
0xb7: {  	s13 =	rddreg [dreg:$0xd];
	s8 =	sor.u32 $0x1C07, s8;
	(pc) =	sbr.rel .LBB2_8-.Ltmp6, $4  }
0xb8: {  	[hbm:s13], [sflag:s8] =	dma.local [spmem:s12], $0x9C0  }
0xb9: {  	_ =	swait.ge [sflag:s26], $0x9C0  }
0xba: {  	[sflag:s26] =	ssyncset.done $0x0  }
0xbb: {  	[sflag:s26] =	ssyncadd.s32 $0xFFFFF640  }
.LBB2_9:
0xbc: {  	_ =	sfence.sel $0x180000  }
0xbd: {  	[bflag:$0x0] =	sbarrier.arrive $0xFFFF  }
0xbe: {  	_ =	strace $0x9000004A  }
0xbf: {  	s0 =	stileid.u32;
	[bflag:$0x2] =	sbarrier.arrive $0xFFFF  }
0xc0: {  	p0 =	sne.s32 s0, $0x0;
	s0 =	rddreg [dreg:$0x3]  }
0xc1: {  	s0 =	sadd.s32 @!p0 $0x100000, s0  }
0xc2: {  	[sflag:s0] =	ssyncadd.tile.s32 @!p0 $0x1;
	_ =	shalt  }
.Lfunc_end2:
_tile_overlayer_lowered:
.L_overlay_start_2:
0xc3: {  	(tag) =	ssettag $0x2  }
0xc4: {  	s0 =	rddreg [dreg:$0x0];
	s2 =	stileid.u32  }
0xc5: {  	s1 =	rddreg [dreg:$0x1];
	p0 =	sne.s32 s2, $0x0  }
0xc6: {  	s3 =	rddreg [dreg:$0x2];
	[bflag:$0x3] =	sbarrier.arrive $0xFFFF;
	s2 =	simm.s32 @!p0 $0x1C07  }
0xc7: {  	[timem:s3], [sflag:s2] =	dma.local @!p0 [hbm:s0], s1  }
0xc8: {  	s0 =	simm.s32 @!p0 $0x7  }
0xc9: {  	_ =	swait.ge @!p0 [sflag:s0], s1  }
0xca: {  	s1 =	ssub.s32 @!p0 $0x0, s1;
	[sflag:s0] =	ssyncset.done @!p0 $0x0  }
0xcb: {  	[sflag:s0] =	ssyncadd.s32 @!p0 s1  }
0xcc: {  	[bflag:$0x3] =	sbarrier.arrive $0xFFFF  }
0xcd: {  	_ =	shalt  }

// kernel: kernel.16.cloned.1.call-start
scs
__scs_entry_jumppad:
0x0: {  	(pc) =	sbr.rel $0x88, $3  }
0x1: {  	(tag) =	ssettag $0x0;
	lr =	simm.s32 $0x1  }
0x2: {  	[smem:$0x3F95] =	sst lr;
	_ =	strace $0xD0000000  }
0x3: {  	_ = 	snop  }
0x4: {  	_ = 	snop  }
0x5: {  	_ = 	snop  }
0x6: {  	_ = 	snop  }
0x7: {  	_ = 	snop  }
__scs_overlays_trampoline_lowered:
0x8: {  	[smem:$0x3FA4] =	sst s0  }
0x9: {  	[smem:$0x3FA5] =	sst s1  }
0xa: {  	[smem:$0x3FA6] =	sst s2  }
0xb: {  	[smem:$0x3FA7] =	sst s3  }
0xc: {  	[smem:$0x3FA8] =	sst s4  }
0xd: {  	[smem:$0x3FA9] =	sst s5  }
0xe: {  	[smem:$0x3FAA] =	sst s6  }
0xf: {  	[smem:$0x3FAB] =	sst s7  }
0x10: {  	[smem:$0x3FAC] =	sst s8  }
0x11: {  	[smem:$0x3FAD] =	sst s9;
	s0 =	simm.s32 @!p0 $0x0  }
0x12: {  	s1 =	sld [smem:$0x3F93];
	s0 =	simm.s32 @p0 $0x1  }
0x13: {  	[smem:$0x3FAE] =	sst s0;
	s0 =	simm.s32 @!p1 $0x0  }
0x14: {  	s2 =	sld [smem:$0x3F92];
	s0 =	simm.s32 @p1 $0x1  }
0x15: {  	[smem:$0x3FAF] =	sst s0;
	s0 =	simm.s32 @!p2 $0x0  }
0x16: {  	s3 =	sld [smem:$0x3FDB];
	s0 =	simm.s32 @p2 $0x1  }
0x17: {  	s4 =	simm.s32 $0x1BF5;
	[smem:$0x3FB1] =	sst s0  }
0x18: {  	s0 =	sld [smem:$0x3F94];
	_ =	swait.ge [sflag:s4], $0x0  }
0x19: {  	s7 =	sld [smem:$0x3F95]  }
0x1a: {  	s8 =	sadd.s32 $0xFFFFE003, lr  }
0x1b: {  	s9 =	sadd.s32 $0xFFFFFEF7, lr;
	s5 =	simm.s32 $0xFFFFFFFF;
	p2 =	slt.u32 s8, $0xFFFFF086  }
0x1c: {  	p1 =	slt.u32 s9, $0xF7A;
	s5 =	simm.s32 @!p2 $0x0  }
0x1d: {  	s5 =	simm.s32 @p1 $0x1;
	p0 =	seq.s32 s7, s2  }
0x1e: {  	s7 =	smul.u32 @!p0 $0xF7A, s2;
	p2 =	seq.s32 @!p0 s5, $0x0  }
0x1f: {  	s9 =	smul.u32 $0xF7A, s1;
	s8 =	simm.s32 @!p0 $0x1BF5;
	p2 =	por !p2, p0  }
0x20: {  	[sflag:s8] =	ssyncset.s32 @!p0 $0xFFFFF086;
	s6 =	sadd.s32 @!p0 s3, s7;
	s7 =	simm.s32 @!p0 $0x108  }
0x21: {  	s3 =	sadd.s32 s3, s9;
	s6 =	sadd.s32 @!p0 $0x88, s6;
	s7 =	simm.s32 @p2 $0x1082  }
0x22: {  	[simem:s7], [sflag:s8] =	dma.local @!p0 [hbm:s6], $0xF7A  }
0x23: {  	s9 =	sor.u32 $0xD0000000, s2;
	s6 =	simm.s32 $0x108;
	_ =	swait.ge @!p0 [sflag:s8], $0x0  }
0x24: {  	s3 =	sadd.s32 $0x88, s3;
	s6 =	simm.s32 @!p1 $0x1082;
	[sflag:s4] =	ssyncset.s32 $0xFFFFF086  }
0x25: {  	[simem:s6], [sflag:s4] =	dma.local [hbm:s3], $0xF7A  }
0x26: {  	[smem:$0x3F95] =	sst s1;
	(tag) =	ssettag s2;
	_ =	strace s9  }
0x27: {  	s1 =	sld [smem:$0x3FA5]  }
0x28: {  	s2 =	sld [smem:$0x3FA6]  }
0x29: {  	s4 =	sld [smem:$0x3FA8]  }
0x2a: {  	p0 =	seq.s32 s5, $0x0;
	s5 =	sld [smem:$0x3FA9]  }
0x2b: {  	s6 =	sld [smem:$0x3FAA]  }
0x2c: {  	s7 =	sld [smem:$0x3FAB]  }
0x2d: {  	s3 =	simm.s32 $0x108;
	s8 =	sld [smem:$0x3FAC]  }
0x2e: {  	s3 =	simm.s32 @!p0 $0x1082;
	s9 =	sld [smem:$0x3FAD]  }
0x2f: {  	lr =	sadd.s32 s0, s3;
	s0 =	sld [smem:$0x3FA4]  }
0x30: {  	s3 =	sld [smem:$0x3FA7]  }
0x31: {  	[smem:$0x3FB0] =	sst s10  }
0x32: {  	s10 =	sld [smem:$0x3FAE];
	_ =	sdelay $0x3  }
0x33: {  	p0 =	seq.s32 s10, $0x1;
	s10 =	sld [smem:$0x3FB0];
	_ =	sdelay $0x3  }
0x34: {  	[smem:$0x3FB0] =	sst s10  }
0x35: {  	s10 =	sld [smem:$0x3FAF];
	_ =	sdelay $0x3  }
0x36: {  	p1 =	seq.s32 s10, $0x1;
	s10 =	sld [smem:$0x3FB0];
	_ =	sdelay $0x3  }
0x37: {  	[smem:$0x3FB0] =	sst s10  }
0x38: {  	s10 =	sld [smem:$0x3FB1]  }
0x39: {  	_ = 	snop;
	(pc) =	sbr.ind lr, $3  }
0x3a: {  	_ = 	snop  }
0x3b: {  	_ = 	snop  }
0x3c: {  	p2 =	seq.s32 s10, $0x1;
	s10 =	sld [smem:$0x3FB0]  }
0x3d: {  	_ =	shalt  }
0x3e: {  	_ =	shalt  }
0x3f: {  	_ =	shalt  }
0x40: {  	_ =	shalt  }
0x41: {  	_ =	shalt  }
0x42: {  	_ =	shalt  }
0x43: {  	_ =	shalt  }
0x44: {  	_ =	shalt  }
0x45: {  	_ =	shalt  }
0x46: {  	_ =	shalt  }
0x47: {  	_ =	shalt  }
0x48: {  	_ =	shalt  }
0x49: {  	_ =	shalt  }
0x4a: {  	_ =	shalt  }
0x4b: {  	_ =	shalt  }
0x4c: {  	_ =	shalt  }
0x4d: {  	_ =	shalt  }
0x4e: {  	_ =	shalt  }
0x4f: {  	_ =	shalt  }
0x50: {  	_ =	shalt  }
0x51: {  	_ =	shalt  }
0x52: {  	_ =	shalt  }
0x53: {  	_ =	shalt  }
0x54: {  	_ =	shalt  }
0x55: {  	_ =	shalt  }
0x56: {  	_ =	shalt  }
0x57: {  	_ =	shalt  }
0x58: {  	_ =	shalt  }
0x59: {  	_ =	shalt  }
0x5a: {  	_ =	shalt  }
0x5b: {  	_ =	shalt  }
0x5c: {  	_ =	shalt  }
0x5d: {  	_ =	shalt  }
0x5e: {  	_ =	shalt  }
0x5f: {  	_ =	shalt  }
0x60: {  	_ =	shalt  }
0x61: {  	_ =	shalt  }
0x62: {  	_ =	shalt  }
0x63: {  	_ =	shalt  }
0x64: {  	_ =	shalt  }
0x65: {  	_ =	shalt  }
0x66: {  	_ =	shalt  }
0x67: {  	_ =	shalt  }
0x68: {  	_ =	shalt  }
0x69: {  	_ =	shalt  }
0x6a: {  	_ =	shalt  }
0x6b: {  	_ =	shalt  }
0x6c: {  	_ =	shalt  }
0x6d: {  	_ =	shalt  }
0x6e: {  	_ =	shalt  }
0x6f: {  	_ =	shalt  }
0x70: {  	_ =	shalt  }
0x71: {  	_ =	shalt  }
0x72: {  	_ =	shalt  }
0x73: {  	_ =	shalt  }
0x74: {  	_ =	shalt  }
0x75: {  	_ =	shalt  }
0x76: {  	_ =	shalt  }
0x77: {  	_ =	shalt  }
0x78: {  	_ =	shalt  }
0x79: {  	_ =	shalt  }
0x7a: {  	_ =	shalt  }
0x7b: {  	_ =	shalt  }
0x7c: {  	_ =	shalt  }
0x7d: {  	_ =	shalt  }
0x7e: {  	_ =	shalt  }
0x7f: {  	_ =	shalt  }
0x80: {  	_ =	shalt  }
0x81: {  	_ =	shalt  }
0x82: {  	_ =	shalt  }
0x83: {  	_ =	shalt  }
0x84: {  	_ =	shalt  }
0x85: {  	_ =	shalt  }
0x86: {  	_ =	shalt  }
0x87: {  	_ =	shalt  }
.Lfunc_end0:
.L_simem_size_0:
called_computation.2_lowered:
.L_overlay_start_0:
0x88: {  	s2 =	sld [smem:$0x3FD9]  }
0x89: {  	s3 =	sld [smem:$0x3FFE];
	_ =	sdelay $0x1  }
0x8a: {  	s1 =	srdreg.scid  }
0x8b: {  	s0 =	sand.u32 $0x1, s1  }
0x8c: {  	s17 =	sshll.u32 s0, $0xA;
	s2 =	sadd.s32 s3, s2  }
0x8d: {  	s2 =	sadd.s32 s2, s17  }
0x8e: {  	[smem:$0x3FBC] =	sst s2  }
0x8f: {  	_ = 	snop  }
0x90: {  	s2 =	sld [smem:$0x3FD0];
	(tm) =	ssettm $0x1  }
0x91: {  	s18 =	sld [smem:$0x3FFB];
	_ =	sdelay $0x3  }
0x92: {  	_ =	strace s18  }
0x93: {  	s3 =	sld [smem:$0x3FFC];
	_ =	sdelay $0x3  }
0x94: {  	_ =	strace s3  }
0x95: {  	s3 =	sld [smem:$0x3FFD];
	_ =	sdelay $0x3  }
0x96: {  	_ =	strace s3  }
0x97: {  	_ =	strace $0x8FFFFFFF  }
0x98: {  	s19 =	sld [smem:$0x3FDB];
	_ =	sdelay $0x1  }
0x99: {  	s4 =	simm.s32 $_scs_section_size  }
0x9a: {  	s5 =	simm.s32 $_size__tile_overlayer_lowered;
	s6 =	simm.s32 $_tile_overlayer_lowered  }
0x9b: {  	s22 =	simm.s32 $0x1BFF;
	s21 =	sshll.u32 s6, $0x1;
	s3 =	sadd.s32 s4, s19  }
0x9c: {  	s7 =	simm.s32 $0x0;
	s20 =	sshll.u32 s5, $0x1;
	s5 =	sadd.s32 s21, s3  }
0x9d: {  	[timem:s7], [sflag:s22] =	dma.local [hbm:s5], s20  }
0x9e: {  	_ =	swait.ge [sflag:s22], s20  }
0x9f: {  	s4 =	ssub.s32 $0x0, s20;
	[sflag:s22] =	ssyncset.done $0x0  }
0xa0: {  	[sflag:s22] =	ssyncadd.s32 s4;
	_ =	sdelay $0x1  }
0xa1: {  	s23 =	simm.s32 $0x1B8B  }
0xa2: {  	_ =	swait.ge [sflag:s23], $0x1  }
0xa3: {  	[sflag:s23] =	ssyncset.done $0x0  }
0xa4: {  	s25 =	simm.s32 $0x1B8E;
	s24 =	sld [smem:$0x3FFE];
	[sflag:s23] =	ssyncadd.s32 $0xFFFFFFFF  }
0xa5: {  	s26 =	simm.s32 $execute0_lowered;
	[smem:$0x3FD2] =	sst s25  }
0xa6: {  	s5 =	sshll.u32 s26, $0x1;
	_ =	strace $0x8000004C;
	[dreg:$0x1] =	wrdreg $0xFFFFFFFF  }
0xa7: {  	s28 =	simm.s32 $_size_execute0_lowered;
	s3 =	sadd.s32 s3, s5;
	[dreg:$0x0] =	wrdreg $0x0  }
0xa8: {  	s5 =	sshll.u32 s28, $0x1;
	[dreg:$0x2] =	wrdreg s3  }
0xa9: {  	[dreg:$0x3] =	wrdreg s5  }
0xaa: {  	[dreg:$0x4] =	wrdreg $0xC0  }
0xab: {  	_ =	task [dreg:s7], $0x5FFFF  }
0xac: {  	[dreg:$0x1] =	wrdreg $0xFFFFFFFF  }
0xad: {  	[dreg:$0x0] =	wrdreg $0x60  }
0xae: {  	[dreg:$0x2] =	wrdreg s24  }
0xaf: {  	[dreg:$0x3] =	wrdreg s2  }
0xb0: {  	[dreg:$0x4] =	wrdreg $0x9  }
0xb1: {  	_ =	task.clear_ibuf [dreg:s7], $0x5FFFF;
	_ =	strace $0x9000004C  }
0xb2: {  	s29 =	simm.s32 $0x9;
	_ =	strace $0x8000004E  }
0xb3: {  	_ =	swait.ge [sflag:s29], $0x1  }
0xb4: {  	[sflag:s29] =	ssyncadd.s32 $0xFFFFFFFF  }
0xb5: {  	_ =	strace $0x9000004E  }
0xb6: {  	_ =	sfence  }
0xb7: {  	s30 =	sld [smem:$0x0];
	_ =	sdelay $0x2  }
0xb8: {  	s31 =	sshll.u32 s1, $0xD;
	s1 =	sshrl.u32 s1, $0x2  }
0xb9: {  	s3 =	sand.u32 $0x4000, s31;
	s1 =	sadd.s32 s1, s30  }
0xba: {  	s0 =	sor.u32 s3, s0;
	s1 =	sshll.u32 s1, $0x11  }
0xbb: {  	s0 =	sor.u32 s1, s0  }
0xbc: {  	s0 =	sadd.s32 $0x8F2B, s0  }
0xbd: {  	[sflag:s0] =	ssyncadd.remote.s32 $0x1  }
0xbe: {  	_ =	sfence.sel $0xFFFF  }
0xbf: {  	[dreg:$0x0] =	wrdreg $0xFFFFFFFF;
	(pc) =	sbr.abs _section_cstart, $3  }
0xc0: {  	[dreg:$0x1] =	wrdreg $0xFFFFFFFF  }
0xc1: {  	_ =	task.clear_ibuf [dreg:s7], $0x2FFFF;
	_ =	strace $0x9FFFFFFF  }
0xc2: {  	(tm) =	ssettm $0x7FFFFFFF  }
0xc3: {  	_ =	shalt  }
tec
execute0_lowered:
.L_overlay_start_1:
0x0: {  	(tag) =	ssettag $0x1  }
0x1: {  	s1 =	srdreg.scid;
	s0 =	stileid.u32  }
0x2: {  	s8 =	rddreg [dreg:$0x0];
	s12 =	sand.u32 $0x1, s1;
	s3 =	sshll.u32 s0, $0x1  }
0x3: {  	s9 =	rddreg [dreg:$0x1];
	s2 =	simm.s32 $0x0;
	s10 =	sor.u32 s12, s3  }
0x4: {  	s4 =	simm.s32 $0x2;
	[smem:$0x7FF] =	sst s2;
	s3 =	sshll.u32 s10, $0x4  }
0x5: {  	s1 =	rddreg [dreg:$0x2];
	_ =	strace $0x8000004D;
	s3 =	sadd.s32 s9, s3  }
0x6: {  	[tilespmem:s2], [sflag:$0x2] =	stream.linear.gather [hbm4b:s3+s2], $0x80, $0x38;
	[tilespmem:$0x4080] =	vst v63  }
0x7: {  	_ =	swait.ge [sflag:s4], $0x80  }
0x8: {  	s6 =	simm.s32 $0x80;
	s7 =	simm.s32 $0x1;
	[sflag:s4] =	ssyncset.done $0x0  }
0x9: {  	s5 =	sadd.s32 $0x1800, s8;
	p0 =	sgt.u32 s0, $0x3;
	[sflag:s4] =	ssyncadd.s32 $0xFFFFFF80  }
0xa: {  	[tilespmem:s6], [sflag:$0x1] =	stream.indirect.gather [hbm4b:s5+s6], $0x80, s2, s6, $0xb8;
	[tilespmem:$0x4080] =	vst v63  }
0xb: {  	s14 =	sadd.s32 $0x28A00, s8;
	s11 =	simm.s32 @!p0 $0x0;
	_ =	swait.ge [sflag:s7], $0x4000  }
0xc: {  	s16 =	ssub.s32 $0x2, s12;
	s31 =	sshll.u32 s10, $0xB;
	[sflag:s7] =	ssyncset.done $0x0  }
0xd: {  	s10 =	sshll.u32 s10, $0x7;
	s8 =	sadd.s32 s14, s31;
	[sflag:s7] =	ssyncadd.s32 $0xFFFFC000  }
0xe: {  	[hbm4b:s8+s2] =	stream.linear.scatter [tilespmem:s6], [sflag:$0x2], $0x4000, $0x38;
	[tilespmem:$0x4080] =	vst v63  }
0xf: {  	s12 =	simm.s32 @!p0 $0x80;
	s15 =	sor.u32 $0x1000, s10;
	_ =	swait.ge [sflag:s4], $0x4000  }
0x10: {  	s17 =	sshrl.u32 s16, $0x1;
	s10 =	sshrl.u32 s15, $0x3;
	[sflag:s4] =	ssyncset.done $0x0  }
0x11: {  	s9 =	sadd.s32 s9, s10;
	s10 =	simm.s32 @!p0 $0x2;
	[sflag:s4] =	ssyncadd.s32 $0xFFFFC000  }
0x12: {  	[tilespmem:s11], [sflag:$0x2] =	stream.linear.gather @!p0 [hbm4b:s9+s11], $0x80, $0x38;
	[tilespmem:$0x4080] =	vst v63  }
0x13: {  	s13 =	simm.s32 @!p0 $0x1;
	s16 =	ssub.s32 s16, s17;
	_ =	swait.ge @!p0 [sflag:s10], $0x80  }
0x14: {  	s15 =	sshll.u32 s15, $0x4;
	s16 =	smax.u32 s16, $0x1;
	[sflag:s10] =	ssyncset.done @!p0 $0x0  }
0x15: {  	s14 =	sadd.s32 s14, s15;
	s15 =	sadd.s32 $0xFFFFFFFF, s16;
	[sflag:s10] =	ssyncadd.s32 @!p0 $0xFFFFFF80  }
0x16: {  	[tilespmem:s12], [sflag:$0x1] =	stream.indirect.gather @!p0 [hbm4b:s5+s12], $0x80, s11, s12, $0xb8;
	[tilespmem:$0x4080] =	vst v63  }
0x17: {  	p1 =	sne.s32 s15, $0x0;
	_ =	swait.ge @!p0 [sflag:s13], $0x4000  }
.Ltmp0:
0x18: {  	[sflag:s13] =	ssyncset.done @!p0 $0x0;
	(pc) =	sbr.rel @!p1 .LBB2_2-.Ltmp0, $4  }
0x19: {  	[sflag:s13] =	ssyncadd.s32 @!p0 $0xFFFFC000  }
0x1a: {  	[hbm4b:s14+s11] =	stream.linear.scatter @!p0 [tilespmem:s12], [sflag:$0x2], $0x4000, $0x38;
	[tilespmem:$0x4080] =	vst v63  }
0x1b: {  	_ =	swait.ge @!p0 [sflag:s10], $0x4000  }
0x1c: {  	[sflag:s10] =	ssyncset.done @!p0 $0x0  }
.LBB2_1:
0x1d: {  	s15 =	sadd.s32 $0xFFFFFFFF, s15;
	[sflag:s10] =	ssyncadd.s32 @!p0 $0xFFFFC000  }
0x1e: {  	[tilespmem:s2], [sflag:$0x2] =	stream.linear.gather [hbm4b:s3+s2], $0x80, $0x38;
	[tilespmem:$0x4080] =	vst v63  }
0x1f: {  	p1 =	sne.s32 s15, $0x0;
	_ =	swait.ge [sflag:s4], $0x80  }
0x20: {  	[sflag:s4] =	ssyncset.done $0x0  }
0x21: {  	[sflag:s4] =	ssyncadd.s32 $0xFFFFFF80  }
0x22: {  	[tilespmem:s6], [sflag:$0x1] =	stream.indirect.gather [hbm4b:s5+s6], $0x80, s2, s6, $0xb8;
	[tilespmem:$0x4080] =	vst v63  }
0x23: {  	_ =	swait.ge [sflag:s7], $0x4000  }
0x24: {  	[sflag:s7] =	ssyncset.done $0x0  }
0x25: {  	[sflag:s7] =	ssyncadd.s32 $0xFFFFC000  }
0x26: {  	[hbm4b:s8+s2] =	stream.linear.scatter [tilespmem:s6], [sflag:$0x2], $0x4000, $0x38;
	[tilespmem:$0x4080] =	vst v63  }
0x27: {  	_ =	swait.ge [sflag:s4], $0x4000  }
0x28: {  	[sflag:s4] =	ssyncset.done $0x0  }
0x29: {  	[sflag:s4] =	ssyncadd.s32 $0xFFFFC000  }
0x2a: {  	[tilespmem:s11], [sflag:$0x2] =	stream.linear.gather @!p0 [hbm4b:s9+s11], $0x80, $0x38;
	[tilespmem:$0x4080] =	vst v63  }
0x2b: {  	_ =	swait.ge @!p0 [sflag:s10], $0x80  }
0x2c: {  	[sflag:s10] =	ssyncset.done @!p0 $0x0  }
0x2d: {  	[sflag:s10] =	ssyncadd.s32 @!p0 $0xFFFFFF80  }
0x2e: {  	[tilespmem:s12], [sflag:$0x1] =	stream.indirect.gather @!p0 [hbm4b:s5+s12], $0x80, s11, s12, $0xb8;
	[tilespmem:$0x4080] =	vst v63  }
0x2f: {  	_ =	swait.ge @!p0 [sflag:s13], $0x4000  }
.Ltmp1:
0x30: {  	[sflag:s13] =	ssyncset.done @!p0 $0x0;
	(pc) =	sbr.rel @p1 .LBB2_1-.Ltmp1, $4  }
0x31: {  	[sflag:s13] =	ssyncadd.s32 @!p0 $0xFFFFC000  }
0x32: {  	[hbm4b:s14+s11] =	stream.linear.scatter @!p0 [tilespmem:s12], [sflag:$0x2], $0x4000, $0x38;
	[tilespmem:$0x4080] =	vst v63  }
0x33: {  	_ =	swait.ge @!p0 [sflag:s10], $0x4000  }
0x34: {  	[sflag:s10] =	ssyncset.done @!p0 $0x0  }
.LBB2_2:
0x35: {  	[sflag:s10] =	ssyncadd.s32 @!p0 $0xFFFFC000  }
0x36: {  	_ =	sfence.sel $0x180000  }
0x37: {  	[bflag:$0x0] =	sbarrier.arrive $0xFFFF  }
0x38: {  	p0 =	sne.s32 s0, $0x0;
	_ =	strace $0x9000004D  }
0x39: {  	s0 =	sadd.s32 @!p0 $0x100000, s1;
	[bflag:$0x2] =	sbarrier.arrive $0xFFFF  }
0x3a: {  	[sflag:s0] =	ssyncadd.tile.s32 @!p0 $0x1;
	_ =	shalt  }
.Lfunc_end2:
_tile_overlayer_lowered:
.L_overlay_start_2:
0x3b: {  	(tag) =	ssettag $0x2  }
0x3c: {  	s0 =	rddreg [dreg:$0x0];
	s2 =	stileid.u32  }
0x3d: {  	s1 =	rddreg [dreg:$0x1];
	p0 =	sne.s32 s2, $0x0  }
0x3e: {  	s3 =	rddreg [dreg:$0x2];
	[bflag:$0x3] =	sbarrier.arrive $0xFFFF;
	s2 =	simm.s32 @!p0 $0x1C02  }
0x3f: {  	[timem:s3], [sflag:s2] =	dma.local @!p0 [hbm:s0], s1  }
0x40: {  	s0 =	simm.s32 @!p0 $0x2  }
0x41: {  	_ =	swait.ge @!p0 [sflag:s0], s1  }
0x42: {  	s1 =	ssub.s32 @!p0 $0x0, s1;
	[sflag:s0] =	ssyncset.done @!p0 $0x0  }
0x43: {  	[sflag:s0] =	ssyncadd.s32 @!p0 s1  }
0x44: {  	[bflag:$0x3] =	sbarrier.arrive $0xFFFF  }
0x45: {  	_ =	shalt  }

</sc_bundles>
